<compile_context>
chip_gen: v7x
topology: tpu7x:2x2x1
jax: 0.10.2.dev20260603
libtpu: 0.0.44.dev20260713+nightly
codegen_flags: <defaults>
</compile_context>

<pallas_src>
import functools

import jax
import jax.numpy as jnp
from jax import lax
from jax.experimental import pallas as pl
from jax.experimental.pallas import tpu as pltpu
from jax.experimental.pallas import tpu_sc as plsc

B = 16
P = 2048
K = 20
RB = 512
NB = P // RB
N_EDGE = B * P * K


def _knn_body(cols, xf_ref, xr_ref, idx_ref):
    b = pl.program_id(0)
    rb = pl.program_id(1)
    xf = xf_ref[0][:, :cols]
    xr = xr_ref[0][:, :cols]
    sq = jnp.sum(xf * xf, axis=1)
    sqr = jnp.sum(xr * xr, axis=1)
    dot = lax.dot_general(xr, xf, (((1,), (1,)), ((), ())),
                          preferred_element_type=jnp.float32)
    d = sqr[:, None] + sq[None, :] - 2.0 * dot
    col = lax.broadcasted_iota(jnp.int32, (RB, P), 1)
    row_g = rb * RB + lax.broadcasted_iota(jnp.int32, (RB, P), 0)
    d = jnp.where(col == row_g, d + 1e10, d)
    outs = []
    for _ in range(K):
        i = jnp.argmin(d, axis=1).astype(jnp.int32)[:, None]
        outs.append(i)
        d = jnp.where(col == i, jnp.float32(jnp.inf), d)
    idx = jnp.concatenate(outs, axis=1)
    idx_ref[0] = idx + b * P


def _knn(xc, cols):
    nc, cp = xc.shape[0], xc.shape[-1]
    return pl.pallas_call(
        functools.partial(_knn_body, cols),
        grid=(nc, NB),
        in_specs=[pl.BlockSpec((1, P, cp), lambda b, r: (b, 0, 0)),
                  pl.BlockSpec((1, RB, cp), lambda b, r: (b, r, 0))],
        out_specs=pl.BlockSpec((1, RB, K), lambda b, r: (b, r, 0)),
        out_shape=jax.ShapeDtypeStruct((nc, P, K), jnp.int32),
    )(xc, xc)


_SC_CH = 128


def _make_sc_gather(n, d):
    mesh = plsc.VectorSubcoreMesh(core_axis_name="c", subcore_axis_name="s")
    nw = 32
    n_w = n // nw
    n_ch = n_w // _SC_CH

    @functools.partial(
        pl.kernel, mesh=mesh,
        out_type=jax.ShapeDtypeStruct((n, d), jnp.float32),
        scratch_types=[pltpu.VMEM((n_w,), jnp.int32),
                       pltpu.VMEM((_SC_CH, d), jnp.float32),
                       pltpu.VMEM((_SC_CH, d), jnp.float32),
                       pltpu.SemaphoreType.DMA,
                       pltpu.SemaphoreType.DMA,
                       pltpu.SemaphoreType.DMA,
                       pltpu.SemaphoreType.DMA],
    )
    def gk(idx_hbm, table_hbm, out_hbm, idx_v, rows0, rows1,
           sg0, sg1, sw0, sw1):
        wid = lax.axis_index("s") * 2 + lax.axis_index("c")
        w_base = wid * n_w
        pltpu.sync_copy(idx_hbm.at[pl.ds(w_base, n_w)], idx_v)

        def body(j, carry):
            a = 2 * j * _SC_CH
            b = a + _SC_CH

            @pl.when(j > 0)
            def _():
                pltpu.make_async_copy(
                    rows0, out_hbm.at[pl.ds(w_base, _SC_CH)], sw0).wait()
                pltpu.make_async_copy(
                    rows1, out_hbm.at[pl.ds(w_base, _SC_CH)], sw1).wait()

            ga = pltpu.async_copy(
                table_hbm.at[idx_v.at[pl.ds(a, _SC_CH)]], rows0, sg0)
            gb = pltpu.async_copy(
                table_hbm.at[idx_v.at[pl.ds(b, _SC_CH)]], rows1, sg1)
            ga.wait()
            pltpu.async_copy(rows0, out_hbm.at[pl.ds(w_base + a, _SC_CH)],
                             sw0)
            gb.wait()
            pltpu.async_copy(rows1, out_hbm.at[pl.ds(w_base + b, _SC_CH)],
                             sw1)
            return carry

        lax.fori_loop(0, n_ch // 2, body, 0)
        pltpu.make_async_copy(
            rows0, out_hbm.at[pl.ds(w_base, _SC_CH)], sw0).wait()
        pltpu.make_async_copy(
            rows1, out_hbm.at[pl.ds(w_base, _SC_CH)], sw1).wait()

    return gk


_sc_gather_cache = {}


def _sc_gather(idx, table):
    key = (idx.shape[0], table.shape[-1])
    if key not in _sc_gather_cache:
        _sc_gather_cache[key] = _make_sc_gather(*key)
    return _sc_gather_cache[key](idx, table)


def _ec1_body(g_ref, x_ref, wa_ref, ba_ref, wb_ref, bb_ref, wc_ref, bc_ref,
              o_ref):
    xj = g_ref[...][:, :3].reshape(RB, K, 3)
    xi = x_ref[...].reshape(RB, 1, 3)
    msg = jnp.concatenate([jnp.broadcast_to(xi, (RB, K, 3)), xj - xi],
                          axis=2).reshape(RB * K, 6)
    h = jnp.maximum(jnp.dot(msg, wa_ref[...],
                            preferred_element_type=jnp.float32)
                    + ba_ref[...], 0.0)
    h = jnp.maximum(jnp.dot(h, wb_ref[...],
                            preferred_element_type=jnp.float32)
                    + bb_ref[...], 0.0)
    h = jnp.maximum(jnp.dot(h, wc_ref[...],
                            preferred_element_type=jnp.float32)
                    + bc_ref[...], 0.0)
    o = jnp.max(h.reshape(RB, K, 64), axis=1)
    o_ref[...] = jnp.concatenate(
        [o, jnp.zeros((RB, 64), jnp.float32)], axis=1)


def _ec1(g1, x, w1a, b1a, w1b, b1b, w1c, b1c):
    nblk = g1.shape[0] // (RB * K)
    return pl.pallas_call(
        _ec1_body,
        grid=(nblk,),
        in_specs=[pl.BlockSpec((RB * K, 128), lambda i: (i, 0)),
                  pl.BlockSpec((RB, 3), lambda i: (i, 0)),
                  pl.BlockSpec((6, 64), lambda i: (0, 0)),
                  pl.BlockSpec((1, 64), lambda i: (0, 0)),
                  pl.BlockSpec((64, 64), lambda i: (0, 0)),
                  pl.BlockSpec((1, 64), lambda i: (0, 0)),
                  pl.BlockSpec((64, 64), lambda i: (0, 0)),
                  pl.BlockSpec((1, 64), lambda i: (0, 0))],
        out_specs=pl.BlockSpec((RB, 128), lambda i: (i, 0)),
        out_shape=jax.ShapeDtypeStruct((nblk * RB, 128), jnp.float32),
    )(g1, x, w1a, b1a, w1b, b1b, w1c, b1c)


def _final_body(g_ref, o1_ref, w2_ref, b2_ref, wp_ref, bp_ref, pool_ref):
    rb = pl.program_id(1)
    xj = g_ref[...][:, :64].reshape(RB, K, 64)
    xi = o1_ref[...][:, :64].reshape(RB, 1, 64)
    msg = jnp.concatenate([jnp.broadcast_to(xi, (RB, K, 64)), xj - xi],
                          axis=2).reshape(RB * K, 128)
    h = jnp.maximum(jnp.dot(msg, w2_ref[...],
                            preferred_element_type=jnp.float32)
                    + b2_ref[...], 0.0)
    o2 = jnp.max(h.reshape(RB, K, 128), axis=1)
    h = jnp.maximum(jnp.dot(o2, wp_ref[...],
                            preferred_element_type=jnp.float32)
                    + bp_ref[...], 0.0)
    pm = jnp.max(h, axis=0, keepdims=True)

    @pl.when(rb == 0)
    def _():
        pool_ref[0] = pm

    @pl.when(rb != 0)
    def _():
        pool_ref[0] = jnp.maximum(pool_ref[0], pm)


def _final(g2, o1p, w2, b2, wp, bp):
    nc = o1p.shape[0] // P
    return pl.pallas_call(
        _final_body,
        grid=(nc, NB),
        in_specs=[pl.BlockSpec((RB * K, 128), lambda b, r: (b * NB + r, 0)),
                  pl.BlockSpec((RB, 128), lambda b, r: (b * NB + r, 0)),
                  pl.BlockSpec((128, 128), lambda b, r: (0, 0)),
                  pl.BlockSpec((1, 128), lambda b, r: (0, 0)),
                  pl.BlockSpec((128, 512), lambda b, r: (0, 0)),
                  pl.BlockSpec((1, 512), lambda b, r: (0, 0))],
        out_specs=pl.BlockSpec((1, 1, 512), lambda b, r: (b, 0, 0)),
        out_shape=jax.ShapeDtypeStruct((nc, 1, 512), jnp.float32),
    )(g2, o1p, w2, b2, wp, bp)


def _head_body(pool_ref, wt1_ref, bt1_ref, wt2_ref, bt2_ref, o_ref):
    h = jnp.maximum(jnp.dot(pool_ref[...], wt1_ref[...],
                            preferred_element_type=jnp.float32)
                    + bt1_ref[...], 0.0)
    o_ref[...] = jnp.dot(h, wt2_ref[...],
                         preferred_element_type=jnp.float32) + bt2_ref[...]


def _head(pooled, wt1, bt1, wt2, bt2):
    return pl.pallas_call(
        _head_body,
        out_shape=jax.ShapeDtypeStruct((B, 40), jnp.float32),
    )(pooled, wt1, bt1, wt2, bt2)


def kernel(x, batch, W1a, b1a, W1b, b1b, W1c, b1c, W2, b2, Wp, bp,
           Wt1, bt1, Wt2, bt2):
    del batch
    nsplit = 4
    nc = B // nsplit
    pooled = []
    for s in range(nsplit):
        xs = x[s * nc * P:(s + 1) * nc * P]
        xp = jnp.pad(xs, ((0, 0), (0, 125)))
        idx1 = _knn(xp.reshape(nc, P, 128), 3)
        g1 = _sc_gather(idx1.reshape(-1), xp)
        o1p = _ec1(g1, xs, W1a, b1a.reshape(1, 64), W1b,
                   b1b.reshape(1, 64), W1c, b1c.reshape(1, 64))
        idx2 = _knn(o1p.reshape(nc, P, 128), 64)
        g2 = _sc_gather(idx2.reshape(-1), o1p)
        pooled.append(_final(g2, o1p, W2, b2.reshape(1, 128),
                             Wp, bp.reshape(1, 512)).reshape(nc, 512))
    pooled = jnp.concatenate(pooled, axis=0)
    return _head(pooled, Wt1, bt1.reshape(1, 256), Wt2, bt2.reshape(1, 40))

# --- scband reference (transcript-rebuilt; emitter-appended) ---
"""Pipeline reference for scband-dgcnnclassification-28965259444561 (READ-ONLY COPY).

The authoritative reference and input builder live on the scoring server;
editing this copy changes nothing except your own understanding.
"""

import jax, jax.numpy as jnp
import numpy as np

B = 16
P = 2048
K = 20

def _knn_idx(feat, k):
    # feat: [B, P, C] -> idx: [B, P, k] nearest neighbors (loop=False)
    sq = jnp.sum(feat * feat, axis=-1)  # [B, P]
    d = sq[:, :, None] + sq[:, None, :] - 2.0 * jnp.einsum('bpc,bqc->bpq', feat, feat)
    n = feat.shape[1]
    d = d + jnp.eye(n, dtype=feat.dtype) * 1e10  # exclude self-loops
    _, idx = jax.lax.top_k(-d, k)
    return idx

def _edge_conv(feat, idx, mlp):
    # feat: [B, P, C], idx: [B, P, k]; EdgeConv message nn([x_i, x_j - x_i]), max aggr
    nbr = jax.vmap(lambda f, i: f[i])(feat, idx)              # [B, P, k, C] gather
    xi = jnp.broadcast_to(feat[:, :, None, :], nbr.shape)      # [B, P, k, C]
    msg = jnp.concatenate([xi, nbr - xi], axis=-1)             # [B, P, k, 2C]
    return jnp.max(mlp(msg), axis=2)                           # [B, P, Cout]

def setup_inputs(seed: int = 0):
    key = jax.random.key(seed)
    ks = jax.random.split(key, 12)
    x = jax.random.normal(ks[0], (B * P, 3), dtype=jnp.float32)
    # sorted segment ids; equal-sized clouds so per-cloud kNN can be batched by reshape
    batch = jnp.repeat(jnp.arange(B, dtype=jnp.int32), P)
    def lin(k_, fi, fo):
        return jax.random.normal(k_, (fi, fo), dtype=jnp.float32) * (1.0 / np.sqrt(fi))
    inp = {
        'x': x, 'batch': batch,
        'W1a': lin(ks[1], 6, 64),   'b1a': jnp.zeros((64,), jnp.float32),
        'W1b': lin(ks[2], 64, 64),  'b1b': jnp.zeros((64,), jnp.float32),
        'W1c': lin(ks[3], 64, 64),  'b1c': jnp.zeros((64,), jnp.float32),
        'W2':  lin(ks[4], 128, 128),'b2':  jnp.zeros((128,), jnp.float32),
        'Wp':  lin(ks[5], 128, 512),'bp':  jnp.zeros((512,), jnp.float32),
        'Wt1': lin(ks[6], 512, 256),'bt1': jnp.zeros((256,), jnp.float32),
        'Wt2': lin(ks[7], 256, 40), 'bt2': jnp.zeros((40,), jnp.float32),
    }
    return inp

def reference(x, batch, W1a, b1a, W1b, b1b, W1c, b1c, W2, b2, Wp, bp, Wt1, bt1, Wt2, bt2):
    relu = jax.nn.relu
    def mlp1(h):
        h = relu(h @ W1a + b1a)
        h = relu(h @ W1b + b1b)
        h = relu(h @ W1c + b1c)
        return h
    def mlp2(h):
        return relu(h @ W2 + b2)
    out = x.reshape(B, P, 3)
    idx1 = _knn_idx(out, K)            # dynamic kNN on xyz
    out = _edge_conv(out, idx1, mlp1)  # [B, P, 64]
    idx2 = _knn_idx(out, K)            # dynamic kNN on learned features
    out = _edge_conv(out, idx2, mlp2)  # [B, P, 128]
    out = relu(out @ Wp + bp)          # [B, P, 512]
    flat = out.reshape(B * P, 512)
    pooled = jax.ops.segment_max(flat, batch, num_segments=B)  # global_max_pool
    h = relu(pooled @ Wt1 + bt1)
    logits = h @ Wt2 + bt2             # [B, 40]
    return logits

if __name__ == "__main__":
    import jax
    _d = setup_inputs()
    print(jax.jit(kernel)(*tuple(_d.values())))

</pallas_src>

<mosaic_0001>
#map = affine_map<(d0, d1) -> (0)>
#map1 = affine_map<(d0, d1) -> (0, 0)>
module attributes {stable_mosaic.version = 14 : i64} {
  func.func @gk(%arg0: i32, %arg1: i32, %arg2: memref<163840xi32, #tpu.memory_space<hbm>>, %arg3: memref<8192x128xf32, #tpu.memory_space<hbm>>, %arg4: memref<163840x128xf32, #tpu.memory_space<hbm>>, %arg5: memref<5120xi32, #tpu.memory_space<vmem>>, %arg6: memref<128x128xf32, #tpu.memory_space<vmem>>, %arg7: memref<128x128xf32, #tpu.memory_space<vmem>>, %arg8: memref<!tpu.dma_semaphore, #tpu.memory_space<semaphore_mem>>, %arg9: memref<!tpu.dma_semaphore, #tpu.memory_space<semaphore_mem>>, %arg10: memref<!tpu.dma_semaphore, #tpu.memory_space<semaphore_mem>>, %arg11: memref<!tpu.dma_semaphore, #tpu.memory_space<semaphore_mem>>) attributes {dimension_semantics = [#tpu.dimension_semantics<core_parallel>, #tpu.dimension_semantics<subcore_parallel>], iteration_bounds = array<i64: 2, 16>, scalar_prefetch = 0 : i64, scratch_operands = 7 : i64, tpu.core_type = #tpu.core_type<sc_vector_subcore>, window_params = [{transform_indices = #map}, {transform_indices = #map1}, {transform_indices = #map1}]} {
    %mul3A = arith.constant 2 : i32
    %mul3A_0 = arith.muli %arg1, %mul3A : i32
    %add3A = arith.addi %mul3A_0, %arg0 : i32
    %mul3A_1 = arith.constant 5120 : i32
    %mul3A_2 = arith.muli %add3A, %mul3A_1 : i32
    "tpu.region"() ({
      %run_scoped3A = tpu.sem_alloc : memref<!tpu.dma_semaphore, #tpu.memory_space<semaphore_mem>>
      %dma_start3A = tpu.memref_slice %arg2[%mul3A_2] : memref<163840xi32, #tpu.memory_space<hbm>> -> memref<5120xi32, #tpu.memory_space<hbm>>
      %dma_start3A_15 = tpu.memref_slice %arg2[%mul3A_2] : memref<163840xi32, #tpu.memory_space<hbm>> -> memref<5120xi32, #tpu.memory_space<hbm>>
      tpu.enqueue_dma source(%dma_start3A_15 : memref<5120xi32, #tpu.memory_space<hbm>>) target(%arg5 : memref<5120xi32, #tpu.memory_space<vmem>>) target_semaphore(%run_scoped3A : memref<!tpu.dma_semaphore, #tpu.memory_space<semaphore_mem>>)
      %dma_wait3A_16 = tpu.memref_slice %arg2[%mul3A_2] : memref<163840xi32, #tpu.memory_space<hbm>> -> memref<5120xi32, #tpu.memory_space<hbm>>
      %dma_wait3A_17 = tpu.memref_slice %arg2[%mul3A_2] : memref<163840xi32, #tpu.memory_space<hbm>> -> memref<5120xi32, #tpu.memory_space<hbm>>
      tpu.wait_dma2 semaphore(%run_scoped3A : memref<!tpu.dma_semaphore, #tpu.memory_space<semaphore_mem>>) src(%dma_wait3A_17 : memref<5120xi32, #tpu.memory_space<hbm>>) dst(%arg5 : memref<5120xi32, #tpu.memory_space<vmem>>)
      tpu.yield
    }) : () -> ()
    %scan3A = arith.constant 0 : i32
    %scan3A_3 = arith.constant 0 : i32
    %scan3A_4 = arith.constant 20 : i32
    %scan3A_5 = arith.addi %scan3A_3, %scan3A_4 : i32
    %scan3A_6 = arith.constant 1 : i32
    scf.for %scan3A_15 = %scan3A_3 to %scan3A_5 step %scan3A_6  : i32 {
      %mul3A_16 = arith.constant 2 : i32
      %mul3A_17 = arith.muli %mul3A_16, %scan3A_15 : i32
      %mul3A_18 = arith.constant 128 : i32
      %mul3A_19 = arith.muli %mul3A_17, %mul3A_18 : i32
      %add3A_20 = arith.constant 128 : i32
      %add3A_21 = arith.addi %mul3A_19, %add3A_20 : i32
      %gt3A = arith.constant 0 : i32
      %gt3A_22 = arith.cmpi sgt, %scan3A_15, %gt3A : i32
      %convert_element_type3A = arith.extui %gt3A_22 : i1 to i32
      %cond3A = arith.constant 0 : i32
      %cond3A_23 = arith.cmpi ne, %convert_element_type3A, %cond3A : i32
      scf.if %cond3A_23 {
        %dma_wait3A_49 = arith.constant 0 : i32
        %dma_wait3A_50 = tpu.memref_slice %arg4[%mul3A_2, %dma_wait3A_49] : memref<163840x128xf32, #tpu.memory_space<hbm>> -> memref<128x128xf32, #tpu.memory_space<hbm>>
        %dma_wait3A_51 = arith.constant 0 : i32
        %dma_wait3A_52 = tpu.memref_slice %arg4[%mul3A_2, %dma_wait3A_51] : memref<163840x128xf32, #tpu.memory_space<hbm>> -> memref<128x128xf32, #tpu.memory_space<hbm>>
        tpu.wait_dma2 semaphore(%arg10 : memref<!tpu.dma_semaphore, #tpu.memory_space<semaphore_mem>>) src(%arg6 : memref<128x128xf32, #tpu.memory_space<vmem>>) dst(%dma_wait3A_52 : memref<128x128xf32, #tpu.memory_space<hbm>>)
        %dma_wait3A_53 = arith.constant 0 : i32
        %dma_wait3A_54 = tpu.memref_slice %arg4[%mul3A_2, %dma_wait3A_53] : memref<163840x128xf32, #tpu.memory_space<hbm>> -> memref<128x128xf32, #tpu.memory_space<hbm>>
        %dma_wait3A_55 = arith.constant 0 : i32
        %dma_wait3A_56 = tpu.memref_slice %arg4[%mul3A_2, %dma_wait3A_55] : memref<163840x128xf32, #tpu.memory_space<hbm>> -> memref<128x128xf32, #tpu.memory_space<hbm>>
        tpu.wait_dma2 semaphore(%arg11 : memref<!tpu.dma_semaphore, #tpu.memory_space<semaphore_mem>>) src(%arg7 : memref<128x128xf32, #tpu.memory_space<vmem>>) dst(%dma_wait3A_56 : memref<128x128xf32, #tpu.memory_space<hbm>>)
      } else {
      }
      %dma_start3A = tpu.memref_slice %arg5[%mul3A_19] : memref<5120xi32, #tpu.memory_space<vmem>> -> memref<128xi32, #tpu.memory_space<vmem>>
      %dma_start3A_24 = arith.constant 0 : i32
      %dma_start3A_25 = arith.constant 0 : i32
      %dma_start3A_26 = tpu.memref_slice %arg3[%dma_start3A_24, %dma_start3A_25] : memref<8192x128xf32, #tpu.memory_space<hbm>> -> memref<8192x128xf32, #tpu.memory_space<hbm>>
      tpu.enqueue_indirect_dma source(%dma_start3A_26 : memref<8192x128xf32, #tpu.memory_space<hbm>>) target(%arg6 : memref<128x128xf32, #tpu.memory_space<vmem>>) offsets(%dma_start3A : memref<128xi32, #tpu.memory_space<vmem>>) semaphore(%arg8 : memref<!tpu.dma_semaphore, #tpu.memory_space<semaphore_mem>>)
      %dma_start3A_27 = tpu.memref_slice %arg5[%add3A_21] : memref<5120xi32, #tpu.memory_space<vmem>> -> memref<128xi32, #tpu.memory_space<vmem>>
      %dma_start3A_28 = arith.constant 0 : i32
      %dma_start3A_29 = arith.constant 0 : i32
      %dma_start3A_30 = tpu.memref_slice %arg3[%dma_start3A_28, %dma_start3A_29] : memref<8192x128xf32, #tpu.memory_space<hbm>> -> memref<8192x128xf32, #tpu.memory_space<hbm>>
      tpu.enqueue_indirect_dma source(%dma_start3A_30 : memref<8192x128xf32, #tpu.memory_space<hbm>>) target(%arg7 : memref<128x128xf32, #tpu.memory_space<vmem>>) offsets(%dma_start3A_27 : memref<128xi32, #tpu.memory_space<vmem>>) semaphore(%arg9 : memref<!tpu.dma_semaphore, #tpu.memory_space<semaphore_mem>>)
      %dma_wait3A_31 = tpu.memref_slice %arg5[%mul3A_19] : memref<5120xi32, #tpu.memory_space<vmem>> -> memref<128xi32, #tpu.memory_space<vmem>>
      %dma_wait3A_32 = arith.constant 0 : i32
      %dma_wait3A_33 = arith.constant 0 : i32
      %dma_wait3A_34 = tpu.memref_slice %arg3[%dma_wait3A_32, %dma_wait3A_33] : memref<8192x128xf32, #tpu.memory_space<hbm>> -> memref<8192x128xf32, #tpu.memory_space<hbm>>
      tpu.wait_indirect_dma semaphore(%arg8 : memref<!tpu.dma_semaphore, #tpu.memory_space<semaphore_mem>>) src(%dma_wait3A_34 : memref<8192x128xf32, #tpu.memory_space<hbm>>) dst(%arg6 : memref<128x128xf32, #tpu.memory_space<vmem>>)
      %add3A_35 = arith.addi %mul3A_2, %mul3A_19 : i32
      %dma_start3A_36 = arith.constant 0 : i32
      %dma_start3A_37 = tpu.memref_slice %arg4[%add3A_35, %dma_start3A_36] : memref<163840x128xf32, #tpu.memory_space<hbm>> -> memref<128x128xf32, #tpu.memory_space<hbm>>
      %dma_start3A_38 = arith.constant 0 : i32
      %dma_start3A_39 = tpu.memref_slice %arg4[%add3A_35, %dma_start3A_38] : memref<163840x128xf32, #tpu.memory_space<hbm>> -> memref<128x128xf32, #tpu.memory_space<hbm>>
      tpu.enqueue_dma source(%arg6 : memref<128x128xf32, #tpu.memory_space<vmem>>) target(%dma_start3A_39 : memref<128x128xf32, #tpu.memory_space<hbm>>) target_semaphore(%arg10 : memref<!tpu.dma_semaphore, #tpu.memory_space<semaphore_mem>>)
      %dma_wait3A_40 = tpu.memref_slice %arg5[%add3A_21] : memref<5120xi32, #tpu.memory_space<vmem>> -> memref<128xi32, #tpu.memory_space<vmem>>
      %dma_wait3A_41 = arith.constant 0 : i32
      %dma_wait3A_42 = arith.constant 0 : i32
      %dma_wait3A_43 = tpu.memref_slice %arg3[%dma_wait3A_41, %dma_wait3A_42] : memref<8192x128xf32, #tpu.memory_space<hbm>> -> memref<8192x128xf32, #tpu.memory_space<hbm>>
      tpu.wait_indirect_dma semaphore(%arg9 : memref<!tpu.dma_semaphore, #tpu.memory_space<semaphore_mem>>) src(%dma_wait3A_43 : memref<8192x128xf32, #tpu.memory_space<hbm>>) dst(%arg7 : memref<128x128xf32, #tpu.memory_space<vmem>>)
      %add3A_44 = arith.addi %mul3A_2, %add3A_21 : i32
      %dma_start3A_45 = arith.constant 0 : i32
      %dma_start3A_46 = tpu.memref_slice %arg4[%add3A_44, %dma_start3A_45] : memref<163840x128xf32, #tpu.memory_space<hbm>> -> memref<128x128xf32, #tpu.memory_space<hbm>>
      %dma_start3A_47 = arith.constant 0 : i32
      %dma_start3A_48 = tpu.memref_slice %arg4[%add3A_44, %dma_start3A_47] : memref<163840x128xf32, #tpu.memory_space<hbm>> -> memref<128x128xf32, #tpu.memory_space<hbm>>
      tpu.enqueue_dma source(%arg7 : memref<128x128xf32, #tpu.memory_space<vmem>>) target(%dma_start3A_48 : memref<128x128xf32, #tpu.memory_space<hbm>>) target_semaphore(%arg11 : memref<!tpu.dma_semaphore, #tpu.memory_space<semaphore_mem>>)
    }
    %scan3A_7 = arith.constant 20 : i32
    %dma_wait3A = arith.constant 0 : i32
    %dma_wait3A_8 = tpu.memref_slice %arg4[%mul3A_2, %dma_wait3A] : memref<163840x128xf32, #tpu.memory_space<hbm>> -> memref<128x128xf32, #tpu.memory_space<hbm>>
    %dma_wait3A_9 = arith.constant 0 : i32
    %dma_wait3A_10 = tpu.memref_slice %arg4[%mul3A_2, %dma_wait3A_9] : memref<163840x128xf32, #tpu.memory_space<hbm>> -> memref<128x128xf32, #tpu.memory_space<hbm>>
    tpu.wait_dma2 semaphore(%arg10 : memref<!tpu.dma_semaphore, #tpu.memory_space<semaphore_mem>>) src(%arg6 : memref<128x128xf32, #tpu.memory_space<vmem>>) dst(%dma_wait3A_10 : memref<128x128xf32, #tpu.memory_space<hbm>>)
    %dma_wait3A_11 = arith.constant 0 : i32
    %dma_wait3A_12 = tpu.memref_slice %arg4[%mul3A_2, %dma_wait3A_11] : memref<163840x128xf32, #tpu.memory_space<hbm>> -> memref<128x128xf32, #tpu.memory_space<hbm>>
    %dma_wait3A_13 = arith.constant 0 : i32
    %dma_wait3A_14 = tpu.memref_slice %arg4[%mul3A_2, %dma_wait3A_13] : memref<163840x128xf32, #tpu.memory_space<hbm>> -> memref<128x128xf32, #tpu.memory_space<hbm>>
    tpu.wait_dma2 semaphore(%arg11 : memref<!tpu.dma_semaphore, #tpu.memory_space<semaphore_mem>>) src(%arg7 : memref<128x128xf32, #tpu.memory_space<vmem>>) dst(%dma_wait3A_14 : memref<128x128xf32, #tpu.memory_space<hbm>>)
    return
  }
}

#map = affine_map<(d0, d1) -> (0)>
#map1 = affine_map<(d0, d1) -> (0, 0)>
module attributes {stable_mosaic.version = 14 : i64} {
  func.func @gk(%arg0: i32, %arg1: i32, %arg2: memref<163840xi32, #tpu.memory_space<hbm>>, %arg3: memref<8192x128xf32, #tpu.memory_space<hbm>>, %arg4: memref<163840x128xf32, #tpu.memory_space<hbm>>, %arg5: memref<5120xi32, #tpu.memory_space<vmem>>, %arg6: memref<128x128xf32, #tpu.memory_space<vmem>>, %arg7: memref<128x128xf32, #tpu.memory_space<vmem>>, %arg8: memref<!tpu.dma_semaphore, #tpu.memory_space<semaphore_mem>>, %arg9: memref<!tpu.dma_semaphore, #tpu.memory_space<semaphore_mem>>, %arg10: memref<!tpu.dma_semaphore, #tpu.memory_space<semaphore_mem>>, %arg11: memref<!tpu.dma_semaphore, #tpu.memory_space<semaphore_mem>>) attributes {dimension_semantics = [#tpu.dimension_semantics<core_parallel>, #tpu.dimension_semantics<subcore_parallel>], iteration_bounds = array<i64: 2, 16>, scalar_prefetch = 0 : i64, scratch_operands = 7 : i64, tpu.core_type = #tpu.core_type<sc_vector_subcore>, window_params = [{transform_indices = #map}, {transform_indices = #map1}, {transform_indices = #map1}]} {
    %mul3A = arith.constant 2 : i32
    %mul3A_0 = arith.muli %arg1, %mul3A : i32
    %add3A = arith.addi %mul3A_0, %arg0 : i32
    %mul3A_1 = arith.constant 5120 : i32
    %mul3A_2 = arith.muli %add3A, %mul3A_1 : i32
    "tpu.region"() ({
      %run_scoped3A = tpu.sem_alloc : memref<!tpu.dma_semaphore, #tpu.memory_space<semaphore_mem>>
      %dma_start3A = tpu.memref_slice %arg2[%mul3A_2] : memref<163840xi32, #tpu.memory_space<hbm>> -> memref<5120xi32, #tpu.memory_space<hbm>>
      %dma_start3A_15 = tpu.memref_slice %arg2[%mul3A_2] : memref<163840xi32, #tpu.memory_space<hbm>> -> memref<5120xi32, #tpu.memory_space<hbm>>
      tpu.enqueue_dma source(%dma_start3A_15 : memref<5120xi32, #tpu.memory_space<hbm>>) target(%arg5 : memref<5120xi32, #tpu.memory_space<vmem>>) target_semaphore(%run_scoped3A : memref<!tpu.dma_semaphore, #tpu.memory_space<semaphore_mem>>)
      %dma_wait3A_16 = tpu.memref_slice %arg2[%mul3A_2] : memref<163840xi32, #tpu.memory_space<hbm>> -> memref<5120xi32, #tpu.memory_space<hbm>>
      %dma_wait3A_17 = tpu.memref_slice %arg2[%mul3A_2] : memref<163840xi32, #tpu.memory_space<hbm>> -> memref<5120xi32, #tpu.memory_space<hbm>>
      tpu.wait_dma2 semaphore(%run_scoped3A : memref<!tpu.dma_semaphore, #tpu.memory_space<semaphore_mem>>) src(%dma_wait3A_17 : memref<5120xi32, #tpu.memory_space<hbm>>) dst(%arg5 : memref<5120xi32, #tpu.memory_space<vmem>>)
      tpu.yield
    }) : () -> ()
    %scan3A = arith.constant 0 : i32
    %scan3A_3 = arith.constant 0 : i32
    %scan3A_4 = arith.constant 20 : i32
    %scan3A_5 = arith.addi %scan3A_3, %scan3A_4 : i32
    %scan3A_6 = arith.constant 1 : i32
    scf.for %scan3A_15 = %scan3A_3 to %scan3A_5 step %scan3A_6  : i32 {
      %mul3A_16 = arith.constant 2 : i32
      %mul3A_17 = arith.muli %mul3A_16, %scan3A_15 : i32
      %mul3A_18 = arith.constant 128 : i32
      %mul3A_19 = arith.muli %mul3A_17, %mul3A_18 : i32
      %add3A_20 = arith.constant 128 : i32
      %add3A_21 = arith.addi %mul3A_19, %add3A_20 : i32
      %gt3A = arith.constant 0 : i32
      %gt3A_22 = arith.cmpi sgt, %scan3A_15, %gt3A : i32
      %convert_element_type3A = arith.extui %gt3A_22 : i1 to i32
      %cond3A = arith.constant 0 : i32
      %cond3A_23 = arith.cmpi ne, %convert_element_type3A, %cond3A : i32
      scf.if %cond3A_23 {
        %dma_wait3A_49 = arith.constant 0 : i32
        %dma_wait3A_50 = tpu.memref_slice %arg4[%mul3A_2, %dma_wait3A_49] : memref<163840x128xf32, #tpu.memory_space<hbm>> -> memref<128x128xf32, #tpu.memory_space<hbm>>
        %dma_wait3A_51 = arith.constant 0 : i32
        %dma_wait3A_52 = tpu.memref_slice %arg4[%mul3A_2, %dma_wait3A_51] : memref<163840x128xf32, #tpu.memory_space<hbm>> -> memref<128x128xf32, #tpu.memory_space<hbm>>
        tpu.wait_dma2 semaphore(%arg10 : memref<!tpu.dma_semaphore, #tpu.memory_space<semaphore_mem>>) src(%arg6 : memref<128x128xf32, #tpu.memory_space<vmem>>) dst(%dma_wait3A_52 : memref<128x128xf32, #tpu.memory_space<hbm>>)
        %dma_wait3A_53 = arith.constant 0 : i32
        %dma_wait3A_54 = tpu.memref_slice %arg4[%mul3A_2, %dma_wait3A_53] : memref<163840x128xf32, #tpu.memory_space<hbm>> -> memref<128x128xf32, #tpu.memory_space<hbm>>
        %dma_wait3A_55 = arith.constant 0 : i32
        %dma_wait3A_56 = tpu.memref_slice %arg4[%mul3A_2, %dma_wait3A_55] : memref<163840x128xf32, #tpu.memory_space<hbm>> -> memref<128x128xf32, #tpu.memory_space<hbm>>
        tpu.wait_dma2 semaphore(%arg11 : memref<!tpu.dma_semaphore, #tpu.memory_space<semaphore_mem>>) src(%arg7 : memref<128x128xf32, #tpu.memory_space<vmem>>) dst(%dma_wait3A_56 : memref<128x128xf32, #tpu.memory_space<hbm>>)
      } else {
      }
      %dma_start3A = tpu.memref_slice %arg5[%mul3A_19] : memref<5120xi32, #tpu.memory_space<vmem>> -> memref<128xi32, #tpu.memory_space<vmem>>
      %dma_start3A_24 = arith.constant 0 : i32
      %dma_start3A_25 = arith.constant 0 : i32
      %dma_start3A_26 = tpu.memref_slice %arg3[%dma_start3A_24, %dma_start3A_25] : memref<8192x128xf32, #tpu.memory_space<hbm>> -> memref<8192x128xf32, #tpu.memory_space<hbm>>
      tpu.enqueue_indirect_dma source(%dma_start3A_26 : memref<8192x128xf32, #tpu.memory_space<hbm>>) target(%arg6 : memref<128x128xf32, #tpu.memory_space<vmem>>) offsets(%dma_start3A : memref<128xi32, #tpu.memory_space<vmem>>) semaphore(%arg8 : memref<!tpu.dma_semaphore, #tpu.memory_space<semaphore_mem>>)
      %dma_start3A_27 = tpu.memref_slice %arg5[%add3A_21] : memref<5120xi32, #tpu.memory_space<vmem>> -> memref<128xi32, #tpu.memory_space<vmem>>
      %dma_start3A_28 = arith.constant 0 : i32
      %dma_start3A_29 = arith.constant 0 : i32
      %dma_start3A_30 = tpu.memref_slice %arg3[%dma_start3A_28, %dma_start3A_29] : memref<8192x128xf32, #tpu.memory_space<hbm>> -> memref<8192x128xf32, #tpu.memory_space<hbm>>
      tpu.enqueue_indirect_dma source(%dma_start3A_30 : memref<8192x128xf32, #tpu.memory_space<hbm>>) target(%arg7 : memref<128x128xf32, #tpu.memory_space<vmem>>) offsets(%dma_start3A_27 : memref<128xi32, #tpu.memory_space<vmem>>) semaphore(%arg9 : memref<!tpu.dma_semaphore, #tpu.memory_space<semaphore_mem>>)
      %dma_wait3A_31 = tpu.memref_slice %arg5[%mul3A_19] : memref<5120xi32, #tpu.memory_space<vmem>> -> memref<128xi32, #tpu.memory_space<vmem>>
      %dma_wait3A_32 = arith.constant 0 : i32
      %dma_wait3A_33 = arith.constant 0 : i32
      %dma_wait3A_34 = tpu.memref_slice %arg3[%dma_wait3A_32, %dma_wait3A_33] : memref<8192x128xf32, #tpu.memory_space<hbm>> -> memref<8192x128xf32, #tpu.memory_space<hbm>>
      tpu.wait_indirect_dma semaphore(%arg8 : memref<!tpu.dma_semaphore, #tpu.memory_space<semaphore_mem>>) src(%dma_wait3A_34 : memref<8192x128xf32, #tpu.memory_space<hbm>>) dst(%arg6 : memref<128x128xf32, #tpu.memory_space<vmem>>)
      %add3A_35 = arith.addi %mul3A_2, %mul3A_19 : i32
      %dma_start3A_36 = arith.constant 0 : i32
      %dma_start3A_37 = tpu.memref_slice %arg4[%add3A_35, %dma_start3A_36] : memref<163840x128xf32, #tpu.memory_space<hbm>> -> memref<128x128xf32, #tpu.memory_space<hbm>>
      %dma_start3A_38 = arith.constant 0 : i32
      %dma_start3A_39 = tpu.memref_slice %arg4[%add3A_35, %dma_start3A_38] : memref<163840x128xf32, #tpu.memory_space<hbm>> -> memref<128x128xf32, #tpu.memory_space<hbm>>
      tpu.enqueue_dma source(%arg6 : memref<128x128xf32, #tpu.memory_space<vmem>>) target(%dma_start3A_39 : memref<128x128xf32, #tpu.memory_space<hbm>>) target_semaphore(%arg10 : memref<!tpu.dma_semaphore, #tpu.memory_space<semaphore_mem>>)
      %dma_wait3A_40 = tpu.memref_slice %arg5[%add3A_21] : memref<5120xi32, #tpu.memory_space<vmem>> -> memref<128xi32, #tpu.memory_space<vmem>>
      %dma_wait3A_41 = arith.constant 0 : i32
      %dma_wait3A_42 = arith.constant 0 : i32
      %dma_wait3A_43 = tpu.memref_slice %arg3[%dma_wait3A_41, %dma_wait3A_42] : memref<8192x128xf32, #tpu.memory_space<hbm>> -> memref<8192x128xf32, #tpu.memory_space<hbm>>
      tpu.wait_indirect_dma semaphore(%arg9 : memref<!tpu.dma_semaphore, #tpu.memory_space<semaphore_mem>>) src(%dma_wait3A_43 : memref<8192x128xf32, #tpu.memory_space<hbm>>) dst(%arg7 : memref<128x128xf32, #tpu.memory_space<vmem>>)
      %add3A_44 = arith.addi %mul3A_2, %add3A_21 : i32
      %dma_start3A_45 = arith.constant 0 : i32
      %dma_start3A_46 = tpu.memref_slice %arg4[%add3A_44, %dma_start3A_45] : memref<163840x128xf32, #tpu.memory_space<hbm>> -> memref<128x128xf32, #tpu.memory_space<hbm>>
      %dma_start3A_47 = arith.constant 0 : i32
      %dma_start3A_48 = tpu.memref_slice %arg4[%add3A_44, %dma_start3A_47] : memref<163840x128xf32, #tpu.memory_space<hbm>> -> memref<128x128xf32, #tpu.memory_space<hbm>>
      tpu.enqueue_dma source(%arg7 : memref<128x128xf32, #tpu.memory_space<vmem>>) target(%dma_start3A_48 : memref<128x128xf32, #tpu.memory_space<hbm>>) target_semaphore(%arg11 : memref<!tpu.dma_semaphore, #tpu.memory_space<semaphore_mem>>)
    }
    %scan3A_7 = arith.constant 20 : i32
    %dma_wait3A = arith.constant 0 : i32
    %dma_wait3A_8 = tpu.memref_slice %arg4[%mul3A_2, %dma_wait3A] : memref<163840x128xf32, #tpu.memory_space<hbm>> -> memref<128x128xf32, #tpu.memory_space<hbm>>
    %dma_wait3A_9 = arith.constant 0 : i32
    %dma_wait3A_10 = tpu.memref_slice %arg4[%mul3A_2, %dma_wait3A_9] : memref<163840x128xf32, #tpu.memory_space<hbm>> -> memref<128x128xf32, #tpu.memory_space<hbm>>
    tpu.wait_dma2 semaphore(%arg10 : memref<!tpu.dma_semaphore, #tpu.memory_space<semaphore_mem>>) src(%arg6 : memref<128x128xf32, #tpu.memory_space<vmem>>) dst(%dma_wait3A_10 : memref<128x128xf32, #tpu.memory_space<hbm>>)
    %dma_wait3A_11 = arith.constant 0 : i32
    %dma_wait3A_12 = tpu.memref_slice %arg4[%mul3A_2, %dma_wait3A_11] : memref<163840x128xf32, #tpu.memory_space<hbm>> -> memref<128x128xf32, #tpu.memory_space<hbm>>
    %dma_wait3A_13 = arith.constant 0 : i32
    %dma_wait3A_14 = tpu.memref_slice %arg4[%mul3A_2, %dma_wait3A_13] : memref<163840x128xf32, #tpu.memory_space<hbm>> -> memref<128x128xf32, #tpu.memory_space<hbm>>
    tpu.wait_dma2 semaphore(%arg11 : memref<!tpu.dma_semaphore, #tpu.memory_space<semaphore_mem>>) src(%arg7 : memref<128x128xf32, #tpu.memory_space<vmem>>) dst(%dma_wait3A_14 : memref<128x128xf32, #tpu.memory_space<hbm>>)
    return
  }
}

#map = affine_map<(d0, d1) -> (0)>
#map1 = affine_map<(d0, d1) -> (0, 0)>
module attributes {stable_mosaic.version = 14 : i64} {
  func.func @gk(%arg0: i32, %arg1: i32, %arg2: memref<163840xi32, #tpu.memory_space<hbm>>, %arg3: memref<8192x128xf32, #tpu.memory_space<hbm>>, %arg4: memref<163840x128xf32, #tpu.memory_space<hbm>>, %arg5: memref<5120xi32, #tpu.memory_space<vmem>>, %arg6: memref<128x128xf32, #tpu.memory_space<vmem>>, %arg7: memref<128x128xf32, #tpu.memory_space<vmem>>, %arg8: memref<!tpu.dma_semaphore, #tpu.memory_space<semaphore_mem>>, %arg9: memref<!tpu.dma_semaphore, #tpu.memory_space<semaphore_mem>>, %arg10: memref<!tpu.dma_semaphore, #tpu.memory_space<semaphore_mem>>, %arg11: memref<!tpu.dma_semaphore, #tpu.memory_space<semaphore_mem>>) attributes {dimension_semantics = [#tpu.dimension_semantics<core_parallel>, #tpu.dimension_semantics<subcore_parallel>], iteration_bounds = array<i64: 2, 16>, scalar_prefetch = 0 : i64, scratch_operands = 7 : i64, tpu.core_type = #tpu.core_type<sc_vector_subcore>, window_params = [{transform_indices = #map}, {transform_indices = #map1}, {transform_indices = #map1}]} {
    %mul3A = arith.constant 2 : i32
    %mul3A_0 = arith.muli %arg1, %mul3A : i32
    %add3A = arith.addi %mul3A_0, %arg0 : i32
    %mul3A_1 = arith.constant 5120 : i32
    %mul3A_2 = arith.muli %add3A, %mul3A_1 : i32
    "tpu.region"() ({
      %run_scoped3A = tpu.sem_alloc : memref<!tpu.dma_semaphore, #tpu.memory_space<semaphore_mem>>
      %dma_start3A = tpu.memref_slice %arg2[%mul3A_2] : memref<163840xi32, #tpu.memory_space<hbm>> -> memref<5120xi32, #tpu.memory_space<hbm>>
      %dma_start3A_15 = tpu.memref_slice %arg2[%mul3A_2] : memref<163840xi32, #tpu.memory_space<hbm>> -> memref<5120xi32, #tpu.memory_space<hbm>>
      tpu.enqueue_dma source(%dma_start3A_15 : memref<5120xi32, #tpu.memory_space<hbm>>) target(%arg5 : memref<5120xi32, #tpu.memory_space<vmem>>) target_semaphore(%run_scoped3A : memref<!tpu.dma_semaphore, #tpu.memory_space<semaphore_mem>>)
      %dma_wait3A_16 = tpu.memref_slice %arg2[%mul3A_2] : memref<163840xi32, #tpu.memory_space<hbm>> -> memref<5120xi32, #tpu.memory_space<hbm>>
      %dma_wait3A_17 = tpu.memref_slice %arg2[%mul3A_2] : memref<163840xi32, #tpu.memory_space<hbm>> -> memref<5120xi32, #tpu.memory_space<hbm>>
      tpu.wait_dma2 semaphore(%run_scoped3A : memref<!tpu.dma_semaphore, #tpu.memory_space<semaphore_mem>>) src(%dma_wait3A_17 : memref<5120xi32, #tpu.memory_space<hbm>>) dst(%arg5 : memref<5120xi32, #tpu.memory_space<vmem>>)
      tpu.yield
    }) : () -> ()
    %scan3A = arith.constant 0 : i32
    %scan3A_3 = arith.constant 0 : i32
    %scan3A_4 = arith.constant 20 : i32
    %scan3A_5 = arith.addi %scan3A_3, %scan3A_4 : i32
    %scan3A_6 = arith.constant 1 : i32
    scf.for %scan3A_15 = %scan3A_3 to %scan3A_5 step %scan3A_6  : i32 {
      %mul3A_16 = arith.constant 2 : i32
      %mul3A_17 = arith.muli %mul3A_16, %scan3A_15 : i32
      %mul3A_18 = arith.constant 128 : i32
      %mul3A_19 = arith.muli %mul3A_17, %mul3A_18 : i32
      %add3A_20 = arith.constant 128 : i32
      %add3A_21 = arith.addi %mul3A_19, %add3A_20 : i32
      %gt3A = arith.constant 0 : i32
      %gt3A_22 = arith.cmpi sgt, %scan3A_15, %gt3A : i32
      %convert_element_type3A = arith.extui %gt3A_22 : i1 to i32
      %cond3A = arith.constant 0 : i32
      %cond3A_23 = arith.cmpi ne, %convert_element_type3A, %cond3A : i32
      scf.if %cond3A_23 {
        %dma_wait3A_49 = arith.constant 0 : i32
        %dma_wait3A_50 = tpu.memref_slice %arg4[%mul3A_2, %dma_wait3A_49] : memref<163840x128xf32, #tpu.memory_space<hbm>> -> memref<128x128xf32, #tpu.memory_space<hbm>>
        %dma_wait3A_51 = arith.constant 0 : i32
        %dma_wait3A_52 = tpu.memref_slice %arg4[%mul3A_2, %dma_wait3A_51] : memref<163840x128xf32, #tpu.memory_space<hbm>> -> memref<128x128xf32, #tpu.memory_space<hbm>>
        tpu.wait_dma2 semaphore(%arg10 : memref<!tpu.dma_semaphore, #tpu.memory_space<semaphore_mem>>) src(%arg6 : memref<128x128xf32, #tpu.memory_space<vmem>>) dst(%dma_wait3A_52 : memref<128x128xf32, #tpu.memory_space<hbm>>)
        %dma_wait3A_53 = arith.constant 0 : i32
        %dma_wait3A_54 = tpu.memref_slice %arg4[%mul3A_2, %dma_wait3A_53] : memref<163840x128xf32, #tpu.memory_space<hbm>> -> memref<128x128xf32, #tpu.memory_space<hbm>>
        %dma_wait3A_55 = arith.constant 0 : i32
        %dma_wait3A_56 = tpu.memref_slice %arg4[%mul3A_2, %dma_wait3A_55] : memref<163840x128xf32, #tpu.memory_space<hbm>> -> memref<128x128xf32, #tpu.memory_space<hbm>>
        tpu.wait_dma2 semaphore(%arg11 : memref<!tpu.dma_semaphore, #tpu.memory_space<semaphore_mem>>) src(%arg7 : memref<128x128xf32, #tpu.memory_space<vmem>>) dst(%dma_wait3A_56 : memref<128x128xf32, #tpu.memory_space<hbm>>)
      } else {
      }
      %dma_start3A = tpu.memref_slice %arg5[%mul3A_19] : memref<5120xi32, #tpu.memory_space<vmem>> -> memref<128xi32, #tpu.memory_space<vmem>>
      %dma_start3A_24 = arith.constant 0 : i32
      %dma_start3A_25 = arith.constant 0 : i32
      %dma_start3A_26 = tpu.memref_slice %arg3[%dma_start3A_24, %dma_start3A_25] : memref<8192x128xf32, #tpu.memory_space<hbm>> -> memref<8192x128xf32, #tpu.memory_space<hbm>>
      tpu.enqueue_indirect_dma source(%dma_start3A_26 : memref<8192x128xf32, #tpu.memory_space<hbm>>) target(%arg6 : memref<128x128xf32, #tpu.memory_space<vmem>>) offsets(%dma_start3A : memref<128xi32, #tpu.memory_space<vmem>>) semaphore(%arg8 : memref<!tpu.dma_semaphore, #tpu.memory_space<semaphore_mem>>)
      %dma_start3A_27 = tpu.memref_slice %arg5[%add3A_21] : memref<5120xi32, #tpu.memory_space<vmem>> -> memref<128xi32, #tpu.memory_space<vmem>>
      %dma_start3A_28 = arith.constant 0 : i32
      %dma_start3A_29 = arith.constant 0 : i32
      %dma_start3A_30 = tpu.memref_slice %arg3[%dma_start3A_28, %dma_start3A_29] : memref<8192x128xf32, #tpu.memory_space<hbm>> -> memref<8192x128xf32, #tpu.memory_space<hbm>>
      tpu.enqueue_indirect_dma source(%dma_start3A_30 : memref<8192x128xf32, #tpu.memory_space<hbm>>) target(%arg7 : memref<128x128xf32, #tpu.memory_space<vmem>>) offsets(%dma_start3A_27 : memref<128xi32, #tpu.memory_space<vmem>>) semaphore(%arg9 : memref<!tpu.dma_semaphore, #tpu.memory_space<semaphore_mem>>)
      %dma_wait3A_31 = tpu.memref_slice %arg5[%mul3A_19] : memref<5120xi32, #tpu.memory_space<vmem>> -> memref<128xi32, #tpu.memory_space<vmem>>
      %dma_wait3A_32 = arith.constant 0 : i32
      %dma_wait3A_33 = arith.constant 0 : i32
      %dma_wait3A_34 = tpu.memref_slice %arg3[%dma_wait3A_32, %dma_wait3A_33] : memref<8192x128xf32, #tpu.memory_space<hbm>> -> memref<8192x128xf32, #tpu.memory_space<hbm>>
      tpu.wait_indirect_dma semaphore(%arg8 : memref<!tpu.dma_semaphore, #tpu.memory_space<semaphore_mem>>) src(%dma_wait3A_34 : memref<8192x128xf32, #tpu.memory_space<hbm>>) dst(%arg6 : memref<128x128xf32, #tpu.memory_space<vmem>>)
      %add3A_35 = arith.addi %mul3A_2, %mul3A_19 : i32
      %dma_start3A_36 = arith.constant 0 : i32
      %dma_start3A_37 = tpu.memref_slice %arg4[%add3A_35, %dma_start3A_36] : memref<163840x128xf32, #tpu.memory_space<hbm>> -> memref<128x128xf32, #tpu.memory_space<hbm>>
      %dma_start3A_38 = arith.constant 0 : i32
      %dma_start3A_39 = tpu.memref_slice %arg4[%add3A_35, %dma_start3A_38] : memref<163840x128xf32, #tpu.memory_space<hbm>> -> memref<128x128xf32, #tpu.memory_space<hbm>>
      tpu.enqueue_dma source(%arg6 : memref<128x128xf32, #tpu.memory_space<vmem>>) target(%dma_start3A_39 : memref<128x128xf32, #tpu.memory_space<hbm>>) target_semaphore(%arg10 : memref<!tpu.dma_semaphore, #tpu.memory_space<semaphore_mem>>)
      %dma_wait3A_40 = tpu.memref_slice %arg5[%add3A_21] : memref<5120xi32, #tpu.memory_space<vmem>> -> memref<128xi32, #tpu.memory_space<vmem>>
      %dma_wait3A_41 = arith.constant 0 : i32
      %dma_wait3A_42 = arith.constant 0 : i32
      %dma_wait3A_43 = tpu.memref_slice %arg3[%dma_wait3A_41, %dma_wait3A_42] : memref<8192x128xf32, #tpu.memory_space<hbm>> -> memref<8192x128xf32, #tpu.memory_space<hbm>>
      tpu.wait_indirect_dma semaphore(%arg9 : memref<!tpu.dma_semaphore, #tpu.memory_space<semaphore_mem>>) src(%dma_wait3A_43 : memref<8192x128xf32, #tpu.memory_space<hbm>>) dst(%arg7 : memref<128x128xf32, #tpu.memory_space<vmem>>)
      %add3A_44 = arith.addi %mul3A_2, %add3A_21 : i32
      %dma_start3A_45 = arith.constant 0 : i32
      %dma_start3A_46 = tpu.memref_slice %arg4[%add3A_44, %dma_start3A_45] : memref<163840x128xf32, #tpu.memory_space<hbm>> -> memref<128x128xf32, #tpu.memory_space<hbm>>
      %dma_start3A_47 = arith.constant 0 : i32
      %dma_start3A_48 = tpu.memref_slice %arg4[%add3A_44, %dma_start3A_47] : memref<163840x128xf32, #tpu.memory_space<hbm>> -> memref<128x128xf32, #tpu.memory_space<hbm>>
      tpu.enqueue_dma source(%arg7 : memref<128x128xf32, #tpu.memory_space<vmem>>) target(%dma_start3A_48 : memref<128x128xf32, #tpu.memory_space<hbm>>) target_semaphore(%arg11 : memref<!tpu.dma_semaphore, #tpu.memory_space<semaphore_mem>>)
    }
    %scan3A_7 = arith.constant 20 : i32
    %dma_wait3A = arith.constant 0 : i32
    %dma_wait3A_8 = tpu.memref_slice %arg4[%mul3A_2, %dma_wait3A] : memref<163840x128xf32, #tpu.memory_space<hbm>> -> memref<128x128xf32, #tpu.memory_space<hbm>>
    %dma_wait3A_9 = arith.constant 0 : i32
    %dma_wait3A_10 = tpu.memref_slice %arg4[%mul3A_2, %dma_wait3A_9] : memref<163840x128xf32, #tpu.memory_space<hbm>> -> memref<128x128xf32, #tpu.memory_space<hbm>>
    tpu.wait_dma2 semaphore(%arg10 : memref<!tpu.dma_semaphore, #tpu.memory_space<semaphore_mem>>) src(%arg6 : memref<128x128xf32, #tpu.memory_space<vmem>>) dst(%dma_wait3A_10 : memref<128x128xf32, #tpu.memory_space<hbm>>)
    %dma_wait3A_11 = arith.constant 0 : i32
    %dma_wait3A_12 = tpu.memref_slice %arg4[%mul3A_2, %dma_wait3A_11] : memref<163840x128xf32, #tpu.memory_space<hbm>> -> memref<128x128xf32, #tpu.memory_space<hbm>>
    %dma_wait3A_13 = arith.constant 0 : i32
    %dma_wait3A_14 = tpu.memref_slice %arg4[%mul3A_2, %dma_wait3A_13] : memref<163840x128xf32, #tpu.memory_space<hbm>> -> memref<128x128xf32, #tpu.memory_space<hbm>>
    tpu.wait_dma2 semaphore(%arg11 : memref<!tpu.dma_semaphore, #tpu.memory_space<semaphore_mem>>) src(%arg7 : memref<128x128xf32, #tpu.memory_space<vmem>>) dst(%dma_wait3A_14 : memref<128x128xf32, #tpu.memory_space<hbm>>)
    return
  }
}

#map = affine_map<(d0, d1) -> (0)>
#map1 = affine_map<(d0, d1) -> (0, 0)>
module attributes {stable_mosaic.version = 14 : i64} {
  func.func @gk(%arg0: i32, %arg1: i32, %arg2: memref<163840xi32, #tpu.memory_space<hbm>>, %arg3: memref<8192x128xf32, #tpu.memory_space<hbm>>, %arg4: memref<163840x128xf32, #tpu.memory_space<hbm>>, %arg5: memref<5120xi32, #tpu.memory_space<vmem>>, %arg6: memref<128x128xf32, #tpu.memory_space<vmem>>, %arg7: memref<128x128xf32, #tpu.memory_space<vmem>>, %arg8: memref<!tpu.dma_semaphore, #tpu.memory_space<semaphore_mem>>, %arg9: memref<!tpu.dma_semaphore, #tpu.memory_space<semaphore_mem>>, %arg10: memref<!tpu.dma_semaphore, #tpu.memory_space<semaphore_mem>>, %arg11: memref<!tpu.dma_semaphore, #tpu.memory_space<semaphore_mem>>) attributes {dimension_semantics = [#tpu.dimension_semantics<core_parallel>, #tpu.dimension_semantics<subcore_parallel>], iteration_bounds = array<i64: 2, 16>, scalar_prefetch = 0 : i64, scratch_operands = 7 : i64, tpu.core_type = #tpu.core_type<sc_vector_subcore>, window_params = [{transform_indices = #map}, {transform_indices = #map1}, {transform_indices = #map1}]} {
    %mul3A = arith.constant 2 : i32
    %mul3A_0 = arith.muli %arg1, %mul3A : i32
    %add3A = arith.addi %mul3A_0, %arg0 : i32
    %mul3A_1 = arith.constant 5120 : i32
    %mul3A_2 = arith.muli %add3A, %mul3A_1 : i32
    "tpu.region"() ({
      %run_scoped3A = tpu.sem_alloc : memref<!tpu.dma_semaphore, #tpu.memory_space<semaphore_mem>>
      %dma_start3A = tpu.memref_slice %arg2[%mul3A_2] : memref<163840xi32, #tpu.memory_space<hbm>> -> memref<5120xi32, #tpu.memory_space<hbm>>
      %dma_start3A_15 = tpu.memref_slice %arg2[%mul3A_2] : memref<163840xi32, #tpu.memory_space<hbm>> -> memref<5120xi32, #tpu.memory_space<hbm>>
      tpu.enqueue_dma source(%dma_start3A_15 : memref<5120xi32, #tpu.memory_space<hbm>>) target(%arg5 : memref<5120xi32, #tpu.memory_space<vmem>>) target_semaphore(%run_scoped3A : memref<!tpu.dma_semaphore, #tpu.memory_space<semaphore_mem>>)
      %dma_wait3A_16 = tpu.memref_slice %arg2[%mul3A_2] : memref<163840xi32, #tpu.memory_space<hbm>> -> memref<5120xi32, #tpu.memory_space<hbm>>
      %dma_wait3A_17 = tpu.memref_slice %arg2[%mul3A_2] : memref<163840xi32, #tpu.memory_space<hbm>> -> memref<5120xi32, #tpu.memory_space<hbm>>
      tpu.wait_dma2 semaphore(%run_scoped3A : memref<!tpu.dma_semaphore, #tpu.memory_space<semaphore_mem>>) src(%dma_wait3A_17 : memref<5120xi32, #tpu.memory_space<hbm>>) dst(%arg5 : memref<5120xi32, #tpu.memory_space<vmem>>)
      tpu.yield
    }) : () -> ()
    %scan3A = arith.constant 0 : i32
    %scan3A_3 = arith.constant 0 : i32
    %scan3A_4 = arith.constant 20 : i32
    %scan3A_5 = arith.addi %scan3A_3, %scan3A_4 : i32
    %scan3A_6 = arith.constant 1 : i32
    scf.for %scan3A_15 = %scan3A_3 to %scan3A_5 step %scan3A_6  : i32 {
      %mul3A_16 = arith.constant 2 : i32
      %mul3A_17 = arith.muli %mul3A_16, %scan3A_15 : i32
      %mul3A_18 = arith.constant 128 : i32
      %mul3A_19 = arith.muli %mul3A_17, %mul3A_18 : i32
      %add3A_20 = arith.constant 128 : i32
      %add3A_21 = arith.addi %mul3A_19, %add3A_20 : i32
      %gt3A = arith.constant 0 : i32
      %gt3A_22 = arith.cmpi sgt, %scan3A_15, %gt3A : i32
      %convert_element_type3A = arith.extui %gt3A_22 : i1 to i32
      %cond3A = arith.constant 0 : i32
      %cond3A_23 = arith.cmpi ne, %convert_element_type3A, %cond3A : i32
      scf.if %cond3A_23 {
        %dma_wait3A_49 = arith.constant 0 : i32
        %dma_wait3A_50 = tpu.memref_slice %arg4[%mul3A_2, %dma_wait3A_49] : memref<163840x128xf32, #tpu.memory_space<hbm>> -> memref<128x128xf32, #tpu.memory_space<hbm>>
        %dma_wait3A_51 = arith.constant 0 : i32
        %dma_wait3A_52 = tpu.memref_slice %arg4[%mul3A_2, %dma_wait3A_51] : memref<163840x128xf32, #tpu.memory_space<hbm>> -> memref<128x128xf32, #tpu.memory_space<hbm>>
        tpu.wait_dma2 semaphore(%arg10 : memref<!tpu.dma_semaphore, #tpu.memory_space<semaphore_mem>>) src(%arg6 : memref<128x128xf32, #tpu.memory_space<vmem>>) dst(%dma_wait3A_52 : memref<128x128xf32, #tpu.memory_space<hbm>>)
        %dma_wait3A_53 = arith.constant 0 : i32
        %dma_wait3A_54 = tpu.memref_slice %arg4[%mul3A_2, %dma_wait3A_53] : memref<163840x128xf32, #tpu.memory_space<hbm>> -> memref<128x128xf32, #tpu.memory_space<hbm>>
        %dma_wait3A_55 = arith.constant 0 : i32
        %dma_wait3A_56 = tpu.memref_slice %arg4[%mul3A_2, %dma_wait3A_55] : memref<163840x128xf32, #tpu.memory_space<hbm>> -> memref<128x128xf32, #tpu.memory_space<hbm>>
        tpu.wait_dma2 semaphore(%arg11 : memref<!tpu.dma_semaphore, #tpu.memory_space<semaphore_mem>>) src(%arg7 : memref<128x128xf32, #tpu.memory_space<vmem>>) dst(%dma_wait3A_56 : memref<128x128xf32, #tpu.memory_space<hbm>>)
      } else {
      }
      %dma_start3A = tpu.memref_slice %arg5[%mul3A_19] : memref<5120xi32, #tpu.memory_space<vmem>> -> memref<128xi32, #tpu.memory_space<vmem>>
      %dma_start3A_24 = arith.constant 0 : i32
      %dma_start3A_25 = arith.constant 0 : i32
      %dma_start3A_26 = tpu.memref_slice %arg3[%dma_start3A_24, %dma_start3A_25] : memref<8192x128xf32, #tpu.memory_space<hbm>> -> memref<8192x128xf32, #tpu.memory_space<hbm>>
      tpu.enqueue_indirect_dma source(%dma_start3A_26 : memref<8192x128xf32, #tpu.memory_space<hbm>>) target(%arg6 : memref<128x128xf32, #tpu.memory_space<vmem>>) offsets(%dma_start3A : memref<128xi32, #tpu.memory_space<vmem>>) semaphore(%arg8 : memref<!tpu.dma_semaphore, #tpu.memory_space<semaphore_mem>>)
      %dma_start3A_27 = tpu.memref_slice %arg5[%add3A_21] : memref<5120xi32, #tpu.memory_space<vmem>> -> memref<128xi32, #tpu.memory_space<vmem>>
      %dma_start3A_28 = arith.constant 0 : i32
      %dma_start3A_29 = arith.constant 0 : i32
      %dma_start3A_30 = tpu.memref_slice %arg3[%dma_start3A_28, %dma_start3A_29] : memref<8192x128xf32, #tpu.memory_space<hbm>> -> memref<8192x128xf32, #tpu.memory_space<hbm>>
      tpu.enqueue_indirect_dma source(%dma_start3A_30 : memref<8192x128xf32, #tpu.memory_space<hbm>>) target(%arg7 : memref<128x128xf32, #tpu.memory_space<vmem>>) offsets(%dma_start3A_27 : memref<128xi32, #tpu.memory_space<vmem>>) semaphore(%arg9 : memref<!tpu.dma_semaphore, #tpu.memory_space<semaphore_mem>>)
      %dma_wait3A_31 = tpu.memref_slice %arg5[%mul3A_19] : memref<5120xi32, #tpu.memory_space<vmem>> -> memref<128xi32, #tpu.memory_space<vmem>>
      %dma_wait3A_32 = arith.constant 0 : i32
      %dma_wait3A_33 = arith.constant 0 : i32
      %dma_wait3A_34 = tpu.memref_slice %arg3[%dma_wait3A_32, %dma_wait3A_33] : memref<8192x128xf32, #tpu.memory_space<hbm>> -> memref<8192x128xf32, #tpu.memory_space<hbm>>
      tpu.wait_indirect_dma semaphore(%arg8 : memref<!tpu.dma_semaphore, #tpu.memory_space<semaphore_mem>>) src(%dma_wait3A_34 : memref<8192x128xf32, #tpu.memory_space<hbm>>) dst(%arg6 : memref<128x128xf32, #tpu.memory_space<vmem>>)
      %add3A_35 = arith.addi %mul3A_2, %mul3A_19 : i32
      %dma_start3A_36 = arith.constant 0 : i32
      %dma_start3A_37 = tpu.memref_slice %arg4[%add3A_35, %dma_start3A_36] : memref<163840x128xf32, #tpu.memory_space<hbm>> -> memref<128x128xf32, #tpu.memory_space<hbm>>
      %dma_start3A_38 = arith.constant 0 : i32
      %dma_start3A_39 = tpu.memref_slice %arg4[%add3A_35, %dma_start3A_38] : memref<163840x128xf32, #tpu.memory_space<hbm>> -> memref<128x128xf32, #tpu.memory_space<hbm>>
      tpu.enqueue_dma source(%arg6 : memref<128x128xf32, #tpu.memory_space<vmem>>) target(%dma_start3A_39 : memref<128x128xf32, #tpu.memory_space<hbm>>) target_semaphore(%arg10 : memref<!tpu.dma_semaphore, #tpu.memory_space<semaphore_mem>>)
      %dma_wait3A_40 = tpu.memref_slice %arg5[%add3A_21] : memref<5120xi32, #tpu.memory_space<vmem>> -> memref<128xi32, #tpu.memory_space<vmem>>
      %dma_wait3A_41 = arith.constant 0 : i32
      %dma_wait3A_42 = arith.constant 0 : i32
      %dma_wait3A_43 = tpu.memref_slice %arg3[%dma_wait3A_41, %dma_wait3A_42] : memref<8192x128xf32, #tpu.memory_space<hbm>> -> memref<8192x128xf32, #tpu.memory_space<hbm>>
      tpu.wait_indirect_dma semaphore(%arg9 : memref<!tpu.dma_semaphore, #tpu.memory_space<semaphore_mem>>) src(%dma_wait3A_43 : memref<8192x128xf32, #tpu.memory_space<hbm>>) dst(%arg7 : memref<128x128xf32, #tpu.memory_space<vmem>>)
      %add3A_44 = arith.addi %mul3A_2, %add3A_21 : i32
      %dma_start3A_45 = arith.constant 0 : i32
      %dma_start3A_46 = tpu.memref_slice %arg4[%add3A_44, %dma_start3A_45] : memref<163840x128xf32, #tpu.memory_space<hbm>> -> memref<128x128xf32, #tpu.memory_space<hbm>>
      %dma_start3A_47 = arith.constant 0 : i32
      %dma_start3A_48 = tpu.memref_slice %arg4[%add3A_44, %dma_start3A_47] : memref<163840x128xf32, #tpu.memory_space<hbm>> -> memref<128x128xf32, #tpu.memory_space<hbm>>
      tpu.enqueue_dma source(%arg7 : memref<128x128xf32, #tpu.memory_space<vmem>>) target(%dma_start3A_48 : memref<128x128xf32, #tpu.memory_space<hbm>>) target_semaphore(%arg11 : memref<!tpu.dma_semaphore, #tpu.memory_space<semaphore_mem>>)
    }
    %scan3A_7 = arith.constant 20 : i32
    %dma_wait3A = arith.constant 0 : i32
    %dma_wait3A_8 = tpu.memref_slice %arg4[%mul3A_2, %dma_wait3A] : memref<163840x128xf32, #tpu.memory_space<hbm>> -> memref<128x128xf32, #tpu.memory_space<hbm>>
    %dma_wait3A_9 = arith.constant 0 : i32
    %dma_wait3A_10 = tpu.memref_slice %arg4[%mul3A_2, %dma_wait3A_9] : memref<163840x128xf32, #tpu.memory_space<hbm>> -> memref<128x128xf32, #tpu.memory_space<hbm>>
    tpu.wait_dma2 semaphore(%arg10 : memref<!tpu.dma_semaphore, #tpu.memory_space<semaphore_mem>>) src(%arg6 : memref<128x128xf32, #tpu.memory_space<vmem>>) dst(%dma_wait3A_10 : memref<128x128xf32, #tpu.memory_space<hbm>>)
    %dma_wait3A_11 = arith.constant 0 : i32
    %dma_wait3A_12 = tpu.memref_slice %arg4[%mul3A_2, %dma_wait3A_11] : memref<163840x128xf32, #tpu.memory_space<hbm>> -> memref<128x128xf32, #tpu.memory_space<hbm>>
    %dma_wait3A_13 = arith.constant 0 : i32
    %dma_wait3A_14 = tpu.memref_slice %arg4[%mul3A_2, %dma_wait3A_13] : memref<163840x128xf32, #tpu.memory_space<hbm>> -> memref<128x128xf32, #tpu.memory_space<hbm>>
    tpu.wait_dma2 semaphore(%arg11 : memref<!tpu.dma_semaphore, #tpu.memory_space<semaphore_mem>>) src(%arg7 : memref<128x128xf32, #tpu.memory_space<vmem>>) dst(%dma_wait3A_14 : memref<128x128xf32, #tpu.memory_space<hbm>>)
    return
  }
}

#map = affine_map<(d0, d1) -> (0)>
#map1 = affine_map<(d0, d1) -> (0, 0)>
module attributes {stable_mosaic.version = 14 : i64} {
  func.func @gk(%arg0: i32, %arg1: i32, %arg2: memref<163840xi32, #tpu.memory_space<hbm>>, %arg3: memref<8192x128xf32, #tpu.memory_space<hbm>>, %arg4: memref<163840x128xf32, #tpu.memory_space<hbm>>, %arg5: memref<5120xi32, #tpu.memory_space<vmem>>, %arg6: memref<128x128xf32, #tpu.memory_space<vmem>>, %arg7: memref<128x128xf32, #tpu.memory_space<vmem>>, %arg8: memref<!tpu.dma_semaphore, #tpu.memory_space<semaphore_mem>>, %arg9: memref<!tpu.dma_semaphore, #tpu.memory_space<semaphore_mem>>, %arg10: memref<!tpu.dma_semaphore, #tpu.memory_space<semaphore_mem>>, %arg11: memref<!tpu.dma_semaphore, #tpu.memory_space<semaphore_mem>>) attributes {dimension_semantics = [#tpu.dimension_semantics<core_parallel>, #tpu.dimension_semantics<subcore_parallel>], iteration_bounds = array<i64: 2, 16>, scalar_prefetch = 0 : i64, scratch_operands = 7 : i64, tpu.core_type = #tpu.core_type<sc_vector_subcore>, window_params = [{transform_indices = #map}, {transform_indices = #map1}, {transform_indices = #map1}]} {
    %mul3A = arith.constant 2 : i32
    %mul3A_0 = arith.muli %arg1, %mul3A : i32
    %add3A = arith.addi %mul3A_0, %arg0 : i32
    %mul3A_1 = arith.constant 5120 : i32
    %mul3A_2 = arith.muli %add3A, %mul3A_1 : i32
    "tpu.region"() ({
      %run_scoped3A = tpu.sem_alloc : memref<!tpu.dma_semaphore, #tpu.memory_space<semaphore_mem>>
      %dma_start3A = tpu.memref_slice %arg2[%mul3A_2] : memref<163840xi32, #tpu.memory_space<hbm>> -> memref<5120xi32, #tpu.memory_space<hbm>>
      %dma_start3A_15 = tpu.memref_slice %arg2[%mul3A_2] : memref<163840xi32, #tpu.memory_space<hbm>> -> memref<5120xi32, #tpu.memory_space<hbm>>
      tpu.enqueue_dma source(%dma_start3A_15 : memref<5120xi32, #tpu.memory_space<hbm>>) target(%arg5 : memref<5120xi32, #tpu.memory_space<vmem>>) target_semaphore(%run_scoped3A : memref<!tpu.dma_semaphore, #tpu.memory_space<semaphore_mem>>)
      %dma_wait3A_16 = tpu.memref_slice %arg2[%mul3A_2] : memref<163840xi32, #tpu.memory_space<hbm>> -> memref<5120xi32, #tpu.memory_space<hbm>>
      %dma_wait3A_17 = tpu.memref_slice %arg2[%mul3A_2] : memref<163840xi32, #tpu.memory_space<hbm>> -> memref<5120xi32, #tpu.memory_space<hbm>>
      tpu.wait_dma2 semaphore(%run_scoped3A : memref<!tpu.dma_semaphore, #tpu.memory_space<semaphore_mem>>) src(%dma_wait3A_17 : memref<5120xi32, #tpu.memory_space<hbm>>) dst(%arg5 : memref<5120xi32, #tpu.memory_space<vmem>>)
      tpu.yield
    }) : () -> ()
    %scan3A = arith.constant 0 : i32
    %scan3A_3 = arith.constant 0 : i32
    %scan3A_4 = arith.constant 20 : i32
    %scan3A_5 = arith.addi %scan3A_3, %scan3A_4 : i32
    %scan3A_6 = arith.constant 1 : i32
    scf.for %scan3A_15 = %scan3A_3 to %scan3A_5 step %scan3A_6  : i32 {
      %mul3A_16 = arith.constant 2 : i32
      %mul3A_17 = arith.muli %mul3A_16, %scan3A_15 : i32
      %mul3A_18 = arith.constant 128 : i32
      %mul3A_19 = arith.muli %mul3A_17, %mul3A_18 : i32
      %add3A_20 = arith.constant 128 : i32
      %add3A_21 = arith.addi %mul3A_19, %add3A_20 : i32
      %gt3A = arith.constant 0 : i32
      %gt3A_22 = arith.cmpi sgt, %scan3A_15, %gt3A : i32
      %convert_element_type3A = arith.extui %gt3A_22 : i1 to i32
      %cond3A = arith.constant 0 : i32
      %cond3A_23 = arith.cmpi ne, %convert_element_type3A, %cond3A : i32
      scf.if %cond3A_23 {
        %dma_wait3A_49 = arith.constant 0 : i32
        %dma_wait3A_50 = tpu.memref_slice %arg4[%mul3A_2, %dma_wait3A_49] : memref<163840x128xf32, #tpu.memory_space<hbm>> -> memref<128x128xf32, #tpu.memory_space<hbm>>
        %dma_wait3A_51 = arith.constant 0 : i32
        %dma_wait3A_52 = tpu.memref_slice %arg4[%mul3A_2, %dma_wait3A_51] : memref<163840x128xf32, #tpu.memory_space<hbm>> -> memref<128x128xf32, #tpu.memory_space<hbm>>
        tpu.wait_dma2 semaphore(%arg10 : memref<!tpu.dma_semaphore, #tpu.memory_space<semaphore_mem>>) src(%arg6 : memref<128x128xf32, #tpu.memory_space<vmem>>) dst(%dma_wait3A_52 : memref<128x128xf32, #tpu.memory_space<hbm>>)
        %dma_wait3A_53 = arith.constant 0 : i32
        %dma_wait3A_54 = tpu.memref_slice %arg4[%mul3A_2, %dma_wait3A_53] : memref<163840x128xf32, #tpu.memory_space<hbm>> -> memref<128x128xf32, #tpu.memory_space<hbm>>
        %dma_wait3A_55 = arith.constant 0 : i32
        %dma_wait3A_56 = tpu.memref_slice %arg4[%mul3A_2, %dma_wait3A_55] : memref<163840x128xf32, #tpu.memory_space<hbm>> -> memref<128x128xf32, #tpu.memory_space<hbm>>
        tpu.wait_dma2 semaphore(%arg11 : memref<!tpu.dma_semaphore, #tpu.memory_space<semaphore_mem>>) src(%arg7 : memref<128x128xf32, #tpu.memory_space<vmem>>) dst(%dma_wait3A_56 : memref<128x128xf32, #tpu.memory_space<hbm>>)
      } else {
      }
      %dma_start3A = tpu.memref_slice %arg5[%mul3A_19] : memref<5120xi32, #tpu.memory_space<vmem>> -> memref<128xi32, #tpu.memory_space<vmem>>
      %dma_start3A_24 = arith.constant 0 : i32
      %dma_start3A_25 = arith.constant 0 : i32
      %dma_start3A_26 = tpu.memref_slice %arg3[%dma_start3A_24, %dma_start3A_25] : memref<8192x128xf32, #tpu.memory_space<hbm>> -> memref<8192x128xf32, #tpu.memory_space<hbm>>
      tpu.enqueue_indirect_dma source(%dma_start3A_26 : memref<8192x128xf32, #tpu.memory_space<hbm>>) target(%arg6 : memref<128x128xf32, #tpu.memory_space<vmem>>) offsets(%dma_start3A : memref<128xi32, #tpu.memory_space<vmem>>) semaphore(%arg8 : memref<!tpu.dma_semaphore, #tpu.memory_space<semaphore_mem>>)
      %dma_start3A_27 = tpu.memref_slice %arg5[%add3A_21] : memref<5120xi32, #tpu.memory_space<vmem>> -> memref<128xi32, #tpu.memory_space<vmem>>
      %dma_start3A_28 = arith.constant 0 : i32
      %dma_start3A_29 = arith.constant 0 : i32
      %dma_start3A_30 = tpu.memref_slice %arg3[%dma_start3A_28, %dma_start3A_29] : memref<8192x128xf32, #tpu.memory_space<hbm>> -> memref<8192x128xf32, #tpu.memory_space<hbm>>
      tpu.enqueue_indirect_dma source(%dma_start3A_30 : memref<8192x128xf32, #tpu.memory_space<hbm>>) target(%arg7 : memref<128x128xf32, #tpu.memory_space<vmem>>) offsets(%dma_start3A_27 : memref<128xi32, #tpu.memory_space<vmem>>) semaphore(%arg9 : memref<!tpu.dma_semaphore, #tpu.memory_space<semaphore_mem>>)
      %dma_wait3A_31 = tpu.memref_slice %arg5[%mul3A_19] : memref<5120xi32, #tpu.memory_space<vmem>> -> memref<128xi32, #tpu.memory_space<vmem>>
      %dma_wait3A_32 = arith.constant 0 : i32
      %dma_wait3A_33 = arith.constant 0 : i32
      %dma_wait3A_34 = tpu.memref_slice %arg3[%dma_wait3A_32, %dma_wait3A_33] : memref<8192x128xf32, #tpu.memory_space<hbm>> -> memref<8192x128xf32, #tpu.memory_space<hbm>>
      tpu.wait_indirect_dma semaphore(%arg8 : memref<!tpu.dma_semaphore, #tpu.memory_space<semaphore_mem>>) src(%dma_wait3A_34 : memref<8192x128xf32, #tpu.memory_space<hbm>>) dst(%arg6 : memref<128x128xf32, #tpu.memory_space<vmem>>)
      %add3A_35 = arith.addi %mul3A_2, %mul3A_19 : i32
      %dma_start3A_36 = arith.constant 0 : i32
      %dma_start3A_37 = tpu.memref_slice %arg4[%add3A_35, %dma_start3A_36] : memref<163840x128xf32, #tpu.memory_space<hbm>> -> memref<128x128xf32, #tpu.memory_space<hbm>>
      %dma_start3A_38 = arith.constant 0 : i32
      %dma_start3A_39 = tpu.memref_slice %arg4[%add3A_35, %dma_start3A_38] : memref<163840x128xf32, #tpu.memory_space<hbm>> -> memref<128x128xf32, #tpu.memory_space<hbm>>
      tpu.enqueue_dma source(%arg6 : memref<128x128xf32, #tpu.memory_space<vmem>>) target(%dma_start3A_39 : memref<128x128xf32, #tpu.memory_space<hbm>>) target_semaphore(%arg10 : memref<!tpu.dma_semaphore, #tpu.memory_space<semaphore_mem>>)
      %dma_wait3A_40 = tpu.memref_slice %arg5[%add3A_21] : memref<5120xi32, #tpu.memory_space<vmem>> -> memref<128xi32, #tpu.memory_space<vmem>>
      %dma_wait3A_41 = arith.constant 0 : i32
      %dma_wait3A_42 = arith.constant 0 : i32
      %dma_wait3A_43 = tpu.memref_slice %arg3[%dma_wait3A_41, %dma_wait3A_42] : memref<8192x128xf32, #tpu.memory_space<hbm>> -> memref<8192x128xf32, #tpu.memory_space<hbm>>
      tpu.wait_indirect_dma semaphore(%arg9 : memref<!tpu.dma_semaphore, #tpu.memory_space<semaphore_mem>>) src(%dma_wait3A_43 : memref<8192x128xf32, #tpu.memory_space<hbm>>) dst(%arg7 : memref<128x128xf32, #tpu.memory_space<vmem>>)
      %add3A_44 = arith.addi %mul3A_2, %add3A_21 : i32
      %dma_start3A_45 = arith.constant 0 : i32
      %dma_start3A_46 = tpu.memref_slice %arg4[%add3A_44, %dma_start3A_45] : memref<163840x128xf32, #tpu.memory_space<hbm>> -> memref<128x128xf32, #tpu.memory_space<hbm>>
      %dma_start3A_47 = arith.constant 0 : i32
      %dma_start3A_48 = tpu.memref_slice %arg4[%add3A_44, %dma_start3A_47] : memref<163840x128xf32, #tpu.memory_space<hbm>> -> memref<128x128xf32, #tpu.memory_space<hbm>>
      tpu.enqueue_dma source(%arg7 : memref<128x128xf32, #tpu.memory_space<vmem>>) target(%dma_start3A_48 : memref<128x128xf32, #tpu.memory_space<hbm>>) target_semaphore(%arg11 : memref<!tpu.dma_semaphore, #tpu.memory_space<semaphore_mem>>)
    }
    %scan3A_7 = arith.constant 20 : i32
    %dma_wait3A = arith.constant 0 : i32
    %dma_wait3A_8 = tpu.memref_slice %arg4[%mul3A_2, %dma_wait3A] : memref<163840x128xf32, #tpu.memory_space<hbm>> -> memref<128x128xf32, #tpu.memory_space<hbm>>
    %dma_wait3A_9 = arith.constant 0 : i32
    %dma_wait3A_10 = tpu.memref_slice %arg4[%mul3A_2, %dma_wait3A_9] : memref<163840x128xf32, #tpu.memory_space<hbm>> -> memref<128x128xf32, #tpu.memory_space<hbm>>
    tpu.wait_dma2 semaphore(%arg10 : memref<!tpu.dma_semaphore, #tpu.memory_space<semaphore_mem>>) src(%arg6 : memref<128x128xf32, #tpu.memory_space<vmem>>) dst(%dma_wait3A_10 : memref<128x128xf32, #tpu.memory_space<hbm>>)
    %dma_wait3A_11 = arith.constant 0 : i32
    %dma_wait3A_12 = tpu.memref_slice %arg4[%mul3A_2, %dma_wait3A_11] : memref<163840x128xf32, #tpu.memory_space<hbm>> -> memref<128x128xf32, #tpu.memory_space<hbm>>
    %dma_wait3A_13 = arith.constant 0 : i32
    %dma_wait3A_14 = tpu.memref_slice %arg4[%mul3A_2, %dma_wait3A_13] : memref<163840x128xf32, #tpu.memory_space<hbm>> -> memref<128x128xf32, #tpu.memory_space<hbm>>
    tpu.wait_dma2 semaphore(%arg11 : memref<!tpu.dma_semaphore, #tpu.memory_space<semaphore_mem>>) src(%arg7 : memref<128x128xf32, #tpu.memory_space<vmem>>) dst(%dma_wait3A_14 : memref<128x128xf32, #tpu.memory_space<hbm>>)
    return
  }
}

#map = affine_map<(d0, d1) -> (0)>
#map1 = affine_map<(d0, d1) -> (0, 0)>
module attributes {stable_mosaic.version = 14 : i64} {
  func.func @gk(%arg0: i32, %arg1: i32, %arg2: memref<163840xi32, #tpu.memory_space<hbm>>, %arg3: memref<8192x128xf32, #tpu.memory_space<hbm>>, %arg4: memref<163840x128xf32, #tpu.memory_space<hbm>>, %arg5: memref<5120xi32, #tpu.memory_space<vmem>>, %arg6: memref<128x128xf32, #tpu.memory_space<vmem>>, %arg7: memref<128x128xf32, #tpu.memory_space<vmem>>, %arg8: memref<!tpu.dma_semaphore, #tpu.memory_space<semaphore_mem>>, %arg9: memref<!tpu.dma_semaphore, #tpu.memory_space<semaphore_mem>>, %arg10: memref<!tpu.dma_semaphore, #tpu.memory_space<semaphore_mem>>, %arg11: memref<!tpu.dma_semaphore, #tpu.memory_space<semaphore_mem>>) attributes {dimension_semantics = [#tpu.dimension_semantics<core_parallel>, #tpu.dimension_semantics<subcore_parallel>], iteration_bounds = array<i64: 2, 16>, scalar_prefetch = 0 : i64, scratch_operands = 7 : i64, tpu.core_type = #tpu.core_type<sc_vector_subcore>, window_params = [{transform_indices = #map}, {transform_indices = #map1}, {transform_indices = #map1}]} {
    %mul3A = arith.constant 2 : i32
    %mul3A_0 = arith.muli %arg1, %mul3A : i32
    %add3A = arith.addi %mul3A_0, %arg0 : i32
    %mul3A_1 = arith.constant 5120 : i32
    %mul3A_2 = arith.muli %add3A, %mul3A_1 : i32
    "tpu.region"() ({
      %run_scoped3A = tpu.sem_alloc : memref<!tpu.dma_semaphore, #tpu.memory_space<semaphore_mem>>
      %dma_start3A = tpu.memref_slice %arg2[%mul3A_2] : memref<163840xi32, #tpu.memory_space<hbm>> -> memref<5120xi32, #tpu.memory_space<hbm>>
      %dma_start3A_15 = tpu.memref_slice %arg2[%mul3A_2] : memref<163840xi32, #tpu.memory_space<hbm>> -> memref<5120xi32, #tpu.memory_space<hbm>>
      tpu.enqueue_dma source(%dma_start3A_15 : memref<5120xi32, #tpu.memory_space<hbm>>) target(%arg5 : memref<5120xi32, #tpu.memory_space<vmem>>) target_semaphore(%run_scoped3A : memref<!tpu.dma_semaphore, #tpu.memory_space<semaphore_mem>>)
      %dma_wait3A_16 = tpu.memref_slice %arg2[%mul3A_2] : memref<163840xi32, #tpu.memory_space<hbm>> -> memref<5120xi32, #tpu.memory_space<hbm>>
      %dma_wait3A_17 = tpu.memref_slice %arg2[%mul3A_2] : memref<163840xi32, #tpu.memory_space<hbm>> -> memref<5120xi32, #tpu.memory_space<hbm>>
      tpu.wait_dma2 semaphore(%run_scoped3A : memref<!tpu.dma_semaphore, #tpu.memory_space<semaphore_mem>>) src(%dma_wait3A_17 : memref<5120xi32, #tpu.memory_space<hbm>>) dst(%arg5 : memref<5120xi32, #tpu.memory_space<vmem>>)
      tpu.yield
    }) : () -> ()
    %scan3A = arith.constant 0 : i32
    %scan3A_3 = arith.constant 0 : i32
    %scan3A_4 = arith.constant 20 : i32
    %scan3A_5 = arith.addi %scan3A_3, %scan3A_4 : i32
    %scan3A_6 = arith.constant 1 : i32
    scf.for %scan3A_15 = %scan3A_3 to %scan3A_5 step %scan3A_6  : i32 {
      %mul3A_16 = arith.constant 2 : i32
      %mul3A_17 = arith.muli %mul3A_16, %scan3A_15 : i32
      %mul3A_18 = arith.constant 128 : i32
      %mul3A_19 = arith.muli %mul3A_17, %mul3A_18 : i32
      %add3A_20 = arith.constant 128 : i32
      %add3A_21 = arith.addi %mul3A_19, %add3A_20 : i32
      %gt3A = arith.constant 0 : i32
      %gt3A_22 = arith.cmpi sgt, %scan3A_15, %gt3A : i32
      %convert_element_type3A = arith.extui %gt3A_22 : i1 to i32
      %cond3A = arith.constant 0 : i32
      %cond3A_23 = arith.cmpi ne, %convert_element_type3A, %cond3A : i32
      scf.if %cond3A_23 {
        %dma_wait3A_49 = arith.constant 0 : i32
        %dma_wait3A_50 = tpu.memref_slice %arg4[%mul3A_2, %dma_wait3A_49] : memref<163840x128xf32, #tpu.memory_space<hbm>> -> memref<128x128xf32, #tpu.memory_space<hbm>>
        %dma_wait3A_51 = arith.constant 0 : i32
        %dma_wait3A_52 = tpu.memref_slice %arg4[%mul3A_2, %dma_wait3A_51] : memref<163840x128xf32, #tpu.memory_space<hbm>> -> memref<128x128xf32, #tpu.memory_space<hbm>>
        tpu.wait_dma2 semaphore(%arg10 : memref<!tpu.dma_semaphore, #tpu.memory_space<semaphore_mem>>) src(%arg6 : memref<128x128xf32, #tpu.memory_space<vmem>>) dst(%dma_wait3A_52 : memref<128x128xf32, #tpu.memory_space<hbm>>)
        %dma_wait3A_53 = arith.constant 0 : i32
        %dma_wait3A_54 = tpu.memref_slice %arg4[%mul3A_2, %dma_wait3A_53] : memref<163840x128xf32, #tpu.memory_space<hbm>> -> memref<128x128xf32, #tpu.memory_space<hbm>>
        %dma_wait3A_55 = arith.constant 0 : i32
        %dma_wait3A_56 = tpu.memref_slice %arg4[%mul3A_2, %dma_wait3A_55] : memref<163840x128xf32, #tpu.memory_space<hbm>> -> memref<128x128xf32, #tpu.memory_space<hbm>>
        tpu.wait_dma2 semaphore(%arg11 : memref<!tpu.dma_semaphore, #tpu.memory_space<semaphore_mem>>) src(%arg7 : memref<128x128xf32, #tpu.memory_space<vmem>>) dst(%dma_wait3A_56 : memref<128x128xf32, #tpu.memory_space<hbm>>)
      } else {
      }
      %dma_start3A = tpu.memref_slice %arg5[%mul3A_19] : memref<5120xi32, #tpu.memory_space<vmem>> -> memref<128xi32, #tpu.memory_space<vmem>>
      %dma_start3A_24 = arith.constant 0 : i32
      %dma_start3A_25 = arith.constant 0 : i32
      %dma_start3A_26 = tpu.memref_slice %arg3[%dma_start3A_24, %dma_start3A_25] : memref<8192x128xf32, #tpu.memory_space<hbm>> -> memref<8192x128xf32, #tpu.memory_space<hbm>>
      tpu.enqueue_indirect_dma source(%dma_start3A_26 : memref<8192x128xf32, #tpu.memory_space<hbm>>) target(%arg6 : memref<128x128xf32, #tpu.memory_space<vmem>>) offsets(%dma_start3A : memref<128xi32, #tpu.memory_space<vmem>>) semaphore(%arg8 : memref<!tpu.dma_semaphore, #tpu.memory_space<semaphore_mem>>)
      %dma_start3A_27 = tpu.memref_slice %arg5[%add3A_21] : memref<5120xi32, #tpu.memory_space<vmem>> -> memref<128xi32, #tpu.memory_space<vmem>>
      %dma_start3A_28 = arith.constant 0 : i32
      %dma_start3A_29 = arith.constant 0 : i32
      %dma_start3A_30 = tpu.memref_slice %arg3[%dma_start3A_28, %dma_start3A_29] : memref<8192x128xf32, #tpu.memory_space<hbm>> -> memref<8192x128xf32, #tpu.memory_space<hbm>>
      tpu.enqueue_indirect_dma source(%dma_start3A_30 : memref<8192x128xf32, #tpu.memory_space<hbm>>) target(%arg7 : memref<128x128xf32, #tpu.memory_space<vmem>>) offsets(%dma_start3A_27 : memref<128xi32, #tpu.memory_space<vmem>>) semaphore(%arg9 : memref<!tpu.dma_semaphore, #tpu.memory_space<semaphore_mem>>)
      %dma_wait3A_31 = tpu.memref_slice %arg5[%mul3A_19] : memref<5120xi32, #tpu.memory_space<vmem>> -> memref<128xi32, #tpu.memory_space<vmem>>
      %dma_wait3A_32 = arith.constant 0 : i32
      %dma_wait3A_33 = arith.constant 0 : i32
      %dma_wait3A_34 = tpu.memref_slice %arg3[%dma_wait3A_32, %dma_wait3A_33] : memref<8192x128xf32, #tpu.memory_space<hbm>> -> memref<8192x128xf32, #tpu.memory_space<hbm>>
      tpu.wait_indirect_dma semaphore(%arg8 : memref<!tpu.dma_semaphore, #tpu.memory_space<semaphore_mem>>) src(%dma_wait3A_34 : memref<8192x128xf32, #tpu.memory_space<hbm>>) dst(%arg6 : memref<128x128xf32, #tpu.memory_space<vmem>>)
      %add3A_35 = arith.addi %mul3A_2, %mul3A_19 : i32
      %dma_start3A_36 = arith.constant 0 : i32
      %dma_start3A_37 = tpu.memref_slice %arg4[%add3A_35, %dma_start3A_36] : memref<163840x128xf32, #tpu.memory_space<hbm>> -> memref<128x128xf32, #tpu.memory_space<hbm>>
      %dma_start3A_38 = arith.constant 0 : i32
      %dma_start3A_39 = tpu.memref_slice %arg4[%add3A_35, %dma_start3A_38] : memref<163840x128xf32, #tpu.memory_space<hbm>> -> memref<128x128xf32, #tpu.memory_space<hbm>>
      tpu.enqueue_dma source(%arg6 : memref<128x128xf32, #tpu.memory_space<vmem>>) target(%dma_start3A_39 : memref<128x128xf32, #tpu.memory_space<hbm>>) target_semaphore(%arg10 : memref<!tpu.dma_semaphore, #tpu.memory_space<semaphore_mem>>)
      %dma_wait3A_40 = tpu.memref_slice %arg5[%add3A_21] : memref<5120xi32, #tpu.memory_space<vmem>> -> memref<128xi32, #tpu.memory_space<vmem>>
      %dma_wait3A_41 = arith.constant 0 : i32
      %dma_wait3A_42 = arith.constant 0 : i32
      %dma_wait3A_43 = tpu.memref_slice %arg3[%dma_wait3A_41, %dma_wait3A_42] : memref<8192x128xf32, #tpu.memory_space<hbm>> -> memref<8192x128xf32, #tpu.memory_space<hbm>>
      tpu.wait_indirect_dma semaphore(%arg9 : memref<!tpu.dma_semaphore, #tpu.memory_space<semaphore_mem>>) src(%dma_wait3A_43 : memref<8192x128xf32, #tpu.memory_space<hbm>>) dst(%arg7 : memref<128x128xf32, #tpu.memory_space<vmem>>)
      %add3A_44 = arith.addi %mul3A_2, %add3A_21 : i32
      %dma_start3A_45 = arith.constant 0 : i32
      %dma_start3A_46 = tpu.memref_slice %arg4[%add3A_44, %dma_start3A_45] : memref<163840x128xf32, #tpu.memory_space<hbm>> -> memref<128x128xf32, #tpu.memory_space<hbm>>
      %dma_start3A_47 = arith.constant 0 : i32
      %dma_start3A_48 = tpu.memref_slice %arg4[%add3A_44, %dma_start3A_47] : memref<163840x128xf32, #tpu.memory_space<hbm>> -> memref<128x128xf32, #tpu.memory_space<hbm>>
      tpu.enqueue_dma source(%arg7 : memref<128x128xf32, #tpu.memory_space<vmem>>) target(%dma_start3A_48 : memref<128x128xf32, #tpu.memory_space<hbm>>) target_semaphore(%arg11 : memref<!tpu.dma_semaphore, #tpu.memory_space<semaphore_mem>>)
    }
    %scan3A_7 = arith.constant 20 : i32
    %dma_wait3A = arith.constant 0 : i32
    %dma_wait3A_8 = tpu.memref_slice %arg4[%mul3A_2, %dma_wait3A] : memref<163840x128xf32, #tpu.memory_space<hbm>> -> memref<128x128xf32, #tpu.memory_space<hbm>>
    %dma_wait3A_9 = arith.constant 0 : i32
    %dma_wait3A_10 = tpu.memref_slice %arg4[%mul3A_2, %dma_wait3A_9] : memref<163840x128xf32, #tpu.memory_space<hbm>> -> memref<128x128xf32, #tpu.memory_space<hbm>>
    tpu.wait_dma2 semaphore(%arg10 : memref<!tpu.dma_semaphore, #tpu.memory_space<semaphore_mem>>) src(%arg6 : memref<128x128xf32, #tpu.memory_space<vmem>>) dst(%dma_wait3A_10 : memref<128x128xf32, #tpu.memory_space<hbm>>)
    %dma_wait3A_11 = arith.constant 0 : i32
    %dma_wait3A_12 = tpu.memref_slice %arg4[%mul3A_2, %dma_wait3A_11] : memref<163840x128xf32, #tpu.memory_space<hbm>> -> memref<128x128xf32, #tpu.memory_space<hbm>>
    %dma_wait3A_13 = arith.constant 0 : i32
    %dma_wait3A_14 = tpu.memref_slice %arg4[%mul3A_2, %dma_wait3A_13] : memref<163840x128xf32, #tpu.memory_space<hbm>> -> memref<128x128xf32, #tpu.memory_space<hbm>>
    tpu.wait_dma2 semaphore(%arg11 : memref<!tpu.dma_semaphore, #tpu.memory_space<semaphore_mem>>) src(%arg7 : memref<128x128xf32, #tpu.memory_space<vmem>>) dst(%dma_wait3A_14 : memref<128x128xf32, #tpu.memory_space<hbm>>)
    return
  }
}

#map = affine_map<(d0, d1) -> (0)>
#map1 = affine_map<(d0, d1) -> (0, 0)>
module attributes {stable_mosaic.version = 14 : i64} {
  func.func @gk(%arg0: i32, %arg1: i32, %arg2: memref<163840xi32, #tpu.memory_space<hbm>>, %arg3: memref<8192x128xf32, #tpu.memory_space<hbm>>, %arg4: memref<163840x128xf32, #tpu.memory_space<hbm>>, %arg5: memref<5120xi32, #tpu.memory_space<vmem>>, %arg6: memref<128x128xf32, #tpu.memory_space<vmem>>, %arg7: memref<128x128xf32, #tpu.memory_space<vmem>>, %arg8: memref<!tpu.dma_semaphore, #tpu.memory_space<semaphore_mem>>, %arg9: memref<!tpu.dma_semaphore, #tpu.memory_space<semaphore_mem>>, %arg10: memref<!tpu.dma_semaphore, #tpu.memory_space<semaphore_mem>>, %arg11: memref<!tpu.dma_semaphore, #tpu.memory_space<semaphore_mem>>) attributes {dimension_semantics = [#tpu.dimension_semantics<core_parallel>, #tpu.dimension_semantics<subcore_parallel>], iteration_bounds = array<i64: 2, 16>, scalar_prefetch = 0 : i64, scratch_operands = 7 : i64, tpu.core_type = #tpu.core_type<sc_vector_subcore>, window_params = [{transform_indices = #map}, {transform_indices = #map1}, {transform_indices = #map1}]} {
    %mul3A = arith.constant 2 : i32
    %mul3A_0 = arith.muli %arg1, %mul3A : i32
    %add3A = arith.addi %mul3A_0, %arg0 : i32
    %mul3A_1 = arith.constant 5120 : i32
    %mul3A_2 = arith.muli %add3A, %mul3A_1 : i32
    "tpu.region"() ({
      %run_scoped3A = tpu.sem_alloc : memref<!tpu.dma_semaphore, #tpu.memory_space<semaphore_mem>>
      %dma_start3A = tpu.memref_slice %arg2[%mul3A_2] : memref<163840xi32, #tpu.memory_space<hbm>> -> memref<5120xi32, #tpu.memory_space<hbm>>
      %dma_start3A_15 = tpu.memref_slice %arg2[%mul3A_2] : memref<163840xi32, #tpu.memory_space<hbm>> -> memref<5120xi32, #tpu.memory_space<hbm>>
      tpu.enqueue_dma source(%dma_start3A_15 : memref<5120xi32, #tpu.memory_space<hbm>>) target(%arg5 : memref<5120xi32, #tpu.memory_space<vmem>>) target_semaphore(%run_scoped3A : memref<!tpu.dma_semaphore, #tpu.memory_space<semaphore_mem>>)
      %dma_wait3A_16 = tpu.memref_slice %arg2[%mul3A_2] : memref<163840xi32, #tpu.memory_space<hbm>> -> memref<5120xi32, #tpu.memory_space<hbm>>
      %dma_wait3A_17 = tpu.memref_slice %arg2[%mul3A_2] : memref<163840xi32, #tpu.memory_space<hbm>> -> memref<5120xi32, #tpu.memory_space<hbm>>
      tpu.wait_dma2 semaphore(%run_scoped3A : memref<!tpu.dma_semaphore, #tpu.memory_space<semaphore_mem>>) src(%dma_wait3A_17 : memref<5120xi32, #tpu.memory_space<hbm>>) dst(%arg5 : memref<5120xi32, #tpu.memory_space<vmem>>)
      tpu.yield
    }) : () -> ()
    %scan3A = arith.constant 0 : i32
    %scan3A_3 = arith.constant 0 : i32
    %scan3A_4 = arith.constant 20 : i32
    %scan3A_5 = arith.addi %scan3A_3, %scan3A_4 : i32
    %scan3A_6 = arith.constant 1 : i32
    scf.for %scan3A_15 = %scan3A_3 to %scan3A_5 step %scan3A_6  : i32 {
      %mul3A_16 = arith.constant 2 : i32
      %mul3A_17 = arith.muli %mul3A_16, %scan3A_15 : i32
      %mul3A_18 = arith.constant 128 : i32
      %mul3A_19 = arith.muli %mul3A_17, %mul3A_18 : i32
      %add3A_20 = arith.constant 128 : i32
      %add3A_21 = arith.addi %mul3A_19, %add3A_20 : i32
      %gt3A = arith.constant 0 : i32
      %gt3A_22 = arith.cmpi sgt, %scan3A_15, %gt3A : i32
      %convert_element_type3A = arith.extui %gt3A_22 : i1 to i32
      %cond3A = arith.constant 0 : i32
      %cond3A_23 = arith.cmpi ne, %convert_element_type3A, %cond3A : i32
      scf.if %cond3A_23 {
        %dma_wait3A_49 = arith.constant 0 : i32
        %dma_wait3A_50 = tpu.memref_slice %arg4[%mul3A_2, %dma_wait3A_49] : memref<163840x128xf32, #tpu.memory_space<hbm>> -> memref<128x128xf32, #tpu.memory_space<hbm>>
        %dma_wait3A_51 = arith.constant 0 : i32
        %dma_wait3A_52 = tpu.memref_slice %arg4[%mul3A_2, %dma_wait3A_51] : memref<163840x128xf32, #tpu.memory_space<hbm>> -> memref<128x128xf32, #tpu.memory_space<hbm>>
        tpu.wait_dma2 semaphore(%arg10 : memref<!tpu.dma_semaphore, #tpu.memory_space<semaphore_mem>>) src(%arg6 : memref<128x128xf32, #tpu.memory_space<vmem>>) dst(%dma_wait3A_52 : memref<128x128xf32, #tpu.memory_space<hbm>>)
        %dma_wait3A_53 = arith.constant 0 : i32
        %dma_wait3A_54 = tpu.memref_slice %arg4[%mul3A_2, %dma_wait3A_53] : memref<163840x128xf32, #tpu.memory_space<hbm>> -> memref<128x128xf32, #tpu.memory_space<hbm>>
        %dma_wait3A_55 = arith.constant 0 : i32
        %dma_wait3A_56 = tpu.memref_slice %arg4[%mul3A_2, %dma_wait3A_55] : memref<163840x128xf32, #tpu.memory_space<hbm>> -> memref<128x128xf32, #tpu.memory_space<hbm>>
        tpu.wait_dma2 semaphore(%arg11 : memref<!tpu.dma_semaphore, #tpu.memory_space<semaphore_mem>>) src(%arg7 : memref<128x128xf32, #tpu.memory_space<vmem>>) dst(%dma_wait3A_56 : memref<128x128xf32, #tpu.memory_space<hbm>>)
      } else {
      }
      %dma_start3A = tpu.memref_slice %arg5[%mul3A_19] : memref<5120xi32, #tpu.memory_space<vmem>> -> memref<128xi32, #tpu.memory_space<vmem>>
      %dma_start3A_24 = arith.constant 0 : i32
      %dma_start3A_25 = arith.constant 0 : i32
      %dma_start3A_26 = tpu.memref_slice %arg3[%dma_start3A_24, %dma_start3A_25] : memref<8192x128xf32, #tpu.memory_space<hbm>> -> memref<8192x128xf32, #tpu.memory_space<hbm>>
      tpu.enqueue_indirect_dma source(%dma_start3A_26 : memref<8192x128xf32, #tpu.memory_space<hbm>>) target(%arg6 : memref<128x128xf32, #tpu.memory_space<vmem>>) offsets(%dma_start3A : memref<128xi32, #tpu.memory_space<vmem>>) semaphore(%arg8 : memref<!tpu.dma_semaphore, #tpu.memory_space<semaphore_mem>>)
      %dma_start3A_27 = tpu.memref_slice %arg5[%add3A_21] : memref<5120xi32, #tpu.memory_space<vmem>> -> memref<128xi32, #tpu.memory_space<vmem>>
      %dma_start3A_28 = arith.constant 0 : i32
      %dma_start3A_29 = arith.constant 0 : i32
      %dma_start3A_30 = tpu.memref_slice %arg3[%dma_start3A_28, %dma_start3A_29] : memref<8192x128xf32, #tpu.memory_space<hbm>> -> memref<8192x128xf32, #tpu.memory_space<hbm>>
      tpu.enqueue_indirect_dma source(%dma_start3A_30 : memref<8192x128xf32, #tpu.memory_space<hbm>>) target(%arg7 : memref<128x128xf32, #tpu.memory_space<vmem>>) offsets(%dma_start3A_27 : memref<128xi32, #tpu.memory_space<vmem>>) semaphore(%arg9 : memref<!tpu.dma_semaphore, #tpu.memory_space<semaphore_mem>>)
      %dma_wait3A_31 = tpu.memref_slice %arg5[%mul3A_19] : memref<5120xi32, #tpu.memory_space<vmem>> -> memref<128xi32, #tpu.memory_space<vmem>>
      %dma_wait3A_32 = arith.constant 0 : i32
      %dma_wait3A_33 = arith.constant 0 : i32
      %dma_wait3A_34 = tpu.memref_slice %arg3[%dma_wait3A_32, %dma_wait3A_33] : memref<8192x128xf32, #tpu.memory_space<hbm>> -> memref<8192x128xf32, #tpu.memory_space<hbm>>
      tpu.wait_indirect_dma semaphore(%arg8 : memref<!tpu.dma_semaphore, #tpu.memory_space<semaphore_mem>>) src(%dma_wait3A_34 : memref<8192x128xf32, #tpu.memory_space<hbm>>) dst(%arg6 : memref<128x128xf32, #tpu.memory_space<vmem>>)
      %add3A_35 = arith.addi %mul3A_2, %mul3A_19 : i32
      %dma_start3A_36 = arith.constant 0 : i32
      %dma_start3A_37 = tpu.memref_slice %arg4[%add3A_35, %dma_start3A_36] : memref<163840x128xf32, #tpu.memory_space<hbm>> -> memref<128x128xf32, #tpu.memory_space<hbm>>
      %dma_start3A_38 = arith.constant 0 : i32
      %dma_start3A_39 = tpu.memref_slice %arg4[%add3A_35, %dma_start3A_38] : memref<163840x128xf32, #tpu.memory_space<hbm>> -> memref<128x128xf32, #tpu.memory_space<hbm>>
      tpu.enqueue_dma source(%arg6 : memref<128x128xf32, #tpu.memory_space<vmem>>) target(%dma_start3A_39 : memref<128x128xf32, #tpu.memory_space<hbm>>) target_semaphore(%arg10 : memref<!tpu.dma_semaphore, #tpu.memory_space<semaphore_mem>>)
      %dma_wait3A_40 = tpu.memref_slice %arg5[%add3A_21] : memref<5120xi32, #tpu.memory_space<vmem>> -> memref<128xi32, #tpu.memory_space<vmem>>
      %dma_wait3A_41 = arith.constant 0 : i32
      %dma_wait3A_42 = arith.constant 0 : i32
      %dma_wait3A_43 = tpu.memref_slice %arg3[%dma_wait3A_41, %dma_wait3A_42] : memref<8192x128xf32, #tpu.memory_space<hbm>> -> memref<8192x128xf32, #tpu.memory_space<hbm>>
      tpu.wait_indirect_dma semaphore(%arg9 : memref<!tpu.dma_semaphore, #tpu.memory_space<semaphore_mem>>) src(%dma_wait3A_43 : memref<8192x128xf32, #tpu.memory_space<hbm>>) dst(%arg7 : memref<128x128xf32, #tpu.memory_space<vmem>>)
      %add3A_44 = arith.addi %mul3A_2, %add3A_21 : i32
      %dma_start3A_45 = arith.constant 0 : i32
      %dma_start3A_46 = tpu.memref_slice %arg4[%add3A_44, %dma_start3A_45] : memref<163840x128xf32, #tpu.memory_space<hbm>> -> memref<128x128xf32, #tpu.memory_space<hbm>>
      %dma_start3A_47 = arith.constant 0 : i32
      %dma_start3A_48 = tpu.memref_slice %arg4[%add3A_44, %dma_start3A_47] : memref<163840x128xf32, #tpu.memory_space<hbm>> -> memref<128x128xf32, #tpu.memory_space<hbm>>
      tpu.enqueue_dma source(%arg7 : memref<128x128xf32, #tpu.memory_space<vmem>>) target(%dma_start3A_48 : memref<128x128xf32, #tpu.memory_space<hbm>>) target_semaphore(%arg11 : memref<!tpu.dma_semaphore, #tpu.memory_space<semaphore_mem>>)
    }
    %scan3A_7 = arith.constant 20 : i32
    %dma_wait3A = arith.constant 0 : i32
    %dma_wait3A_8 = tpu.memref_slice %arg4[%mul3A_2, %dma_wait3A] : memref<163840x128xf32, #tpu.memory_space<hbm>> -> memref<128x128xf32, #tpu.memory_space<hbm>>
    %dma_wait3A_9 = arith.constant 0 : i32
    %dma_wait3A_10 = tpu.memref_slice %arg4[%mul3A_2, %dma_wait3A_9] : memref<163840x128xf32, #tpu.memory_space<hbm>> -> memref<128x128xf32, #tpu.memory_space<hbm>>
    tpu.wait_dma2 semaphore(%arg10 : memref<!tpu.dma_semaphore, #tpu.memory_space<semaphore_mem>>) src(%arg6 : memref<128x128xf32, #tpu.memory_space<vmem>>) dst(%dma_wait3A_10 : memref<128x128xf32, #tpu.memory_space<hbm>>)
    %dma_wait3A_11 = arith.constant 0 : i32
    %dma_wait3A_12 = tpu.memref_slice %arg4[%mul3A_2, %dma_wait3A_11] : memref<163840x128xf32, #tpu.memory_space<hbm>> -> memref<128x128xf32, #tpu.memory_space<hbm>>
    %dma_wait3A_13 = arith.constant 0 : i32
    %dma_wait3A_14 = tpu.memref_slice %arg4[%mul3A_2, %dma_wait3A_13] : memref<163840x128xf32, #tpu.memory_space<hbm>> -> memref<128x128xf32, #tpu.memory_space<hbm>>
    tpu.wait_dma2 semaphore(%arg11 : memref<!tpu.dma_semaphore, #tpu.memory_space<semaphore_mem>>) src(%arg7 : memref<128x128xf32, #tpu.memory_space<vmem>>) dst(%dma_wait3A_14 : memref<128x128xf32, #tpu.memory_space<hbm>>)
    return
  }
}

#map = affine_map<(d0, d1) -> (0)>
#map1 = affine_map<(d0, d1) -> (0, 0)>
module attributes {stable_mosaic.version = 14 : i64} {
  func.func @gk(%arg0: i32, %arg1: i32, %arg2: memref<163840xi32, #tpu.memory_space<hbm>>, %arg3: memref<8192x128xf32, #tpu.memory_space<hbm>>, %arg4: memref<163840x128xf32, #tpu.memory_space<hbm>>, %arg5: memref<5120xi32, #tpu.memory_space<vmem>>, %arg6: memref<128x128xf32, #tpu.memory_space<vmem>>, %arg7: memref<128x128xf32, #tpu.memory_space<vmem>>, %arg8: memref<!tpu.dma_semaphore, #tpu.memory_space<semaphore_mem>>, %arg9: memref<!tpu.dma_semaphore, #tpu.memory_space<semaphore_mem>>, %arg10: memref<!tpu.dma_semaphore, #tpu.memory_space<semaphore_mem>>, %arg11: memref<!tpu.dma_semaphore, #tpu.memory_space<semaphore_mem>>) attributes {dimension_semantics = [#tpu.dimension_semantics<core_parallel>, #tpu.dimension_semantics<subcore_parallel>], iteration_bounds = array<i64: 2, 16>, scalar_prefetch = 0 : i64, scratch_operands = 7 : i64, tpu.core_type = #tpu.core_type<sc_vector_subcore>, window_params = [{transform_indices = #map}, {transform_indices = #map1}, {transform_indices = #map1}]} {
    %mul3A = arith.constant 2 : i32
    %mul3A_0 = arith.muli %arg1, %mul3A : i32
    %add3A = arith.addi %mul3A_0, %arg0 : i32
    %mul3A_1 = arith.constant 5120 : i32
    %mul3A_2 = arith.muli %add3A, %mul3A_1 : i32
    "tpu.region"() ({
      %run_scoped3A = tpu.sem_alloc : memref<!tpu.dma_semaphore, #tpu.memory_space<semaphore_mem>>
      %dma_start3A = tpu.memref_slice %arg2[%mul3A_2] : memref<163840xi32, #tpu.memory_space<hbm>> -> memref<5120xi32, #tpu.memory_space<hbm>>
      %dma_start3A_15 = tpu.memref_slice %arg2[%mul3A_2] : memref<163840xi32, #tpu.memory_space<hbm>> -> memref<5120xi32, #tpu.memory_space<hbm>>
      tpu.enqueue_dma source(%dma_start3A_15 : memref<5120xi32, #tpu.memory_space<hbm>>) target(%arg5 : memref<5120xi32, #tpu.memory_space<vmem>>) target_semaphore(%run_scoped3A : memref<!tpu.dma_semaphore, #tpu.memory_space<semaphore_mem>>)
      %dma_wait3A_16 = tpu.memref_slice %arg2[%mul3A_2] : memref<163840xi32, #tpu.memory_space<hbm>> -> memref<5120xi32, #tpu.memory_space<hbm>>
      %dma_wait3A_17 = tpu.memref_slice %arg2[%mul3A_2] : memref<163840xi32, #tpu.memory_space<hbm>> -> memref<5120xi32, #tpu.memory_space<hbm>>
      tpu.wait_dma2 semaphore(%run_scoped3A : memref<!tpu.dma_semaphore, #tpu.memory_space<semaphore_mem>>) src(%dma_wait3A_17 : memref<5120xi32, #tpu.memory_space<hbm>>) dst(%arg5 : memref<5120xi32, #tpu.memory_space<vmem>>)
      tpu.yield
    }) : () -> ()
    %scan3A = arith.constant 0 : i32
    %scan3A_3 = arith.constant 0 : i32
    %scan3A_4 = arith.constant 20 : i32
    %scan3A_5 = arith.addi %scan3A_3, %scan3A_4 : i32
    %scan3A_6 = arith.constant 1 : i32
    scf.for %scan3A_15 = %scan3A_3 to %scan3A_5 step %scan3A_6  : i32 {
      %mul3A_16 = arith.constant 2 : i32
      %mul3A_17 = arith.muli %mul3A_16, %scan3A_15 : i32
      %mul3A_18 = arith.constant 128 : i32
      %mul3A_19 = arith.muli %mul3A_17, %mul3A_18 : i32
      %add3A_20 = arith.constant 128 : i32
      %add3A_21 = arith.addi %mul3A_19, %add3A_20 : i32
      %gt3A = arith.constant 0 : i32
      %gt3A_22 = arith.cmpi sgt, %scan3A_15, %gt3A : i32
      %convert_element_type3A = arith.extui %gt3A_22 : i1 to i32
      %cond3A = arith.constant 0 : i32
      %cond3A_23 = arith.cmpi ne, %convert_element_type3A, %cond3A : i32
      scf.if %cond3A_23 {
        %dma_wait3A_49 = arith.constant 0 : i32
        %dma_wait3A_50 = tpu.memref_slice %arg4[%mul3A_2, %dma_wait3A_49] : memref<163840x128xf32, #tpu.memory_space<hbm>> -> memref<128x128xf32, #tpu.memory_space<hbm>>
        %dma_wait3A_51 = arith.constant 0 : i32
        %dma_wait3A_52 = tpu.memref_slice %arg4[%mul3A_2, %dma_wait3A_51] : memref<163840x128xf32, #tpu.memory_space<hbm>> -> memref<128x128xf32, #tpu.memory_space<hbm>>
        tpu.wait_dma2 semaphore(%arg10 : memref<!tpu.dma_semaphore, #tpu.memory_space<semaphore_mem>>) src(%arg6 : memref<128x128xf32, #tpu.memory_space<vmem>>) dst(%dma_wait3A_52 : memref<128x128xf32, #tpu.memory_space<hbm>>)
        %dma_wait3A_53 = arith.constant 0 : i32
        %dma_wait3A_54 = tpu.memref_slice %arg4[%mul3A_2, %dma_wait3A_53] : memref<163840x128xf32, #tpu.memory_space<hbm>> -> memref<128x128xf32, #tpu.memory_space<hbm>>
        %dma_wait3A_55 = arith.constant 0 : i32
        %dma_wait3A_56 = tpu.memref_slice %arg4[%mul3A_2, %dma_wait3A_55] : memref<163840x128xf32, #tpu.memory_space<hbm>> -> memref<128x128xf32, #tpu.memory_space<hbm>>
        tpu.wait_dma2 semaphore(%arg11 : memref<!tpu.dma_semaphore, #tpu.memory_space<semaphore_mem>>) src(%arg7 : memref<128x128xf32, #tpu.memory_space<vmem>>) dst(%dma_wait3A_56 : memref<128x128xf32, #tpu.memory_space<hbm>>)
      } else {
      }
      %dma_start3A = tpu.memref_slice %arg5[%mul3A_19] : memref<5120xi32, #tpu.memory_space<vmem>> -> memref<128xi32, #tpu.memory_space<vmem>>
      %dma_start3A_24 = arith.constant 0 : i32
      %dma_start3A_25 = arith.constant 0 : i32
      %dma_start3A_26 = tpu.memref_slice %arg3[%dma_start3A_24, %dma_start3A_25] : memref<8192x128xf32, #tpu.memory_space<hbm>> -> memref<8192x128xf32, #tpu.memory_space<hbm>>
      tpu.enqueue_indirect_dma source(%dma_start3A_26 : memref<8192x128xf32, #tpu.memory_space<hbm>>) target(%arg6 : memref<128x128xf32, #tpu.memory_space<vmem>>) offsets(%dma_start3A : memref<128xi32, #tpu.memory_space<vmem>>) semaphore(%arg8 : memref<!tpu.dma_semaphore, #tpu.memory_space<semaphore_mem>>)
      %dma_start3A_27 = tpu.memref_slice %arg5[%add3A_21] : memref<5120xi32, #tpu.memory_space<vmem>> -> memref<128xi32, #tpu.memory_space<vmem>>
      %dma_start3A_28 = arith.constant 0 : i32
      %dma_start3A_29 = arith.constant 0 : i32
      %dma_start3A_30 = tpu.memref_slice %arg3[%dma_start3A_28, %dma_start3A_29] : memref<8192x128xf32, #tpu.memory_space<hbm>> -> memref<8192x128xf32, #tpu.memory_space<hbm>>
      tpu.enqueue_indirect_dma source(%dma_start3A_30 : memref<8192x128xf32, #tpu.memory_space<hbm>>) target(%arg7 : memref<128x128xf32, #tpu.memory_space<vmem>>) offsets(%dma_start3A_27 : memref<128xi32, #tpu.memory_space<vmem>>) semaphore(%arg9 : memref<!tpu.dma_semaphore, #tpu.memory_space<semaphore_mem>>)
      %dma_wait3A_31 = tpu.memref_slice %arg5[%mul3A_19] : memref<5120xi32, #tpu.memory_space<vmem>> -> memref<128xi32, #tpu.memory_space<vmem>>
      %dma_wait3A_32 = arith.constant 0 : i32
      %dma_wait3A_33 = arith.constant 0 : i32
      %dma_wait3A_34 = tpu.memref_slice %arg3[%dma_wait3A_32, %dma_wait3A_33] : memref<8192x128xf32, #tpu.memory_space<hbm>> -> memref<8192x128xf32, #tpu.memory_space<hbm>>
      tpu.wait_indirect_dma semaphore(%arg8 : memref<!tpu.dma_semaphore, #tpu.memory_space<semaphore_mem>>) src(%dma_wait3A_34 : memref<8192x128xf32, #tpu.memory_space<hbm>>) dst(%arg6 : memref<128x128xf32, #tpu.memory_space<vmem>>)
      %add3A_35 = arith.addi %mul3A_2, %mul3A_19 : i32
      %dma_start3A_36 = arith.constant 0 : i32
      %dma_start3A_37 = tpu.memref_slice %arg4[%add3A_35, %dma_start3A_36] : memref<163840x128xf32, #tpu.memory_space<hbm>> -> memref<128x128xf32, #tpu.memory_space<hbm>>
      %dma_start3A_38 = arith.constant 0 : i32
      %dma_start3A_39 = tpu.memref_slice %arg4[%add3A_35, %dma_start3A_38] : memref<163840x128xf32, #tpu.memory_space<hbm>> -> memref<128x128xf32, #tpu.memory_space<hbm>>
      tpu.enqueue_dma source(%arg6 : memref<128x128xf32, #tpu.memory_space<vmem>>) target(%dma_start3A_39 : memref<128x128xf32, #tpu.memory_space<hbm>>) target_semaphore(%arg10 : memref<!tpu.dma_semaphore, #tpu.memory_space<semaphore_mem>>)
      %dma_wait3A_40 = tpu.memref_slice %arg5[%add3A_21] : memref<5120xi32, #tpu.memory_space<vmem>> -> memref<128xi32, #tpu.memory_space<vmem>>
      %dma_wait3A_41 = arith.constant 0 : i32
      %dma_wait3A_42 = arith.constant 0 : i32
      %dma_wait3A_43 = tpu.memref_slice %arg3[%dma_wait3A_41, %dma_wait3A_42] : memref<8192x128xf32, #tpu.memory_space<hbm>> -> memref<8192x128xf32, #tpu.memory_space<hbm>>
      tpu.wait_indirect_dma semaphore(%arg9 : memref<!tpu.dma_semaphore, #tpu.memory_space<semaphore_mem>>) src(%dma_wait3A_43 : memref<8192x128xf32, #tpu.memory_space<hbm>>) dst(%arg7 : memref<128x128xf32, #tpu.memory_space<vmem>>)
      %add3A_44 = arith.addi %mul3A_2, %add3A_21 : i32
      %dma_start3A_45 = arith.constant 0 : i32
      %dma_start3A_46 = tpu.memref_slice %arg4[%add3A_44, %dma_start3A_45] : memref<163840x128xf32, #tpu.memory_space<hbm>> -> memref<128x128xf32, #tpu.memory_space<hbm>>
      %dma_start3A_47 = arith.constant 0 : i32
      %dma_start3A_48 = tpu.memref_slice %arg4[%add3A_44, %dma_start3A_47] : memref<163840x128xf32, #tpu.memory_space<hbm>> -> memref<128x128xf32, #tpu.memory_space<hbm>>
      tpu.enqueue_dma source(%arg7 : memref<128x128xf32, #tpu.memory_space<vmem>>) target(%dma_start3A_48 : memref<128x128xf32, #tpu.memory_space<hbm>>) target_semaphore(%arg11 : memref<!tpu.dma_semaphore, #tpu.memory_space<semaphore_mem>>)
    }
    %scan3A_7 = arith.constant 20 : i32
    %dma_wait3A = arith.constant 0 : i32
    %dma_wait3A_8 = tpu.memref_slice %arg4[%mul3A_2, %dma_wait3A] : memref<163840x128xf32, #tpu.memory_space<hbm>> -> memref<128x128xf32, #tpu.memory_space<hbm>>
    %dma_wait3A_9 = arith.constant 0 : i32
    %dma_wait3A_10 = tpu.memref_slice %arg4[%mul3A_2, %dma_wait3A_9] : memref<163840x128xf32, #tpu.memory_space<hbm>> -> memref<128x128xf32, #tpu.memory_space<hbm>>
    tpu.wait_dma2 semaphore(%arg10 : memref<!tpu.dma_semaphore, #tpu.memory_space<semaphore_mem>>) src(%arg6 : memref<128x128xf32, #tpu.memory_space<vmem>>) dst(%dma_wait3A_10 : memref<128x128xf32, #tpu.memory_space<hbm>>)
    %dma_wait3A_11 = arith.constant 0 : i32
    %dma_wait3A_12 = tpu.memref_slice %arg4[%mul3A_2, %dma_wait3A_11] : memref<163840x128xf32, #tpu.memory_space<hbm>> -> memref<128x128xf32, #tpu.memory_space<hbm>>
    %dma_wait3A_13 = arith.constant 0 : i32
    %dma_wait3A_14 = tpu.memref_slice %arg4[%mul3A_2, %dma_wait3A_13] : memref<163840x128xf32, #tpu.memory_space<hbm>> -> memref<128x128xf32, #tpu.memory_space<hbm>>
    tpu.wait_dma2 semaphore(%arg11 : memref<!tpu.dma_semaphore, #tpu.memory_space<semaphore_mem>>) src(%arg7 : memref<128x128xf32, #tpu.memory_space<vmem>>) dst(%dma_wait3A_14 : memref<128x128xf32, #tpu.memory_space<hbm>>)
    return
  }
}

module attributes {stable_mosaic.version = 14 : i64} {
  func.func @_knn_body(%arg0: i32, %arg1: i32, %arg2: memref<1x2048x128xf32, #tpu.memory_space<vmem>>, %arg3: memref<1x512x128xf32, #tpu.memory_space<vmem>>, %arg4: memref<1x512x20xi32, #tpu.memory_space<vmem>>) attributes {dimension_semantics = [#tpu.dimension_semantics<arbitrary>, #tpu.dimension_semantics<arbitrary>], iteration_bounds = array<i64: 4, 4>, scalar_prefetch = 0 : i64, scratch_operands = 0 : i64, tpu.core_type = #tpu.core_type<tc>, window_params = [{transform_indices = @transform_0, window_bounds = array<i64: 1, 2048, 128>}, {transform_indices = @transform_1, window_bounds = array<i64: 1, 512, 128>}, {transform_indices = @transform_2, window_bounds = array<i64: 1, 512, 20>}]} {
    %get3A = arith.constant 0 : index
    %get3A_0 = arith.constant 0 : index
    %get3A_1 = arith.constant 0 : index
    %get3A_2 = vector.load %arg2[%get3A, %get3A_0, %get3A_1] : memref<1x2048x128xf32, #tpu.memory_space<vmem>>, vector<1x2048x128xf32>
    %get3A_3 = vector.shape_cast %get3A_2 : vector<1x2048x128xf32> to vector<2048x128xf32>
    %slice3A = vector.extract_strided_slice %get3A_3 {offsets = [0, 0], sizes = [2048, 3], strides = [1, 1]} : vector<2048x128xf32> to vector<2048x3xf32>
    %get3A_4 = arith.constant 0 : index
    %get3A_5 = arith.constant 0 : index
    %get3A_6 = arith.constant 0 : index
    %get3A_7 = vector.load %arg3[%get3A_4, %get3A_5, %get3A_6] : memref<1x512x128xf32, #tpu.memory_space<vmem>>, vector<1x512x128xf32>
    %get3A_8 = vector.shape_cast %get3A_7 : vector<1x512x128xf32> to vector<512x128xf32>
    %slice3A_9 = vector.extract_strided_slice %get3A_8 {offsets = [0, 0], sizes = [512, 3], strides = [1, 1]} : vector<512x128xf32> to vector<512x3xf32>
    %mul3A = arith.mulf %slice3A, %slice3A : vector<2048x3xf32>
    %reduce_sum3A = arith.constant dense<0.000000e+00> : vector<2048xf32>
    %reduce_sum3A_10 = vector.multi_reduction <add>, %mul3A, %reduce_sum3A [1] : vector<2048x3xf32> to vector<2048xf32>
    %mul3A_11 = arith.mulf %slice3A_9, %slice3A_9 : vector<512x3xf32>
    %reduce_sum3A_12 = arith.constant dense<0.000000e+00> : vector<512xf32>
    %reduce_sum3A_13 = vector.multi_reduction <add>, %mul3A_11, %reduce_sum3A_12 [1] : vector<512x3xf32> to vector<512xf32>
    %dot_general3A = arith.constant dense<0.000000e+00> : vector<512x2048xf32>
    %dot_general3A_14 = tpu.matmul %slice3A_9, %slice3A, %dot_general3A {dimension_numbers = #tpu.dot_dimension_numbers<[1], [1], [0], [0], [0, 0, 1, 0], [], []>, transpose_lhs_hint = false} : vector<512x3xf32>, vector<2048x3xf32>, vector<512x2048xf32> -> vector<512x2048xf32>
    %broadcast_in_dim3A = vector.shape_cast %reduce_sum3A_13 : vector<512xf32> to vector<512x1xf32>
    %broadcast_in_dim3A_15 = vector.shape_cast %reduce_sum3A_10 : vector<2048xf32> to vector<1x2048xf32>
    %add3A = vector.broadcast %broadcast_in_dim3A : vector<512x1xf32> to vector<512x2048xf32>
    %add3A_16 = vector.broadcast %broadcast_in_dim3A_15 : vector<1x2048xf32> to vector<512x2048xf32>
    %add3A_17 = arith.addf %add3A, %add3A_16 : vector<512x2048xf32>
    %mul3A_18 = arith.constant 2.000000e+00 : f32
    %mul3A_19 = vector.broadcast %mul3A_18 : f32 to vector<512x2048xf32>
    %mul3A_20 = arith.mulf %mul3A_19, %dot_general3A_14 : vector<512x2048xf32>
    %sub3A = arith.subf %add3A_17, %mul3A_20 : vector<512x2048xf32>
    %iota3A = tpu.iota {dimensions = array<i32: 1>} : vector<512x2048xi32>
    %mul3A_21 = arith.constant 512 : i32
    %mul3A_22 = arith.muli %arg1, %mul3A_21 : i32
    %iota3A_23 = tpu.iota {dimensions = array<i32: 0>} : vector<512x2048xi32>
    %add3A_24 = vector.broadcast %mul3A_22 : i32 to vector<512x2048xi32>
    %add3A_25 = arith.addi %add3A_24, %iota3A_23 : vector<512x2048xi32>
    %eq3A = arith.cmpi eq, %iota3A, %add3A_25 : vector<512x2048xi32>
    %add3A_26 = arith.constant 1.000000e+10 : f32
    %add3A_27 = vector.broadcast %add3A_26 : f32 to vector<512x2048xf32>
    %add3A_28 = arith.addf %sub3A, %add3A_27 : vector<512x2048xf32>
    %select_n3A = arith.select %eq3A, %add3A_28, %sub3A : vector<512x2048xi1>, vector<512x2048xf32>
    %argmin3A = tpu.reduce_index %select_n3A {axis = 1 : i32, kind = #tpu.reduction_kind<arg_min>} : vector<512x2048xf32> -> vector<512xi32>
    %broadcast_in_dim3A_29 = vector.shape_cast %argmin3A : vector<512xi32> to vector<512x1xi32>
    %eq3A_30 = vector.broadcast %broadcast_in_dim3A_29 : vector<512x1xi32> to vector<512x2048xi32>
    %eq3A_31 = arith.cmpi eq, %iota3A, %eq3A_30 : vector<512x2048xi32>
    %jit3A = arith.constant 0x7F800000 : f32
    %broadcast_in_dim3A_32 = vector.broadcast %jit3A : f32 to vector<512x2048xf32>
    %select_n3A_33 = arith.select %eq3A_31, %broadcast_in_dim3A_32, %select_n3A : vector<512x2048xi1>, vector<512x2048xf32>
    %argmin3A_34 = tpu.reduce_index %select_n3A_33 {axis = 1 : i32, kind = #tpu.reduction_kind<arg_min>} : vector<512x2048xf32> -> vector<512xi32>
    %broadcast_in_dim3A_35 = vector.shape_cast %argmin3A_34 : vector<512xi32> to vector<512x1xi32>
    %eq3A_36 = vector.broadcast %broadcast_in_dim3A_35 : vector<512x1xi32> to vector<512x2048xi32>
    %eq3A_37 = arith.cmpi eq, %iota3A, %eq3A_36 : vector<512x2048xi32>
    %jit3A_38 = arith.constant 0x7F800000 : f32
    %broadcast_in_dim3A_39 = vector.broadcast %jit3A_38 : f32 to vector<512x2048xf32>
    %select_n3A_40 = arith.select %eq3A_37, %broadcast_in_dim3A_39, %select_n3A_33 : vector<512x2048xi1>, vector<512x2048xf32>
    %argmin3A_41 = tpu.reduce_index %select_n3A_40 {axis = 1 : i32, kind = #tpu.reduction_kind<arg_min>} : vector<512x2048xf32> -> vector<512xi32>
    %broadcast_in_dim3A_42 = vector.shape_cast %argmin3A_41 : vector<512xi32> to vector<512x1xi32>
    %eq3A_43 = vector.broadcast %broadcast_in_dim3A_42 : vector<512x1xi32> to vector<512x2048xi32>
    %eq3A_44 = arith.cmpi eq, %iota3A, %eq3A_43 : vector<512x2048xi32>
    %jit3A_45 = arith.constant 0x7F800000 : f32
    %broadcast_in_dim3A_46 = vector.broadcast %jit3A_45 : f32 to vector<512x2048xf32>
    %select_n3A_47 = arith.select %eq3A_44, %broadcast_in_dim3A_46, %select_n3A_40 : vector<512x2048xi1>, vector<512x2048xf32>
    %argmin3A_48 = tpu.reduce_index %select_n3A_47 {axis = 1 : i32, kind = #tpu.reduction_kind<arg_min>} : vector<512x2048xf32> -> vector<512xi32>
    %broadcast_in_dim3A_49 = vector.shape_cast %argmin3A_48 : vector<512xi32> to vector<512x1xi32>
    %eq3A_50 = vector.broadcast %broadcast_in_dim3A_49 : vector<512x1xi32> to vector<512x2048xi32>
    %eq3A_51 = arith.cmpi eq, %iota3A, %eq3A_50 : vector<512x2048xi32>
    %jit3A_52 = arith.constant 0x7F800000 : f32
    %broadcast_in_dim3A_53 = vector.broadcast %jit3A_52 : f32 to vector<512x2048xf32>
    %select_n3A_54 = arith.select %eq3A_51, %broadcast_in_dim3A_53, %select_n3A_47 : vector<512x2048xi1>, vector<512x2048xf32>
    %argmin3A_55 = tpu.reduce_index %select_n3A_54 {axis = 1 : i32, kind = #tpu.reduction_kind<arg_min>} : vector<512x2048xf32> -> vector<512xi32>
    %broadcast_in_dim3A_56 = vector.shape_cast %argmin3A_55 : vector<512xi32> to vector<512x1xi32>
    %eq3A_57 = vector.broadcast %broadcast_in_dim3A_56 : vector<512x1xi32> to vector<512x2048xi32>
    %eq3A_58 = arith.cmpi eq, %iota3A, %eq3A_57 : vector<512x2048xi32>
    %jit3A_59 = arith.constant 0x7F800000 : f32
    %broadcast_in_dim3A_60 = vector.broadcast %jit3A_59 : f32 to vector<512x2048xf32>
    %select_n3A_61 = arith.select %eq3A_58, %broadcast_in_dim3A_60, %select_n3A_54 : vector<512x2048xi1>, vector<512x2048xf32>
    %argmin3A_62 = tpu.reduce_index %select_n3A_61 {axis = 1 : i32, kind = #tpu.reduction_kind<arg_min>} : vector<512x2048xf32> -> vector<512xi32>
    %broadcast_in_dim3A_63 = vector.shape_cast %argmin3A_62 : vector<512xi32> to vector<512x1xi32>
    %eq3A_64 = vector.broadcast %broadcast_in_dim3A_63 : vector<512x1xi32> to vector<512x2048xi32>
    %eq3A_65 = arith.cmpi eq, %iota3A, %eq3A_64 : vector<512x2048xi32>
    %jit3A_66 = arith.constant 0x7F800000 : f32
    %broadcast_in_dim3A_67 = vector.broadcast %jit3A_66 : f32 to vector<512x2048xf32>
    %select_n3A_68 = arith.select %eq3A_65, %broadcast_in_dim3A_67, %select_n3A_61 : vector<512x2048xi1>, vector<512x2048xf32>
    %argmin3A_69 = tpu.reduce_index %select_n3A_68 {axis = 1 : i32, kind = #tpu.reduction_kind<arg_min>} : vector<512x2048xf32> -> vector<512xi32>
    %broadcast_in_dim3A_70 = vector.shape_cast %argmin3A_69 : vector<512xi32> to vector<512x1xi32>
    %eq3A_71 = vector.broadcast %broadcast_in_dim3A_70 : vector<512x1xi32> to vector<512x2048xi32>
    %eq3A_72 = arith.cmpi eq, %iota3A, %eq3A_71 : vector<512x2048xi32>
    %jit3A_73 = arith.constant 0x7F800000 : f32
    %broadcast_in_dim3A_74 = vector.broadcast %jit3A_73 : f32 to vector<512x2048xf32>
    %select_n3A_75 = arith.select %eq3A_72, %broadcast_in_dim3A_74, %select_n3A_68 : vector<512x2048xi1>, vector<512x2048xf32>
    %argmin3A_76 = tpu.reduce_index %select_n3A_75 {axis = 1 : i32, kind = #tpu.reduction_kind<arg_min>} : vector<512x2048xf32> -> vector<512xi32>
    %broadcast_in_dim3A_77 = vector.shape_cast %argmin3A_76 : vector<512xi32> to vector<512x1xi32>
    %eq3A_78 = vector.broadcast %broadcast_in_dim3A_77 : vector<512x1xi32> to vector<512x2048xi32>
    %eq3A_79 = arith.cmpi eq, %iota3A, %eq3A_78 : vector<512x2048xi32>
    %jit3A_80 = arith.constant 0x7F800000 : f32
    %broadcast_in_dim3A_81 = vector.broadcast %jit3A_80 : f32 to vector<512x2048xf32>
    %select_n3A_82 = arith.select %eq3A_79, %broadcast_in_dim3A_81, %select_n3A_75 : vector<512x2048xi1>, vector<512x2048xf32>
    %argmin3A_83 = tpu.reduce_index %select_n3A_82 {axis = 1 : i32, kind = #tpu.reduction_kind<arg_min>} : vector<512x2048xf32> -> vector<512xi32>
    %broadcast_in_dim3A_84 = vector.shape_cast %argmin3A_83 : vector<512xi32> to vector<512x1xi32>
    %eq3A_85 = vector.broadcast %broadcast_in_dim3A_84 : vector<512x1xi32> to vector<512x2048xi32>
    %eq3A_86 = arith.cmpi eq, %iota3A, %eq3A_85 : vector<512x2048xi32>
    %jit3A_87 = arith.constant 0x7F800000 : f32
    %broadcast_in_dim3A_88 = vector.broadcast %jit3A_87 : f32 to vector<512x2048xf32>
    %select_n3A_89 = arith.select %eq3A_86, %broadcast_in_dim3A_88, %select_n3A_82 : vector<512x2048xi1>, vector<512x2048xf32>
    %argmin3A_90 = tpu.reduce_index %select_n3A_89 {axis = 1 : i32, kind = #tpu.reduction_kind<arg_min>} : vector<512x2048xf32> -> vector<512xi32>
    %broadcast_in_dim3A_91 = vector.shape_cast %argmin3A_90 : vector<512xi32> to vector<512x1xi32>
    %eq3A_92 = vector.broadcast %broadcast_in_dim3A_91 : vector<512x1xi32> to vector<512x2048xi32>
    %eq3A_93 = arith.cmpi eq, %iota3A, %eq3A_92 : vector<512x2048xi32>
    %jit3A_94 = arith.constant 0x7F800000 : f32
    %broadcast_in_dim3A_95 = vector.broadcast %jit3A_94 : f32 to vector<512x2048xf32>
    %select_n3A_96 = arith.select %eq3A_93, %broadcast_in_dim3A_95, %select_n3A_89 : vector<512x2048xi1>, vector<512x2048xf32>
    %argmin3A_97 = tpu.reduce_index %select_n3A_96 {axis = 1 : i32, kind = #tpu.reduction_kind<arg_min>} : vector<512x2048xf32> -> vector<512xi32>
    %broadcast_in_dim3A_98 = vector.shape_cast %argmin3A_97 : vector<512xi32> to vector<512x1xi32>
    %eq3A_99 = vector.broadcast %broadcast_in_dim3A_98 : vector<512x1xi32> to vector<512x2048xi32>
    %eq3A_100 = arith.cmpi eq, %iota3A, %eq3A_99 : vector<512x2048xi32>
    %jit3A_101 = arith.constant 0x7F800000 : f32
    %broadcast_in_dim3A_102 = vector.broadcast %jit3A_101 : f32 to vector<512x2048xf32>
    %select_n3A_103 = arith.select %eq3A_100, %broadcast_in_dim3A_102, %select_n3A_96 : vector<512x2048xi1>, vector<512x2048xf32>
    %argmin3A_104 = tpu.reduce_index %select_n3A_103 {axis = 1 : i32, kind = #tpu.reduction_kind<arg_min>} : vector<512x2048xf32> -> vector<512xi32>
    %broadcast_in_dim3A_105 = vector.shape_cast %argmin3A_104 : vector<512xi32> to vector<512x1xi32>
    %eq3A_106 = vector.broadcast %broadcast_in_dim3A_105 : vector<512x1xi32> to vector<512x2048xi32>
    %eq3A_107 = arith.cmpi eq, %iota3A, %eq3A_106 : vector<512x2048xi32>
    %jit3A_108 = arith.constant 0x7F800000 : f32
    %broadcast_in_dim3A_109 = vector.broadcast %jit3A_108 : f32 to vector<512x2048xf32>
    %select_n3A_110 = arith.select %eq3A_107, %broadcast_in_dim3A_109, %select_n3A_103 : vector<512x2048xi1>, vector<512x2048xf32>
    %argmin3A_111 = tpu.reduce_index %select_n3A_110 {axis = 1 : i32, kind = #tpu.reduction_kind<arg_min>} : vector<512x2048xf32> -> vector<512xi32>
    %broadcast_in_dim3A_112 = vector.shape_cast %argmin3A_111 : vector<512xi32> to vector<512x1xi32>
    %eq3A_113 = vector.broadcast %broadcast_in_dim3A_112 : vector<512x1xi32> to vector<512x2048xi32>
    %eq3A_114 = arith.cmpi eq, %iota3A, %eq3A_113 : vector<512x2048xi32>
    %jit3A_115 = arith.constant 0x7F800000 : f32
    %broadcast_in_dim3A_116 = vector.broadcast %jit3A_115 : f32 to vector<512x2048xf32>
    %select_n3A_117 = arith.select %eq3A_114, %broadcast_in_dim3A_116, %select_n3A_110 : vector<512x2048xi1>, vector<512x2048xf32>
    %argmin3A_118 = tpu.reduce_index %select_n3A_117 {axis = 1 : i32, kind = #tpu.reduction_kind<arg_min>} : vector<512x2048xf32> -> vector<512xi32>
    %broadcast_in_dim3A_119 = vector.shape_cast %argmin3A_118 : vector<512xi32> to vector<512x1xi32>
    %eq3A_120 = vector.broadcast %broadcast_in_dim3A_119 : vector<512x1xi32> to vector<512x2048xi32>
    %eq3A_121 = arith.cmpi eq, %iota3A, %eq3A_120 : vector<512x2048xi32>
    %jit3A_122 = arith.constant 0x7F800000 : f32
    %broadcast_in_dim3A_123 = vector.broadcast %jit3A_122 : f32 to vector<512x2048xf32>
    %select_n3A_124 = arith.select %eq3A_121, %broadcast_in_dim3A_123, %select_n3A_117 : vector<512x2048xi1>, vector<512x2048xf32>
    %argmin3A_125 = tpu.reduce_index %select_n3A_124 {axis = 1 : i32, kind = #tpu.reduction_kind<arg_min>} : vector<512x2048xf32> -> vector<512xi32>
    %broadcast_in_dim3A_126 = vector.shape_cast %argmin3A_125 : vector<512xi32> to vector<512x1xi32>
    %eq3A_127 = vector.broadcast %broadcast_in_dim3A_126 : vector<512x1xi32> to vector<512x2048xi32>
    %eq3A_128 = arith.cmpi eq, %iota3A, %eq3A_127 : vector<512x2048xi32>
    %jit3A_129 = arith.constant 0x7F800000 : f32
    %broadcast_in_dim3A_130 = vector.broadcast %jit3A_129 : f32 to vector<512x2048xf32>
    %select_n3A_131 = arith.select %eq3A_128, %broadcast_in_dim3A_130, %select_n3A_124 : vector<512x2048xi1>, vector<512x2048xf32>
    %argmin3A_132 = tpu.reduce_index %select_n3A_131 {axis = 1 : i32, kind = #tpu.reduction_kind<arg_min>} : vector<512x2048xf32> -> vector<512xi32>
    %broadcast_in_dim3A_133 = vector.shape_cast %argmin3A_132 : vector<512xi32> to vector<512x1xi32>
    %eq3A_134 = vector.broadcast %broadcast_in_dim3A_133 : vector<512x1xi32> to vector<512x2048xi32>
    %eq3A_135 = arith.cmpi eq, %iota3A, %eq3A_134 : vector<512x2048xi32>
    %jit3A_136 = arith.constant 0x7F800000 : f32
    %broadcast_in_dim3A_137 = vector.broadcast %jit3A_136 : f32 to vector<512x2048xf32>
    %select_n3A_138 = arith.select %eq3A_135, %broadcast_in_dim3A_137, %select_n3A_131 : vector<512x2048xi1>, vector<512x2048xf32>
    %argmin3A_139 = tpu.reduce_index %select_n3A_138 {axis = 1 : i32, kind = #tpu.reduction_kind<arg_min>} : vector<512x2048xf32> -> vector<512xi32>
    %broadcast_in_dim3A_140 = vector.shape_cast %argmin3A_139 : vector<512xi32> to vector<512x1xi32>
    %eq3A_141 = vector.broadcast %broadcast_in_dim3A_140 : vector<512x1xi32> to vector<512x2048xi32>
    %eq3A_142 = arith.cmpi eq, %iota3A, %eq3A_141 : vector<512x2048xi32>
    %jit3A_143 = arith.constant 0x7F800000 : f32
    %broadcast_in_dim3A_144 = vector.broadcast %jit3A_143 : f32 to vector<512x2048xf32>
    %select_n3A_145 = arith.select %eq3A_142, %broadcast_in_dim3A_144, %select_n3A_138 : vector<512x2048xi1>, vector<512x2048xf32>
    %argmin3A_146 = tpu.reduce_index %select_n3A_145 {axis = 1 : i32, kind = #tpu.reduction_kind<arg_min>} : vector<512x2048xf32> -> vector<512xi32>
    %broadcast_in_dim3A_147 = vector.shape_cast %argmin3A_146 : vector<512xi32> to vector<512x1xi32>
    %eq3A_148 = vector.broadcast %broadcast_in_dim3A_147 : vector<512x1xi32> to vector<512x2048xi32>
    %eq3A_149 = arith.cmpi eq, %iota3A, %eq3A_148 : vector<512x2048xi32>
    %jit3A_150 = arith.constant 0x7F800000 : f32
    %broadcast_in_dim3A_151 = vector.broadcast %jit3A_150 : f32 to vector<512x2048xf32>
    %select_n3A_152 = arith.select %eq3A_149, %broadcast_in_dim3A_151, %select_n3A_145 : vector<512x2048xi1>, vector<512x2048xf32>
    %argmin3A_153 = tpu.reduce_index %select_n3A_152 {axis = 1 : i32, kind = #tpu.reduction_kind<arg_min>} : vector<512x2048xf32> -> vector<512xi32>
    %broadcast_in_dim3A_154 = vector.shape_cast %argmin3A_153 : vector<512xi32> to vector<512x1xi32>
    %eq3A_155 = vector.broadcast %broadcast_in_dim3A_154 : vector<512x1xi32> to vector<512x2048xi32>
    %eq3A_156 = arith.cmpi eq, %iota3A, %eq3A_155 : vector<512x2048xi32>
    %jit3A_157 = arith.constant 0x7F800000 : f32
    %broadcast_in_dim3A_158 = vector.broadcast %jit3A_157 : f32 to vector<512x2048xf32>
    %select_n3A_159 = arith.select %eq3A_156, %broadcast_in_dim3A_158, %select_n3A_152 : vector<512x2048xi1>, vector<512x2048xf32>
    %argmin3A_160 = tpu.reduce_index %select_n3A_159 {axis = 1 : i32, kind = #tpu.reduction_kind<arg_min>} : vector<512x2048xf32> -> vector<512xi32>
    %broadcast_in_dim3A_161 = vector.shape_cast %argmin3A_160 : vector<512xi32> to vector<512x1xi32>
    %concatenate3A = tpu.concatenate %broadcast_in_dim3A_29, %broadcast_in_dim3A_35, %broadcast_in_dim3A_42, %broadcast_in_dim3A_49, %broadcast_in_dim3A_56, %broadcast_in_dim3A_63, %broadcast_in_dim3A_70, %broadcast_in_dim3A_77, %broadcast_in_dim3A_84, %broadcast_in_dim3A_91, %broadcast_in_dim3A_98, %broadcast_in_dim3A_105, %broadcast_in_dim3A_112, %broadcast_in_dim3A_119, %broadcast_in_dim3A_126, %broadcast_in_dim3A_133, %broadcast_in_dim3A_140, %broadcast_in_dim3A_147, %broadcast_in_dim3A_154, %broadcast_in_dim3A_161 in 1 : vector<512x1xi32>, vector<512x1xi32>, vector<512x1xi32>, vector<512x1xi32>, vector<512x1xi32>, vector<512x1xi32>, vector<512x1xi32>, vector<512x1xi32>, vector<512x1xi32>, vector<512x1xi32>, vector<512x1xi32>, vector<512x1xi32>, vector<512x1xi32>, vector<512x1xi32>, vector<512x1xi32>, vector<512x1xi32>, vector<512x1xi32>, vector<512x1xi32>, vector<512x1xi32>, vector<512x1xi32> -> vector<512x20xi32>
    %mul3A_162 = arith.constant 2048 : i32
    %mul3A_163 = arith.muli %arg0, %mul3A_162 : i32
    %add3A_164 = vector.broadcast %mul3A_163 : i32 to vector<512x20xi32>
    %add3A_165 = arith.addi %concatenate3A, %add3A_164 : vector<512x20xi32>
    %swap3A = arith.constant 0 : index
    %swap3A_166 = arith.constant 0 : index
    %swap3A_167 = arith.constant 0 : index
    %swap3A_168 = vector.load %arg4[%swap3A, %swap3A_166, %swap3A_167] : memref<1x512x20xi32, #tpu.memory_space<vmem>>, vector<1x512x20xi32>
    %swap3A_169 = vector.shape_cast %swap3A_168 : vector<1x512x20xi32> to vector<512x20xi32>
    %swap3A_170 = vector.shape_cast %add3A_165 : vector<512x20xi32> to vector<1x512x20xi32>
    tpu.vector_store %arg4[%swap3A, %swap3A_166, %swap3A_167], %swap3A_170 {strides = array<i32>} : memref<1x512x20xi32, #tpu.memory_space<vmem>>, vector<1x512x20xi32>,
    return
  }
  func.func @transform_0(%arg0: i32, %arg1: i32) -> (i32, i32, i32) {
    %c0_i32 = arith.constant 0 : i32
    %c0_i32_0 = arith.constant 0 : i32
    %c0_i32_1 = arith.constant 0 : i32
    return %arg0, %c0_i32, %c0_i32_0 : i32, i32, i32
  }
  func.func @transform_1(%arg0: i32, %arg1: i32) -> (i32, i32, i32) {
    %c0_i32 = arith.constant 0 : i32
    %c0_i32_0 = arith.constant 0 : i32
    return %arg0, %arg1, %c0_i32 : i32, i32, i32
  }
  func.func @transform_2(%arg0: i32, %arg1: i32) -> (i32, i32, i32) {
    %c0_i32 = arith.constant 0 : i32
    %c0_i32_0 = arith.constant 0 : i32
    return %arg0, %arg1, %c0_i32 : i32, i32, i32
  }
}

module attributes {stable_mosaic.version = 14 : i64} {
  func.func @_ec1_body(%arg0: i32, %arg1: memref<10240x128xf32, #tpu.memory_space<vmem>>, %arg2: memref<512x3xf32, #tpu.memory_space<vmem>>, %arg3: memref<6x64xf32, #tpu.memory_space<vmem>>, %arg4: memref<1x64xf32, #tpu.memory_space<vmem>>, %arg5: memref<64x64xf32, #tpu.memory_space<vmem>>, %arg6: memref<1x64xf32, #tpu.memory_space<vmem>>, %arg7: memref<64x64xf32, #tpu.memory_space<vmem>>, %arg8: memref<1x64xf32, #tpu.memory_space<vmem>>, %arg9: memref<512x128xf32, #tpu.memory_space<vmem>>) attributes {dimension_semantics = [#tpu.dimension_semantics<arbitrary>], iteration_bounds = array<i64: 16>, scalar_prefetch = 0 : i64, scratch_operands = 0 : i64, tpu.core_type = #tpu.core_type<tc>, window_params = [{transform_indices = @transform_0, window_bounds = array<i64: 10240, 128>}, {transform_indices = @transform_1, window_bounds = array<i64: 512, 3>}, {pipeline_mode = #tpu.pipeline_mode<synchronous>, transform_indices = @transform_2, window_bounds = array<i64: 6, 64>}, {pipeline_mode = #tpu.pipeline_mode<synchronous>, transform_indices = @transform_3, window_bounds = array<i64: 1, 64>}, {pipeline_mode = #tpu.pipeline_mode<synchronous>, transform_indices = @transform_4, window_bounds = array<i64: 64, 64>}, {pipeline_mode = #tpu.pipeline_mode<synchronous>, transform_indices = @transform_5, window_bounds = array<i64: 1, 64>}, {pipeline_mode = #tpu.pipeline_mode<synchronous>, transform_indices = @transform_6, window_bounds = array<i64: 64, 64>}, {pipeline_mode = #tpu.pipeline_mode<synchronous>, transform_indices = @transform_7, window_bounds = array<i64: 1, 64>}, {transform_indices = @transform_8, window_bounds = array<i64: 512, 128>}]} {
    %get3A = arith.constant 0 : index
    %get3A_0 = arith.constant 0 : index
    %get3A_1 = vector.load %arg1[%get3A, %get3A_0] : memref<10240x128xf32, #tpu.memory_space<vmem>>, vector<10240x128xf32>
    %slice3A = vector.extract_strided_slice %get3A_1 {offsets = [0, 0], sizes = [10240, 3], strides = [1, 1]} : vector<10240x128xf32> to vector<10240x3xf32>
    %reshape3A = vector.shape_cast %slice3A : vector<10240x3xf32> to vector<512x20x3xf32>
    %get3A_2 = arith.constant 0 : index
    %get3A_3 = arith.constant 0 : index
    %get3A_4 = vector.load %arg2[%get3A_2, %get3A_3] : memref<512x3xf32, #tpu.memory_space<vmem>>, vector<512x3xf32>
    %reshape3A_5 = vector.shape_cast %get3A_4 : vector<512x3xf32> to vector<512x1x3xf32>
    %broadcast_in_dim3A = vector.shape_cast %reshape3A_5 : vector<512x1x3xf32> to vector<512x1x3xf32>
    %broadcast_in_dim3A_6 = vector.broadcast %broadcast_in_dim3A : vector<512x1x3xf32> to vector<512x20x3xf32>
    %sub3A = vector.broadcast %reshape3A_5 : vector<512x1x3xf32> to vector<512x20x3xf32>
    %sub3A_7 = arith.subf %reshape3A, %sub3A : vector<512x20x3xf32>
    %concatenate3A = tpu.concatenate %broadcast_in_dim3A_6, %sub3A_7 in 2 : vector<512x20x3xf32>, vector<512x20x3xf32> -> vector<512x20x6xf32>
    %reshape3A_8 = vector.shape_cast %concatenate3A : vector<512x20x6xf32> to vector<10240x6xf32>
    %get3A_9 = arith.constant 0 : index
    %get3A_10 = arith.constant 0 : index
    %get3A_11 = vector.load %arg3[%get3A_9, %get3A_10] : memref<6x64xf32, #tpu.memory_space<vmem>>, vector<6x64xf32>
    %dot_general3A = arith.constant dense<0.000000e+00> : vector<10240x64xf32>
    %dot_general3A_12 = tpu.matmul %reshape3A_8, %get3A_11, %dot_general3A {dimension_numbers = #tpu.dot_dimension_numbers<[1], [0], [0], [1], [0, 0, 1, 1], [], []>, transpose_lhs_hint = false} : vector<10240x6xf32>, vector<6x64xf32>, vector<10240x64xf32> -> vector<10240x64xf32>
    %get3A_13 = arith.constant 0 : index
    %get3A_14 = arith.constant 0 : index
    %get3A_15 = vector.load %arg4[%get3A_13, %get3A_14] : memref<1x64xf32, #tpu.memory_space<vmem>>, vector<1x64xf32>
    %add3A = vector.broadcast %get3A_15 : vector<1x64xf32> to vector<10240x64xf32>
    %add3A_16 = arith.addf %dot_general3A_12, %add3A : vector<10240x64xf32>
    %max3A = arith.constant 0.000000e+00 : f32
    %max3A_17 = vector.broadcast %max3A : f32 to vector<10240x64xf32>
    %max3A_18 = arith.maximumf %add3A_16, %max3A_17 : vector<10240x64xf32>
    %get3A_19 = arith.constant 0 : index
    %get3A_20 = arith.constant 0 : index
    %get3A_21 = vector.load %arg5[%get3A_19, %get3A_20] : memref<64x64xf32, #tpu.memory_space<vmem>>, vector<64x64xf32>
    %dot_general3A_22 = arith.constant dense<0.000000e+00> : vector<10240x64xf32>
    %dot_general3A_23 = tpu.matmul %max3A_18, %get3A_21, %dot_general3A_22 {dimension_numbers = #tpu.dot_dimension_numbers<[1], [0], [0], [1], [0, 0, 1, 1], [], []>, transpose_lhs_hint = false} : vector<10240x64xf32>, vector<64x64xf32>, vector<10240x64xf32> -> vector<10240x64xf32>
    %get3A_24 = arith.constant 0 : index
    %get3A_25 = arith.constant 0 : index
    %get3A_26 = vector.load %arg6[%get3A_24, %get3A_25] : memref<1x64xf32, #tpu.memory_space<vmem>>, vector<1x64xf32>
    %add3A_27 = vector.broadcast %get3A_26 : vector<1x64xf32> to vector<10240x64xf32>
    %add3A_28 = arith.addf %dot_general3A_23, %add3A_27 : vector<10240x64xf32>
    %max3A_29 = arith.constant 0.000000e+00 : f32
    %max3A_30 = vector.broadcast %max3A_29 : f32 to vector<10240x64xf32>
    %max3A_31 = arith.maximumf %add3A_28, %max3A_30 : vector<10240x64xf32>
    %get3A_32 = arith.constant 0 : index
    %get3A_33 = arith.constant 0 : index
    %get3A_34 = vector.load %arg7[%get3A_32, %get3A_33] : memref<64x64xf32, #tpu.memory_space<vmem>>, vector<64x64xf32>
    %dot_general3A_35 = arith.constant dense<0.000000e+00> : vector<10240x64xf32>
    %dot_general3A_36 = tpu.matmul %max3A_31, %get3A_34, %dot_general3A_35 {dimension_numbers = #tpu.dot_dimension_numbers<[1], [0], [0], [1], [0, 0, 1, 1], [], []>, transpose_lhs_hint = false} : vector<10240x64xf32>, vector<64x64xf32>, vector<10240x64xf32> -> vector<10240x64xf32>
    %get3A_37 = arith.constant 0 : index
    %get3A_38 = arith.constant 0 : index
    %get3A_39 = vector.load %arg8[%get3A_37, %get3A_38] : memref<1x64xf32, #tpu.memory_space<vmem>>, vector<1x64xf32>
    %add3A_40 = vector.broadcast %get3A_39 : vector<1x64xf32> to vector<10240x64xf32>
    %add3A_41 = arith.addf %dot_general3A_36, %add3A_40 : vector<10240x64xf32>
    %max3A_42 = arith.constant 0.000000e+00 : f32
    %max3A_43 = vector.broadcast %max3A_42 : f32 to vector<10240x64xf32>
    %max3A_44 = arith.maximumf %add3A_41, %max3A_43 : vector<10240x64xf32>
    %reshape3A_45 = vector.shape_cast %max3A_44 : vector<10240x64xf32> to vector<512x20x64xf32>
    %reduce_max3A = arith.constant dense<0xFF800000> : vector<512x64xf32>
    %reduce_max3A_46 = vector.multi_reduction <maximumf>, %reshape3A_45, %reduce_max3A [1] : vector<512x20x64xf32> to vector<512x64xf32>
    %broadcast_in_dim3A_47 = arith.constant 0.000000e+00 : f32
    %broadcast_in_dim3A_48 = vector.broadcast %broadcast_in_dim3A_47 : f32 to vector<512x64xf32>
    %concatenate3A_49 = tpu.concatenate %reduce_max3A_46, %broadcast_in_dim3A_48 in 1 : vector<512x64xf32>, vector<512x64xf32> -> vector<512x128xf32>
    %swap3A = arith.constant 0 : index
    %swap3A_50 = arith.constant 0 : index
    %swap3A_51 = vector.load %arg9[%swap3A, %swap3A_50] : memref<512x128xf32, #tpu.memory_space<vmem>>, vector<512x128xf32>
    tpu.vector_store %arg9[%swap3A, %swap3A_50], %concatenate3A_49 {strides = array<i32>} : memref<512x128xf32, #tpu.memory_space<vmem>>, vector<512x128xf32>,
    return
  }
  func.func @transform_0(%arg0: i32) -> (i32, i32) {
    %c0_i32 = arith.constant 0 : i32
    %c0_i32_0 = arith.constant 0 : i32
    return %arg0, %c0_i32 : i32, i32
  }
  func.func @transform_1(%arg0: i32) -> (i32, i32) {
    %c0_i32 = arith.constant 0 : i32
    %c0_i32_0 = arith.constant 0 : i32
    return %arg0, %c0_i32 : i32, i32
  }
  func.func @transform_2(%arg0: i32) -> (i32, i32) {
    %c0_i32 = arith.constant 0 : i32
    %c0_i32_0 = arith.constant 0 : i32
    %c0_i32_1 = arith.constant 0 : i32
    return %c0_i32, %c0_i32_0 : i32, i32
  }
  func.func @transform_3(%arg0: i32) -> (i32, i32) {
    %c0_i32 = arith.constant 0 : i32
    %c0_i32_0 = arith.constant 0 : i32
    %c0_i32_1 = arith.constant 0 : i32
    return %c0_i32, %c0_i32_0 : i32, i32
  }
  func.func @transform_4(%arg0: i32) -> (i32, i32) {
    %c0_i32 = arith.constant 0 : i32
    %c0_i32_0 = arith.constant 0 : i32
    %c0_i32_1 = arith.constant 0 : i32
    return %c0_i32, %c0_i32_0 : i32, i32
  }
  func.func @transform_5(%arg0: i32) -> (i32, i32) {
    %c0_i32 = arith.constant 0 : i32
    %c0_i32_0 = arith.constant 0 : i32
    %c0_i32_1 = arith.constant 0 : i32
    return %c0_i32, %c0_i32_0 : i32, i32
  }
  func.func @transform_6(%arg0: i32) -> (i32, i32) {
    %c0_i32 = arith.constant 0 : i32
    %c0_i32_0 = arith.constant 0 : i32
    %c0_i32_1 = arith.constant 0 : i32
    return %c0_i32, %c0_i32_0 : i32, i32
  }
  func.func @transform_7(%arg0: i32) -> (i32, i32) {
    %c0_i32 = arith.constant 0 : i32
    %c0_i32_0 = arith.constant 0 : i32
    %c0_i32_1 = arith.constant 0 : i32
    return %c0_i32, %c0_i32_0 : i32, i32
  }
  func.func @transform_8(%arg0: i32) -> (i32, i32) {
    %c0_i32 = arith.constant 0 : i32
    %c0_i32_0 = arith.constant 0 : i32
    return %arg0, %c0_i32 : i32, i32
  }
}

module attributes {stable_mosaic.version = 14 : i64} {
  func.func @_knn_body(%arg0: i32, %arg1: i32, %arg2: memref<1x2048x128xf32, #tpu.memory_space<vmem>>, %arg3: memref<1x512x128xf32, #tpu.memory_space<vmem>>, %arg4: memref<1x512x20xi32, #tpu.memory_space<vmem>>) attributes {dimension_semantics = [#tpu.dimension_semantics<arbitrary>, #tpu.dimension_semantics<arbitrary>], iteration_bounds = array<i64: 4, 4>, scalar_prefetch = 0 : i64, scratch_operands = 0 : i64, tpu.core_type = #tpu.core_type<tc>, window_params = [{transform_indices = @transform_0, window_bounds = array<i64: 1, 2048, 128>}, {transform_indices = @transform_1, window_bounds = array<i64: 1, 512, 128>}, {transform_indices = @transform_2, window_bounds = array<i64: 1, 512, 20>}]} {
    %get3A = arith.constant 0 : index
    %get3A_0 = arith.constant 0 : index
    %get3A_1 = arith.constant 0 : index
    %get3A_2 = vector.load %arg2[%get3A, %get3A_0, %get3A_1] : memref<1x2048x128xf32, #tpu.memory_space<vmem>>, vector<1x2048x128xf32>
    %get3A_3 = vector.shape_cast %get3A_2 : vector<1x2048x128xf32> to vector<2048x128xf32>
    %slice3A = vector.extract_strided_slice %get3A_3 {offsets = [0, 0], sizes = [2048, 64], strides = [1, 1]} : vector<2048x128xf32> to vector<2048x64xf32>
    %get3A_4 = arith.constant 0 : index
    %get3A_5 = arith.constant 0 : index
    %get3A_6 = arith.constant 0 : index
    %get3A_7 = vector.load %arg3[%get3A_4, %get3A_5, %get3A_6] : memref<1x512x128xf32, #tpu.memory_space<vmem>>, vector<1x512x128xf32>
    %get3A_8 = vector.shape_cast %get3A_7 : vector<1x512x128xf32> to vector<512x128xf32>
    %slice3A_9 = vector.extract_strided_slice %get3A_8 {offsets = [0, 0], sizes = [512, 64], strides = [1, 1]} : vector<512x128xf32> to vector<512x64xf32>
    %mul3A = arith.mulf %slice3A, %slice3A : vector<2048x64xf32>
    %reduce_sum3A = arith.constant dense<0.000000e+00> : vector<2048xf32>
    %reduce_sum3A_10 = vector.multi_reduction <add>, %mul3A, %reduce_sum3A [1] : vector<2048x64xf32> to vector<2048xf32>
    %mul3A_11 = arith.mulf %slice3A_9, %slice3A_9 : vector<512x64xf32>
    %reduce_sum3A_12 = arith.constant dense<0.000000e+00> : vector<512xf32>
    %reduce_sum3A_13 = vector.multi_reduction <add>, %mul3A_11, %reduce_sum3A_12 [1] : vector<512x64xf32> to vector<512xf32>
    %dot_general3A = arith.constant dense<0.000000e+00> : vector<512x2048xf32>
    %dot_general3A_14 = tpu.matmul %slice3A_9, %slice3A, %dot_general3A {dimension_numbers = #tpu.dot_dimension_numbers<[1], [1], [0], [0], [0, 0, 1, 0], [], []>, transpose_lhs_hint = false} : vector<512x64xf32>, vector<2048x64xf32>, vector<512x2048xf32> -> vector<512x2048xf32>
    %broadcast_in_dim3A = vector.shape_cast %reduce_sum3A_13 : vector<512xf32> to vector<512x1xf32>
    %broadcast_in_dim3A_15 = vector.shape_cast %reduce_sum3A_10 : vector<2048xf32> to vector<1x2048xf32>
    %add3A = vector.broadcast %broadcast_in_dim3A : vector<512x1xf32> to vector<512x2048xf32>
    %add3A_16 = vector.broadcast %broadcast_in_dim3A_15 : vector<1x2048xf32> to vector<512x2048xf32>
    %add3A_17 = arith.addf %add3A, %add3A_16 : vector<512x2048xf32>
    %mul3A_18 = arith.constant 2.000000e+00 : f32
    %mul3A_19 = vector.broadcast %mul3A_18 : f32 to vector<512x2048xf32>
    %mul3A_20 = arith.mulf %mul3A_19, %dot_general3A_14 : vector<512x2048xf32>
    %sub3A = arith.subf %add3A_17, %mul3A_20 : vector<512x2048xf32>
    %iota3A = tpu.iota {dimensions = array<i32: 1>} : vector<512x2048xi32>
    %mul3A_21 = arith.constant 512 : i32
    %mul3A_22 = arith.muli %arg1, %mul3A_21 : i32
    %iota3A_23 = tpu.iota {dimensions = array<i32: 0>} : vector<512x2048xi32>
    %add3A_24 = vector.broadcast %mul3A_22 : i32 to vector<512x2048xi32>
    %add3A_25 = arith.addi %add3A_24, %iota3A_23 : vector<512x2048xi32>
    %eq3A = arith.cmpi eq, %iota3A, %add3A_25 : vector<512x2048xi32>
    %add3A_26 = arith.constant 1.000000e+10 : f32
    %add3A_27 = vector.broadcast %add3A_26 : f32 to vector<512x2048xf32>
    %add3A_28 = arith.addf %sub3A, %add3A_27 : vector<512x2048xf32>
    %select_n3A = arith.select %eq3A, %add3A_28, %sub3A : vector<512x2048xi1>, vector<512x2048xf32>
    %argmin3A = tpu.reduce_index %select_n3A {axis = 1 : i32, kind = #tpu.reduction_kind<arg_min>} : vector<512x2048xf32> -> vector<512xi32>
    %broadcast_in_dim3A_29 = vector.shape_cast %argmin3A : vector<512xi32> to vector<512x1xi32>
    %eq3A_30 = vector.broadcast %broadcast_in_dim3A_29 : vector<512x1xi32> to vector<512x2048xi32>
    %eq3A_31 = arith.cmpi eq, %iota3A, %eq3A_30 : vector<512x2048xi32>
    %jit3A = arith.constant 0x7F800000 : f32
    %broadcast_in_dim3A_32 = vector.broadcast %jit3A : f32 to vector<512x2048xf32>
    %select_n3A_33 = arith.select %eq3A_31, %broadcast_in_dim3A_32, %select_n3A : vector<512x2048xi1>, vector<512x2048xf32>
    %argmin3A_34 = tpu.reduce_index %select_n3A_33 {axis = 1 : i32, kind = #tpu.reduction_kind<arg_min>} : vector<512x2048xf32> -> vector<512xi32>
    %broadcast_in_dim3A_35 = vector.shape_cast %argmin3A_34 : vector<512xi32> to vector<512x1xi32>
    %eq3A_36 = vector.broadcast %broadcast_in_dim3A_35 : vector<512x1xi32> to vector<512x2048xi32>
    %eq3A_37 = arith.cmpi eq, %iota3A, %eq3A_36 : vector<512x2048xi32>
    %jit3A_38 = arith.constant 0x7F800000 : f32
    %broadcast_in_dim3A_39 = vector.broadcast %jit3A_38 : f32 to vector<512x2048xf32>
    %select_n3A_40 = arith.select %eq3A_37, %broadcast_in_dim3A_39, %select_n3A_33 : vector<512x2048xi1>, vector<512x2048xf32>
    %argmin3A_41 = tpu.reduce_index %select_n3A_40 {axis = 1 : i32, kind = #tpu.reduction_kind<arg_min>} : vector<512x2048xf32> -> vector<512xi32>
    %broadcast_in_dim3A_42 = vector.shape_cast %argmin3A_41 : vector<512xi32> to vector<512x1xi32>
    %eq3A_43 = vector.broadcast %broadcast_in_dim3A_42 : vector<512x1xi32> to vector<512x2048xi32>
    %eq3A_44 = arith.cmpi eq, %iota3A, %eq3A_43 : vector<512x2048xi32>
    %jit3A_45 = arith.constant 0x7F800000 : f32
    %broadcast_in_dim3A_46 = vector.broadcast %jit3A_45 : f32 to vector<512x2048xf32>
    %select_n3A_47 = arith.select %eq3A_44, %broadcast_in_dim3A_46, %select_n3A_40 : vector<512x2048xi1>, vector<512x2048xf32>
    %argmin3A_48 = tpu.reduce_index %select_n3A_47 {axis = 1 : i32, kind = #tpu.reduction_kind<arg_min>} : vector<512x2048xf32> -> vector<512xi32>
    %broadcast_in_dim3A_49 = vector.shape_cast %argmin3A_48 : vector<512xi32> to vector<512x1xi32>
    %eq3A_50 = vector.broadcast %broadcast_in_dim3A_49 : vector<512x1xi32> to vector<512x2048xi32>
    %eq3A_51 = arith.cmpi eq, %iota3A, %eq3A_50 : vector<512x2048xi32>
    %jit3A_52 = arith.constant 0x7F800000 : f32
    %broadcast_in_dim3A_53 = vector.broadcast %jit3A_52 : f32 to vector<512x2048xf32>
    %select_n3A_54 = arith.select %eq3A_51, %broadcast_in_dim3A_53, %select_n3A_47 : vector<512x2048xi1>, vector<512x2048xf32>
    %argmin3A_55 = tpu.reduce_index %select_n3A_54 {axis = 1 : i32, kind = #tpu.reduction_kind<arg_min>} : vector<512x2048xf32> -> vector<512xi32>
    %broadcast_in_dim3A_56 = vector.shape_cast %argmin3A_55 : vector<512xi32> to vector<512x1xi32>
    %eq3A_57 = vector.broadcast %broadcast_in_dim3A_56 : vector<512x1xi32> to vector<512x2048xi32>
    %eq3A_58 = arith.cmpi eq, %iota3A, %eq3A_57 : vector<512x2048xi32>
    %jit3A_59 = arith.constant 0x7F800000 : f32
    %broadcast_in_dim3A_60 = vector.broadcast %jit3A_59 : f32 to vector<512x2048xf32>
    %select_n3A_61 = arith.select %eq3A_58, %broadcast_in_dim3A_60, %select_n3A_54 : vector<512x2048xi1>, vector<512x2048xf32>
    %argmin3A_62 = tpu.reduce_index %select_n3A_61 {axis = 1 : i32, kind = #tpu.reduction_kind<arg_min>} : vector<512x2048xf32> -> vector<512xi32>
    %broadcast_in_dim3A_63 = vector.shape_cast %argmin3A_62 : vector<512xi32> to vector<512x1xi32>
    %eq3A_64 = vector.broadcast %broadcast_in_dim3A_63 : vector<512x1xi32> to vector<512x2048xi32>
    %eq3A_65 = arith.cmpi eq, %iota3A, %eq3A_64 : vector<512x2048xi32>
    %jit3A_66 = arith.constant 0x7F800000 : f32
    %broadcast_in_dim3A_67 = vector.broadcast %jit3A_66 : f32 to vector<512x2048xf32>
    %select_n3A_68 = arith.select %eq3A_65, %broadcast_in_dim3A_67, %select_n3A_61 : vector<512x2048xi1>, vector<512x2048xf32>
    %argmin3A_69 = tpu.reduce_index %select_n3A_68 {axis = 1 : i32, kind = #tpu.reduction_kind<arg_min>} : vector<512x2048xf32> -> vector<512xi32>
    %broadcast_in_dim3A_70 = vector.shape_cast %argmin3A_69 : vector<512xi32> to vector<512x1xi32>
    %eq3A_71 = vector.broadcast %broadcast_in_dim3A_70 : vector<512x1xi32> to vector<512x2048xi32>
    %eq3A_72 = arith.cmpi eq, %iota3A, %eq3A_71 : vector<512x2048xi32>
    %jit3A_73 = arith.constant 0x7F800000 : f32
    %broadcast_in_dim3A_74 = vector.broadcast %jit3A_73 : f32 to vector<512x2048xf32>
    %select_n3A_75 = arith.select %eq3A_72, %broadcast_in_dim3A_74, %select_n3A_68 : vector<512x2048xi1>, vector<512x2048xf32>
    %argmin3A_76 = tpu.reduce_index %select_n3A_75 {axis = 1 : i32, kind = #tpu.reduction_kind<arg_min>} : vector<512x2048xf32> -> vector<512xi32>
    %broadcast_in_dim3A_77 = vector.shape_cast %argmin3A_76 : vector<512xi32> to vector<512x1xi32>
    %eq3A_78 = vector.broadcast %broadcast_in_dim3A_77 : vector<512x1xi32> to vector<512x2048xi32>
    %eq3A_79 = arith.cmpi eq, %iota3A, %eq3A_78 : vector<512x2048xi32>
    %jit3A_80 = arith.constant 0x7F800000 : f32
    %broadcast_in_dim3A_81 = vector.broadcast %jit3A_80 : f32 to vector<512x2048xf32>
    %select_n3A_82 = arith.select %eq3A_79, %broadcast_in_dim3A_81, %select_n3A_75 : vector<512x2048xi1>, vector<512x2048xf32>
    %argmin3A_83 = tpu.reduce_index %select_n3A_82 {axis = 1 : i32, kind = #tpu.reduction_kind<arg_min>} : vector<512x2048xf32> -> vector<512xi32>
    %broadcast_in_dim3A_84 = vector.shape_cast %argmin3A_83 : vector<512xi32> to vector<512x1xi32>
    %eq3A_85 = vector.broadcast %broadcast_in_dim3A_84 : vector<512x1xi32> to vector<512x2048xi32>
    %eq3A_86 = arith.cmpi eq, %iota3A, %eq3A_85 : vector<512x2048xi32>
    %jit3A_87 = arith.constant 0x7F800000 : f32
    %broadcast_in_dim3A_88 = vector.broadcast %jit3A_87 : f32 to vector<512x2048xf32>
    %select_n3A_89 = arith.select %eq3A_86, %broadcast_in_dim3A_88, %select_n3A_82 : vector<512x2048xi1>, vector<512x2048xf32>
    %argmin3A_90 = tpu.reduce_index %select_n3A_89 {axis = 1 : i32, kind = #tpu.reduction_kind<arg_min>} : vector<512x2048xf32> -> vector<512xi32>
    %broadcast_in_dim3A_91 = vector.shape_cast %argmin3A_90 : vector<512xi32> to vector<512x1xi32>
    %eq3A_92 = vector.broadcast %broadcast_in_dim3A_91 : vector<512x1xi32> to vector<512x2048xi32>
    %eq3A_93 = arith.cmpi eq, %iota3A, %eq3A_92 : vector<512x2048xi32>
    %jit3A_94 = arith.constant 0x7F800000 : f32
    %broadcast_in_dim3A_95 = vector.broadcast %jit3A_94 : f32 to vector<512x2048xf32>
    %select_n3A_96 = arith.select %eq3A_93, %broadcast_in_dim3A_95, %select_n3A_89 : vector<512x2048xi1>, vector<512x2048xf32>
    %argmin3A_97 = tpu.reduce_index %select_n3A_96 {axis = 1 : i32, kind = #tpu.reduction_kind<arg_min>} : vector<512x2048xf32> -> vector<512xi32>
    %broadcast_in_dim3A_98 = vector.shape_cast %argmin3A_97 : vector<512xi32> to vector<512x1xi32>
    %eq3A_99 = vector.broadcast %broadcast_in_dim3A_98 : vector<512x1xi32> to vector<512x2048xi32>
    %eq3A_100 = arith.cmpi eq, %iota3A, %eq3A_99 : vector<512x2048xi32>
    %jit3A_101 = arith.constant 0x7F800000 : f32
    %broadcast_in_dim3A_102 = vector.broadcast %jit3A_101 : f32 to vector<512x2048xf32>
    %select_n3A_103 = arith.select %eq3A_100, %broadcast_in_dim3A_102, %select_n3A_96 : vector<512x2048xi1>, vector<512x2048xf32>
    %argmin3A_104 = tpu.reduce_index %select_n3A_103 {axis = 1 : i32, kind = #tpu.reduction_kind<arg_min>} : vector<512x2048xf32> -> vector<512xi32>
    %broadcast_in_dim3A_105 = vector.shape_cast %argmin3A_104 : vector<512xi32> to vector<512x1xi32>
    %eq3A_106 = vector.broadcast %broadcast_in_dim3A_105 : vector<512x1xi32> to vector<512x2048xi32>
    %eq3A_107 = arith.cmpi eq, %iota3A, %eq3A_106 : vector<512x2048xi32>
    %jit3A_108 = arith.constant 0x7F800000 : f32
    %broadcast_in_dim3A_109 = vector.broadcast %jit3A_108 : f32 to vector<512x2048xf32>
    %select_n3A_110 = arith.select %eq3A_107, %broadcast_in_dim3A_109, %select_n3A_103 : vector<512x2048xi1>, vector<512x2048xf32>
    %argmin3A_111 = tpu.reduce_index %select_n3A_110 {axis = 1 : i32, kind = #tpu.reduction_kind<arg_min>} : vector<512x2048xf32> -> vector<512xi32>
    %broadcast_in_dim3A_112 = vector.shape_cast %argmin3A_111 : vector<512xi32> to vector<512x1xi32>
    %eq3A_113 = vector.broadcast %broadcast_in_dim3A_112 : vector<512x1xi32> to vector<512x2048xi32>
    %eq3A_114 = arith.cmpi eq, %iota3A, %eq3A_113 : vector<512x2048xi32>
    %jit3A_115 = arith.constant 0x7F800000 : f32
    %broadcast_in_dim3A_116 = vector.broadcast %jit3A_115 : f32 to vector<512x2048xf32>
    %select_n3A_117 = arith.select %eq3A_114, %broadcast_in_dim3A_116, %select_n3A_110 : vector<512x2048xi1>, vector<512x2048xf32>
    %argmin3A_118 = tpu.reduce_index %select_n3A_117 {axis = 1 : i32, kind = #tpu.reduction_kind<arg_min>} : vector<512x2048xf32> -> vector<512xi32>
    %broadcast_in_dim3A_119 = vector.shape_cast %argmin3A_118 : vector<512xi32> to vector<512x1xi32>
    %eq3A_120 = vector.broadcast %broadcast_in_dim3A_119 : vector<512x1xi32> to vector<512x2048xi32>
    %eq3A_121 = arith.cmpi eq, %iota3A, %eq3A_120 : vector<512x2048xi32>
    %jit3A_122 = arith.constant 0x7F800000 : f32
    %broadcast_in_dim3A_123 = vector.broadcast %jit3A_122 : f32 to vector<512x2048xf32>
    %select_n3A_124 = arith.select %eq3A_121, %broadcast_in_dim3A_123, %select_n3A_117 : vector<512x2048xi1>, vector<512x2048xf32>
    %argmin3A_125 = tpu.reduce_index %select_n3A_124 {axis = 1 : i32, kind = #tpu.reduction_kind<arg_min>} : vector<512x2048xf32> -> vector<512xi32>
    %broadcast_in_dim3A_126 = vector.shape_cast %argmin3A_125 : vector<512xi32> to vector<512x1xi32>
    %eq3A_127 = vector.broadcast %broadcast_in_dim3A_126 : vector<512x1xi32> to vector<512x2048xi32>
    %eq3A_128 = arith.cmpi eq, %iota3A, %eq3A_127 : vector<512x2048xi32>
    %jit3A_129 = arith.constant 0x7F800000 : f32
    %broadcast_in_dim3A_130 = vector.broadcast %jit3A_129 : f32 to vector<512x2048xf32>
    %select_n3A_131 = arith.select %eq3A_128, %broadcast_in_dim3A_130, %select_n3A_124 : vector<512x2048xi1>, vector<512x2048xf32>
    %argmin3A_132 = tpu.reduce_index %select_n3A_131 {axis = 1 : i32, kind = #tpu.reduction_kind<arg_min>} : vector<512x2048xf32> -> vector<512xi32>
    %broadcast_in_dim3A_133 = vector.shape_cast %argmin3A_132 : vector<512xi32> to vector<512x1xi32>
    %eq3A_134 = vector.broadcast %broadcast_in_dim3A_133 : vector<512x1xi32> to vector<512x2048xi32>
    %eq3A_135 = arith.cmpi eq, %iota3A, %eq3A_134 : vector<512x2048xi32>
    %jit3A_136 = arith.constant 0x7F800000 : f32
    %broadcast_in_dim3A_137 = vector.broadcast %jit3A_136 : f32 to vector<512x2048xf32>
    %select_n3A_138 = arith.select %eq3A_135, %broadcast_in_dim3A_137, %select_n3A_131 : vector<512x2048xi1>, vector<512x2048xf32>
    %argmin3A_139 = tpu.reduce_index %select_n3A_138 {axis = 1 : i32, kind = #tpu.reduction_kind<arg_min>} : vector<512x2048xf32> -> vector<512xi32>
    %broadcast_in_dim3A_140 = vector.shape_cast %argmin3A_139 : vector<512xi32> to vector<512x1xi32>
    %eq3A_141 = vector.broadcast %broadcast_in_dim3A_140 : vector<512x1xi32> to vector<512x2048xi32>
    %eq3A_142 = arith.cmpi eq, %iota3A, %eq3A_141 : vector<512x2048xi32>
    %jit3A_143 = arith.constant 0x7F800000 : f32
    %broadcast_in_dim3A_144 = vector.broadcast %jit3A_143 : f32 to vector<512x2048xf32>
    %select_n3A_145 = arith.select %eq3A_142, %broadcast_in_dim3A_144, %select_n3A_138 : vector<512x2048xi1>, vector<512x2048xf32>
    %argmin3A_146 = tpu.reduce_index %select_n3A_145 {axis = 1 : i32, kind = #tpu.reduction_kind<arg_min>} : vector<512x2048xf32> -> vector<512xi32>
    %broadcast_in_dim3A_147 = vector.shape_cast %argmin3A_146 : vector<512xi32> to vector<512x1xi32>
    %eq3A_148 = vector.broadcast %broadcast_in_dim3A_147 : vector<512x1xi32> to vector<512x2048xi32>
    %eq3A_149 = arith.cmpi eq, %iota3A, %eq3A_148 : vector<512x2048xi32>
    %jit3A_150 = arith.constant 0x7F800000 : f32
    %broadcast_in_dim3A_151 = vector.broadcast %jit3A_150 : f32 to vector<512x2048xf32>
    %select_n3A_152 = arith.select %eq3A_149, %broadcast_in_dim3A_151, %select_n3A_145 : vector<512x2048xi1>, vector<512x2048xf32>
    %argmin3A_153 = tpu.reduce_index %select_n3A_152 {axis = 1 : i32, kind = #tpu.reduction_kind<arg_min>} : vector<512x2048xf32> -> vector<512xi32>
    %broadcast_in_dim3A_154 = vector.shape_cast %argmin3A_153 : vector<512xi32> to vector<512x1xi32>
    %eq3A_155 = vector.broadcast %broadcast_in_dim3A_154 : vector<512x1xi32> to vector<512x2048xi32>
    %eq3A_156 = arith.cmpi eq, %iota3A, %eq3A_155 : vector<512x2048xi32>
    %jit3A_157 = arith.constant 0x7F800000 : f32
    %broadcast_in_dim3A_158 = vector.broadcast %jit3A_157 : f32 to vector<512x2048xf32>
    %select_n3A_159 = arith.select %eq3A_156, %broadcast_in_dim3A_158, %select_n3A_152 : vector<512x2048xi1>, vector<512x2048xf32>
    %argmin3A_160 = tpu.reduce_index %select_n3A_159 {axis = 1 : i32, kind = #tpu.reduction_kind<arg_min>} : vector<512x2048xf32> -> vector<512xi32>
    %broadcast_in_dim3A_161 = vector.shape_cast %argmin3A_160 : vector<512xi32> to vector<512x1xi32>
    %concatenate3A = tpu.concatenate %broadcast_in_dim3A_29, %broadcast_in_dim3A_35, %broadcast_in_dim3A_42, %broadcast_in_dim3A_49, %broadcast_in_dim3A_56, %broadcast_in_dim3A_63, %broadcast_in_dim3A_70, %broadcast_in_dim3A_77, %broadcast_in_dim3A_84, %broadcast_in_dim3A_91, %broadcast_in_dim3A_98, %broadcast_in_dim3A_105, %broadcast_in_dim3A_112, %broadcast_in_dim3A_119, %broadcast_in_dim3A_126, %broadcast_in_dim3A_133, %broadcast_in_dim3A_140, %broadcast_in_dim3A_147, %broadcast_in_dim3A_154, %broadcast_in_dim3A_161 in 1 : vector<512x1xi32>, vector<512x1xi32>, vector<512x1xi32>, vector<512x1xi32>, vector<512x1xi32>, vector<512x1xi32>, vector<512x1xi32>, vector<512x1xi32>, vector<512x1xi32>, vector<512x1xi32>, vector<512x1xi32>, vector<512x1xi32>, vector<512x1xi32>, vector<512x1xi32>, vector<512x1xi32>, vector<512x1xi32>, vector<512x1xi32>, vector<512x1xi32>, vector<512x1xi32>, vector<512x1xi32> -> vector<512x20xi32>
    %mul3A_162 = arith.constant 2048 : i32
    %mul3A_163 = arith.muli %arg0, %mul3A_162 : i32
    %add3A_164 = vector.broadcast %mul3A_163 : i32 to vector<512x20xi32>
    %add3A_165 = arith.addi %concatenate3A, %add3A_164 : vector<512x20xi32>
    %swap3A = arith.constant 0 : index
    %swap3A_166 = arith.constant 0 : index
    %swap3A_167 = arith.constant 0 : index
    %swap3A_168 = vector.load %arg4[%swap3A, %swap3A_166, %swap3A_167] : memref<1x512x20xi32, #tpu.memory_space<vmem>>, vector<1x512x20xi32>
    %swap3A_169 = vector.shape_cast %swap3A_168 : vector<1x512x20xi32> to vector<512x20xi32>
    %swap3A_170 = vector.shape_cast %add3A_165 : vector<512x20xi32> to vector<1x512x20xi32>
    tpu.vector_store %arg4[%swap3A, %swap3A_166, %swap3A_167], %swap3A_170 {strides = array<i32>} : memref<1x512x20xi32, #tpu.memory_space<vmem>>, vector<1x512x20xi32>,
    return
  }
  func.func @transform_0(%arg0: i32, %arg1: i32) -> (i32, i32, i32) {
    %c0_i32 = arith.constant 0 : i32
    %c0_i32_0 = arith.constant 0 : i32
    %c0_i32_1 = arith.constant 0 : i32
    return %arg0, %c0_i32, %c0_i32_0 : i32, i32, i32
  }
  func.func @transform_1(%arg0: i32, %arg1: i32) -> (i32, i32, i32) {
    %c0_i32 = arith.constant 0 : i32
    %c0_i32_0 = arith.constant 0 : i32
    return %arg0, %arg1, %c0_i32 : i32, i32, i32
  }
  func.func @transform_2(%arg0: i32, %arg1: i32) -> (i32, i32, i32) {
    %c0_i32 = arith.constant 0 : i32
    %c0_i32_0 = arith.constant 0 : i32
    return %arg0, %arg1, %c0_i32 : i32, i32, i32
  }
}

module attributes {stable_mosaic.version = 14 : i64} {
  func.func @_final_body(%arg0: i32, %arg1: i32, %arg2: memref<10240x128xf32, #tpu.memory_space<vmem>>, %arg3: memref<512x128xf32, #tpu.memory_space<vmem>>, %arg4: memref<128x128xf32, #tpu.memory_space<vmem>>, %arg5: memref<1x128xf32, #tpu.memory_space<vmem>>, %arg6: memref<128x512xf32, #tpu.memory_space<vmem>>, %arg7: memref<1x512xf32, #tpu.memory_space<vmem>>, %arg8: memref<1x1x512xf32, #tpu.memory_space<vmem>>) attributes {dimension_semantics = [#tpu.dimension_semantics<arbitrary>, #tpu.dimension_semantics<arbitrary>], iteration_bounds = array<i64: 4, 4>, scalar_prefetch = 0 : i64, scratch_operands = 0 : i64, tpu.core_type = #tpu.core_type<tc>, window_params = [{transform_indices = @transform_0, window_bounds = array<i64: 10240, 128>}, {transform_indices = @transform_1, window_bounds = array<i64: 512, 128>}, {pipeline_mode = #tpu.pipeline_mode<synchronous>, transform_indices = @transform_2, window_bounds = array<i64: 128, 128>}, {pipeline_mode = #tpu.pipeline_mode<synchronous>, transform_indices = @transform_3, window_bounds = array<i64: 1, 128>}, {pipeline_mode = #tpu.pipeline_mode<synchronous>, transform_indices = @transform_4, window_bounds = array<i64: 128, 512>}, {pipeline_mode = #tpu.pipeline_mode<synchronous>, transform_indices = @transform_5, window_bounds = array<i64: 1, 512>}, {transform_indices = @transform_6, window_bounds = array<i64: 1, 1, 512>}]} {
    %get3A = arith.constant 0 : index
    %get3A_0 = arith.constant 0 : index
    %get3A_1 = vector.load %arg2[%get3A, %get3A_0] : memref<10240x128xf32, #tpu.memory_space<vmem>>, vector<10240x128xf32>
    %slice3A = vector.extract_strided_slice %get3A_1 {offsets = [0, 0], sizes = [10240, 64], strides = [1, 1]} : vector<10240x128xf32> to vector<10240x64xf32>
    %reshape3A = vector.shape_cast %slice3A : vector<10240x64xf32> to vector<512x20x64xf32>
    %get3A_2 = arith.constant 0 : index
    %get3A_3 = arith.constant 0 : index
    %get3A_4 = vector.load %arg3[%get3A_2, %get3A_3] : memref<512x128xf32, #tpu.memory_space<vmem>>, vector<512x128xf32>
    %slice3A_5 = vector.extract_strided_slice %get3A_4 {offsets = [0, 0], sizes = [512, 64], strides = [1, 1]} : vector<512x128xf32> to vector<512x64xf32>
    %reshape3A_6 = vector.shape_cast %slice3A_5 : vector<512x64xf32> to vector<512x1x64xf32>
    %broadcast_in_dim3A = vector.shape_cast %reshape3A_6 : vector<512x1x64xf32> to vector<512x1x64xf32>
    %broadcast_in_dim3A_7 = vector.broadcast %broadcast_in_dim3A : vector<512x1x64xf32> to vector<512x20x64xf32>
    %sub3A = vector.broadcast %reshape3A_6 : vector<512x1x64xf32> to vector<512x20x64xf32>
    %sub3A_8 = arith.subf %reshape3A, %sub3A : vector<512x20x64xf32>
    %concatenate3A = tpu.concatenate %broadcast_in_dim3A_7, %sub3A_8 in 2 : vector<512x20x64xf32>, vector<512x20x64xf32> -> vector<512x20x128xf32>
    %reshape3A_9 = vector.shape_cast %concatenate3A : vector<512x20x128xf32> to vector<10240x128xf32>
    %get3A_10 = arith.constant 0 : index
    %get3A_11 = arith.constant 0 : index
    %get3A_12 = vector.load %arg4[%get3A_10, %get3A_11] : memref<128x128xf32, #tpu.memory_space<vmem>>, vector<128x128xf32>
    %dot_general3A = arith.constant dense<0.000000e+00> : vector<10240x128xf32>
    %dot_general3A_13 = tpu.matmul %reshape3A_9, %get3A_12, %dot_general3A {dimension_numbers = #tpu.dot_dimension_numbers<[1], [0], [0], [1], [0, 0, 1, 1], [], []>, transpose_lhs_hint = false} : vector<10240x128xf32>, vector<128x128xf32>, vector<10240x128xf32> -> vector<10240x128xf32>
    %get3A_14 = arith.constant 0 : index
    %get3A_15 = arith.constant 0 : index
    %get3A_16 = vector.load %arg5[%get3A_14, %get3A_15] : memref<1x128xf32, #tpu.memory_space<vmem>>, vector<1x128xf32>
    %add3A = vector.broadcast %get3A_16 : vector<1x128xf32> to vector<10240x128xf32>
    %add3A_17 = arith.addf %dot_general3A_13, %add3A : vector<10240x128xf32>
    %max3A = arith.constant 0.000000e+00 : f32
    %max3A_18 = vector.broadcast %max3A : f32 to vector<10240x128xf32>
    %max3A_19 = arith.maximumf %add3A_17, %max3A_18 : vector<10240x128xf32>
    %reshape3A_20 = vector.shape_cast %max3A_19 : vector<10240x128xf32> to vector<512x20x128xf32>
    %reduce_max3A = arith.constant dense<0xFF800000> : vector<512x128xf32>
    %reduce_max3A_21 = vector.multi_reduction <maximumf>, %reshape3A_20, %reduce_max3A [1] : vector<512x20x128xf32> to vector<512x128xf32>
    %get3A_22 = arith.constant 0 : index
    %get3A_23 = arith.constant 0 : index
    %get3A_24 = vector.load %arg6[%get3A_22, %get3A_23] : memref<128x512xf32, #tpu.memory_space<vmem>>, vector<128x512xf32>
    %dot_general3A_25 = arith.constant dense<0.000000e+00> : vector<512x512xf32>
    %dot_general3A_26 = tpu.matmul %reduce_max3A_21, %get3A_24, %dot_general3A_25 {dimension_numbers = #tpu.dot_dimension_numbers<[1], [0], [0], [1], [0, 0, 1, 1], [], []>, transpose_lhs_hint = false} : vector<512x128xf32>, vector<128x512xf32>, vector<512x512xf32> -> vector<512x512xf32>
    %get3A_27 = arith.constant 0 : index
    %get3A_28 = arith.constant 0 : index
    %get3A_29 = vector.load %arg7[%get3A_27, %get3A_28] : memref<1x512xf32, #tpu.memory_space<vmem>>, vector<1x512xf32>
    %add3A_30 = vector.broadcast %get3A_29 : vector<1x512xf32> to vector<512x512xf32>
    %add3A_31 = arith.addf %dot_general3A_26, %add3A_30 : vector<512x512xf32>
    %max3A_32 = arith.constant 0.000000e+00 : f32
    %max3A_33 = vector.broadcast %max3A_32 : f32 to vector<512x512xf32>
    %max3A_34 = arith.maximumf %add3A_31, %max3A_33 : vector<512x512xf32>
    %reduce_max3A_35 = arith.constant dense<0xFF800000> : vector<512xf32>
    %reduce_max3A_36 = vector.multi_reduction <maximumf>, %max3A_34, %reduce_max3A_35 [0] : vector<512x512xf32> to vector<512xf32>
    %broadcast_in_dim3A_37 = vector.shape_cast %reduce_max3A_36 : vector<512xf32> to vector<1x512xf32>
    %eq3A = arith.constant 0 : i32
    %eq3A_38 = arith.cmpi eq, %arg1, %eq3A : i32
    %convert_element_type3A = arith.extui %eq3A_38 : i1 to i32
    %cond3A = arith.constant 0 : i32
    %cond3A_39 = arith.cmpi ne, %convert_element_type3A, %cond3A : i32
    scf.if %cond3A_39 {
      %swap3A = arith.constant 0 : index
      %swap3A_44 = arith.constant 0 : index
      %swap3A_45 = arith.constant 0 : index
      %swap3A_46 = vector.load %arg8[%swap3A, %swap3A_44, %swap3A_45] : memref<1x1x512xf32, #tpu.memory_space<vmem>>, vector<1x1x512xf32>
      %swap3A_47 = vector.shape_cast %swap3A_46 : vector<1x1x512xf32> to vector<1x512xf32>
      %swap3A_48 = vector.shape_cast %broadcast_in_dim3A_37 : vector<1x512xf32> to vector<1x1x512xf32>
      tpu.vector_store %arg8[%swap3A, %swap3A_44, %swap3A_45], %swap3A_48 {strides = array<i32>} : memref<1x1x512xf32, #tpu.memory_space<vmem>>, vector<1x1x512xf32>,
    } else {
    }
    %ne3A = arith.constant 0 : i32
    %ne3A_40 = arith.cmpi ne, %arg1, %ne3A : i32
    %convert_element_type3A_41 = arith.extui %ne3A_40 : i1 to i32
    %cond3A_42 = arith.constant 0 : i32
    %cond3A_43 = arith.cmpi ne, %convert_element_type3A_41, %cond3A_42 : i32
    scf.if %cond3A_43 {
      %get3A_44 = arith.constant 0 : index
      %get3A_45 = arith.constant 0 : index
      %get3A_46 = arith.constant 0 : index
      %get3A_47 = vector.load %arg8[%get3A_44, %get3A_45, %get3A_46] : memref<1x1x512xf32, #tpu.memory_space<vmem>>, vector<1x1x512xf32>
      %get3A_48 = vector.shape_cast %get3A_47 : vector<1x1x512xf32> to vector<1x512xf32>
      %max3A_49 = arith.maximumf %get3A_48, %broadcast_in_dim3A_37 : vector<1x512xf32>
      %swap3A = arith.constant 0 : index
      %swap3A_50 = arith.constant 0 : index
      %swap3A_51 = arith.constant 0 : index
      %swap3A_52 = vector.load %arg8[%swap3A, %swap3A_50, %swap3A_51] : memref<1x1x512xf32, #tpu.memory_space<vmem>>, vector<1x1x512xf32>
      %swap3A_53 = vector.shape_cast %swap3A_52 : vector<1x1x512xf32> to vector<1x512xf32>
      %swap3A_54 = vector.shape_cast %max3A_49 : vector<1x512xf32> to vector<1x1x512xf32>
      tpu.vector_store %arg8[%swap3A, %swap3A_50, %swap3A_51], %swap3A_54 {strides = array<i32>} : memref<1x1x512xf32, #tpu.memory_space<vmem>>, vector<1x1x512xf32>,
    } else {
    }
    return
  }
  func.func @transform_0(%arg0: i32, %arg1: i32) -> (i32, i32) {
    %mul3A = arith.constant 4 : i32
    %mul3A_0 = arith.muli %arg0, %mul3A : i32
    %add3A = arith.addi %mul3A_0, %arg1 : i32
    %c0_i32 = arith.constant 0 : i32
    %c0_i32_1 = arith.constant 0 : i32
    return %add3A, %c0_i32 : i32, i32
  }
  func.func @transform_1(%arg0: i32, %arg1: i32) -> (i32, i32) {
    %mul3A = arith.constant 4 : i32
    %mul3A_0 = arith.muli %arg0, %mul3A : i32
    %add3A = arith.addi %mul3A_0, %arg1 : i32
    %c0_i32 = arith.constant 0 : i32
    %c0_i32_1 = arith.constant 0 : i32
    return %add3A, %c0_i32 : i32, i32
  }
  func.func @transform_2(%arg0: i32, %arg1: i32) -> (i32, i32) {
    %c0_i32 = arith.constant 0 : i32
    %c0_i32_0 = arith.constant 0 : i32
    %c0_i32_1 = arith.constant 0 : i32
    return %c0_i32, %c0_i32_0 : i32, i32
  }
  func.func @transform_3(%arg0: i32, %arg1: i32) -> (i32, i32) {
    %c0_i32 = arith.constant 0 : i32
    %c0_i32_0 = arith.constant 0 : i32
    %c0_i32_1 = arith.constant 0 : i32
    return %c0_i32, %c0_i32_0 : i32, i32
  }
  func.func @transform_4(%arg0: i32, %arg1: i32) -> (i32, i32) {
    %c0_i32 = arith.constant 0 : i32
    %c0_i32_0 = arith.constant 0 : i32
    %c0_i32_1 = arith.constant 0 : i32
    return %c0_i32, %c0_i32_0 : i32, i32
  }
  func.func @transform_5(%arg0: i32, %arg1: i32) -> (i32, i32) {
    %c0_i32 = arith.constant 0 : i32
    %c0_i32_0 = arith.constant 0 : i32
    %c0_i32_1 = arith.constant 0 : i32
    return %c0_i32, %c0_i32_0 : i32, i32
  }
  func.func @transform_6(%arg0: i32, %arg1: i32) -> (i32, i32, i32) {
    %c0_i32 = arith.constant 0 : i32
    %c0_i32_0 = arith.constant 0 : i32
    %c0_i32_1 = arith.constant 0 : i32
    return %arg0, %c0_i32, %c0_i32_0 : i32, i32, i32
  }
}

module attributes {stable_mosaic.version = 14 : i64} {
  func.func @_head_body(%arg0: memref<16x512xf32, #tpu.memory_space<vmem>>, %arg1: memref<512x256xf32, #tpu.memory_space<vmem>>, %arg2: memref<1x256xf32, #tpu.memory_space<vmem>>, %arg3: memref<256x40xf32, #tpu.memory_space<vmem>>, %arg4: memref<1x40xf32, #tpu.memory_space<vmem>>, %arg5: memref<16x40xf32, #tpu.memory_space<vmem>>) attributes {dimension_semantics = [], scalar_prefetch = 0 : i64, scratch_operands = 0 : i64, tpu.core_type = #tpu.core_type<tc>} {
    %get3A = arith.constant 0 : index
    %get3A_0 = arith.constant 0 : index
    %get3A_1 = vector.load %arg0[%get3A, %get3A_0] : memref<16x512xf32, #tpu.memory_space<vmem>>, vector<16x512xf32>
    %get3A_2 = arith.constant 0 : index
    %get3A_3 = arith.constant 0 : index
    %get3A_4 = vector.load %arg1[%get3A_2, %get3A_3] : memref<512x256xf32, #tpu.memory_space<vmem>>, vector<512x256xf32>
    %dot_general3A = arith.constant dense<0.000000e+00> : vector<16x256xf32>
    %dot_general3A_5 = tpu.matmul %get3A_1, %get3A_4, %dot_general3A {dimension_numbers = #tpu.dot_dimension_numbers<[1], [0], [0], [1], [0, 0, 1, 1], [], []>, transpose_lhs_hint = false} : vector<16x512xf32>, vector<512x256xf32>, vector<16x256xf32> -> vector<16x256xf32>
    %get3A_6 = arith.constant 0 : index
    %get3A_7 = arith.constant 0 : index
    %get3A_8 = vector.load %arg2[%get3A_6, %get3A_7] : memref<1x256xf32, #tpu.memory_space<vmem>>, vector<1x256xf32>
    %add3A = vector.broadcast %get3A_8 : vector<1x256xf32> to vector<16x256xf32>
    %add3A_9 = arith.addf %dot_general3A_5, %add3A : vector<16x256xf32>
    %max3A = arith.constant 0.000000e+00 : f32
    %max3A_10 = vector.broadcast %max3A : f32 to vector<16x256xf32>
    %max3A_11 = arith.maximumf %add3A_9, %max3A_10 : vector<16x256xf32>
    %get3A_12 = arith.constant 0 : index
    %get3A_13 = arith.constant 0 : index
    %get3A_14 = vector.load %arg3[%get3A_12, %get3A_13] : memref<256x40xf32, #tpu.memory_space<vmem>>, vector<256x40xf32>
    %dot_general3A_15 = arith.constant dense<0.000000e+00> : vector<16x40xf32>
    %dot_general3A_16 = tpu.matmul %max3A_11, %get3A_14, %dot_general3A_15 {dimension_numbers = #tpu.dot_dimension_numbers<[1], [0], [0], [1], [0, 0, 1, 1], [], []>, transpose_lhs_hint = false} : vector<16x256xf32>, vector<256x40xf32>, vector<16x40xf32> -> vector<16x40xf32>
    %get3A_17 = arith.constant 0 : index
    %get3A_18 = arith.constant 0 : index
    %get3A_19 = vector.load %arg4[%get3A_17, %get3A_18] : memref<1x40xf32, #tpu.memory_space<vmem>>, vector<1x40xf32>
    %add3A_20 = vector.broadcast %get3A_19 : vector<1x40xf32> to vector<16x40xf32>
    %add3A_21 = arith.addf %dot_general3A_16, %add3A_20 : vector<16x40xf32>
    %swap3A = arith.constant 0 : index
    %swap3A_22 = arith.constant 0 : index
    %swap3A_23 = vector.load %arg5[%swap3A, %swap3A_22] : memref<16x40xf32, #tpu.memory_space<vmem>>, vector<16x40xf32>
    tpu.vector_store %arg5[%swap3A, %swap3A_22], %add3A_21 {strides = array<i32>} : memref<16x40xf32, #tpu.memory_space<vmem>>, vector<16x40xf32>,
    return
  }
}

</mosaic_0001>

<sc_bundles>
// kernel: kernel.27.cloned.1.call-start
scs
__scs_entry_jumppad:
0x0: {  	(pc) =	sbr.rel $0x88, $3  }
0x1: {  	(tag) =	ssettag $0x0;
	lr =	simm.s32 $0x1  }
0x2: {  	[smem:$0x3F92] =	sst lr;
	_ =	strace $0xD0000000  }
0x3: {  	_ = 	snop  }
0x4: {  	_ = 	snop  }
0x5: {  	_ = 	snop  }
0x6: {  	_ = 	snop  }
0x7: {  	_ = 	snop  }
__scs_overlays_trampoline_lowered:
0x8: {  	[smem:$0x3FA1] =	sst s0  }
0x9: {  	[smem:$0x3FA2] =	sst s1  }
0xa: {  	[smem:$0x3FA3] =	sst s2  }
0xb: {  	[smem:$0x3FA4] =	sst s3  }
0xc: {  	[smem:$0x3FA5] =	sst s4  }
0xd: {  	[smem:$0x3FA6] =	sst s5  }
0xe: {  	[smem:$0x3FA7] =	sst s6  }
0xf: {  	[smem:$0x3FA8] =	sst s7  }
0x10: {  	[smem:$0x3FA9] =	sst s8  }
0x11: {  	[smem:$0x3FAA] =	sst s9;
	s0 =	simm.s32 @!p0 $0x0  }
0x12: {  	s1 =	sld [smem:$0x3F90];
	s0 =	simm.s32 @p0 $0x1  }
0x13: {  	[smem:$0x3FAB] =	sst s0;
	s0 =	simm.s32 @!p1 $0x0  }
0x14: {  	s2 =	sld [smem:$0x3F8F];
	s0 =	simm.s32 @p1 $0x1  }
0x15: {  	[smem:$0x3FAC] =	sst s0;
	s0 =	simm.s32 @!p2 $0x0  }
0x16: {  	s3 =	sld [smem:$0x3FDB];
	s0 =	simm.s32 @p2 $0x1  }
0x17: {  	s4 =	simm.s32 $0x1BF5;
	[smem:$0x3FAE] =	sst s0  }
0x18: {  	s0 =	sld [smem:$0x3F91];
	_ =	swait.ge [sflag:s4], $0x0  }
0x19: {  	s7 =	sld [smem:$0x3F92]  }
0x1a: {  	s8 =	sadd.s32 $0xFFFFE003, lr  }
0x1b: {  	s9 =	sadd.s32 $0xFFFFFEF7, lr;
	s5 =	simm.s32 $0xFFFFFFFF;
	p2 =	slt.u32 s8, $0xFFFFF086  }
0x1c: {  	p1 =	slt.u32 s9, $0xF7A;
	s5 =	simm.s32 @!p2 $0x0  }
0x1d: {  	s5 =	simm.s32 @p1 $0x1;
	p0 =	seq.s32 s7, s2  }
0x1e: {  	s7 =	smul.u32 @!p0 $0xF7A, s2;
	p2 =	seq.s32 @!p0 s5, $0x0  }
0x1f: {  	s9 =	smul.u32 $0xF7A, s1;
	s8 =	simm.s32 @!p0 $0x1BF5;
	p2 =	por !p2, p0  }
0x20: {  	[sflag:s8] =	ssyncset.s32 @!p0 $0xFFFFF086;
	s6 =	sadd.s32 @!p0 s3, s7;
	s7 =	simm.s32 @!p0 $0x108  }
0x21: {  	s3 =	sadd.s32 s3, s9;
	s6 =	sadd.s32 @!p0 $0x88, s6;
	s7 =	simm.s32 @p2 $0x1082  }
0x22: {  	[simem:s7], [sflag:s8] =	dma.local @!p0 [hbm:s6], $0xF7A  }
0x23: {  	s9 =	sor.u32 $0xD0000000, s2;
	s6 =	simm.s32 $0x108;
	_ =	swait.ge @!p0 [sflag:s8], $0x0  }
0x24: {  	s3 =	sadd.s32 $0x88, s3;
	s6 =	simm.s32 @!p1 $0x1082;
	[sflag:s4] =	ssyncset.s32 $0xFFFFF086  }
0x25: {  	[simem:s6], [sflag:s4] =	dma.local [hbm:s3], $0xF7A  }
0x26: {  	[smem:$0x3F92] =	sst s1;
	(tag) =	ssettag s2;
	_ =	strace s9  }
0x27: {  	s1 =	sld [smem:$0x3FA2]  }
0x28: {  	s2 =	sld [smem:$0x3FA3]  }
0x29: {  	s4 =	sld [smem:$0x3FA5]  }
0x2a: {  	p0 =	seq.s32 s5, $0x0;
	s5 =	sld [smem:$0x3FA6]  }
0x2b: {  	s6 =	sld [smem:$0x3FA7]  }
0x2c: {  	s7 =	sld [smem:$0x3FA8]  }
0x2d: {  	s3 =	simm.s32 $0x108;
	s8 =	sld [smem:$0x3FA9]  }
0x2e: {  	s3 =	simm.s32 @!p0 $0x1082;
	s9 =	sld [smem:$0x3FAA]  }
0x2f: {  	lr =	sadd.s32 s0, s3;
	s0 =	sld [smem:$0x3FA1]  }
0x30: {  	s3 =	sld [smem:$0x3FA4]  }
0x31: {  	[smem:$0x3FAD] =	sst s10  }
0x32: {  	s10 =	sld [smem:$0x3FAB];
	_ =	sdelay $0x3  }
0x33: {  	p0 =	seq.s32 s10, $0x1;
	s10 =	sld [smem:$0x3FAD];
	_ =	sdelay $0x3  }
0x34: {  	[smem:$0x3FAD] =	sst s10  }
0x35: {  	s10 =	sld [smem:$0x3FAC];
	_ =	sdelay $0x3  }
0x36: {  	p1 =	seq.s32 s10, $0x1;
	s10 =	sld [smem:$0x3FAD];
	_ =	sdelay $0x3  }
0x37: {  	[smem:$0x3FAD] =	sst s10  }
0x38: {  	s10 =	sld [smem:$0x3FAE]  }
0x39: {  	_ = 	snop;
	(pc) =	sbr.ind lr, $3  }
0x3a: {  	_ = 	snop  }
0x3b: {  	_ = 	snop  }
0x3c: {  	p2 =	seq.s32 s10, $0x1;
	s10 =	sld [smem:$0x3FAD]  }
0x3d: {  	_ =	shalt  }
0x3e: {  	_ =	shalt  }
0x3f: {  	_ =	shalt  }
0x40: {  	_ =	shalt  }
0x41: {  	_ =	shalt  }
0x42: {  	_ =	shalt  }
0x43: {  	_ =	shalt  }
0x44: {  	_ =	shalt  }
0x45: {  	_ =	shalt  }
0x46: {  	_ =	shalt  }
0x47: {  	_ =	shalt  }
0x48: {  	_ =	shalt  }
0x49: {  	_ =	shalt  }
0x4a: {  	_ =	shalt  }
0x4b: {  	_ =	shalt  }
0x4c: {  	_ =	shalt  }
0x4d: {  	_ =	shalt  }
0x4e: {  	_ =	shalt  }
0x4f: {  	_ =	shalt  }
0x50: {  	_ =	shalt  }
0x51: {  	_ =	shalt  }
0x52: {  	_ =	shalt  }
0x53: {  	_ =	shalt  }
0x54: {  	_ =	shalt  }
0x55: {  	_ =	shalt  }
0x56: {  	_ =	shalt  }
0x57: {  	_ =	shalt  }
0x58: {  	_ =	shalt  }
0x59: {  	_ =	shalt  }
0x5a: {  	_ =	shalt  }
0x5b: {  	_ =	shalt  }
0x5c: {  	_ =	shalt  }
0x5d: {  	_ =	shalt  }
0x5e: {  	_ =	shalt  }
0x5f: {  	_ =	shalt  }
0x60: {  	_ =	shalt  }
0x61: {  	_ =	shalt  }
0x62: {  	_ =	shalt  }
0x63: {  	_ =	shalt  }
0x64: {  	_ =	shalt  }
0x65: {  	_ =	shalt  }
0x66: {  	_ =	shalt  }
0x67: {  	_ =	shalt  }
0x68: {  	_ =	shalt  }
0x69: {  	_ =	shalt  }
0x6a: {  	_ =	shalt  }
0x6b: {  	_ =	shalt  }
0x6c: {  	_ =	shalt  }
0x6d: {  	_ =	shalt  }
0x6e: {  	_ =	shalt  }
0x6f: {  	_ =	shalt  }
0x70: {  	_ =	shalt  }
0x71: {  	_ =	shalt  }
0x72: {  	_ =	shalt  }
0x73: {  	_ =	shalt  }
0x74: {  	_ =	shalt  }
0x75: {  	_ =	shalt  }
0x76: {  	_ =	shalt  }
0x77: {  	_ =	shalt  }
0x78: {  	_ =	shalt  }
0x79: {  	_ =	shalt  }
0x7a: {  	_ =	shalt  }
0x7b: {  	_ =	shalt  }
0x7c: {  	_ =	shalt  }
0x7d: {  	_ =	shalt  }
0x7e: {  	_ =	shalt  }
0x7f: {  	_ =	shalt  }
0x80: {  	_ =	shalt  }
0x81: {  	_ =	shalt  }
0x82: {  	_ =	shalt  }
0x83: {  	_ =	shalt  }
0x84: {  	_ =	shalt  }
0x85: {  	_ =	shalt  }
0x86: {  	_ =	shalt  }
0x87: {  	_ =	shalt  }
.Lfunc_end0:
.L_simem_size_0:
called_computation_lowered:
.L_overlay_start_0:
0x88: {  	s2 =	sld [smem:$0x3FD9]  }
0x89: {  	s3 =	sld [smem:$0x3FFE];
	_ =	sdelay $0x1  }
0x8a: {  	s1 =	srdreg.scid  }
0x8b: {  	s0 =	sand.u32 $0x1, s1  }
0x8c: {  	s16 =	sshll.u32 s0, $0xA;
	s2 =	sadd.s32 s3, s2  }
0x8d: {  	s2 =	sadd.s32 s2, s16  }
0x8e: {  	[smem:$0x3FB9] =	sst s2  }
0x8f: {  	_ = 	snop  }
0x90: {  	(tm) =	ssettm $0x1  }
0x91: {  	s17 =	sld [smem:$0x3FFB];
	_ =	sdelay $0x3  }
0x92: {  	_ =	strace s17  }
0x93: {  	s2 =	sld [smem:$0x3FFC];
	_ =	sdelay $0x3  }
0x94: {  	_ =	strace s2  }
0x95: {  	s2 =	sld [smem:$0x3FFD];
	_ =	sdelay $0x3  }
0x96: {  	_ =	strace s2  }
0x97: {  	_ =	strace $0x8FFFFFFF  }
0x98: {  	s18 =	sld [smem:$0x3FDB];
	_ =	sdelay $0x1  }
0x99: {  	s19 =	simm.s32 $_scs_section_size  }
0x9a: {  	s4 =	simm.s32 $_size__tile_overlayer_lowered;
	s5 =	simm.s32 $_tile_overlayer_lowered  }
0x9b: {  	s22 =	simm.s32 $0x1BFF;
	s21 =	sshll.u32 s5, $0x1;
	s2 =	sadd.s32 s19, s18  }
0x9c: {  	s6 =	simm.s32 $0x0;
	s20 =	sshll.u32 s4, $0x1;
	s4 =	sadd.s32 s21, s2  }
0x9d: {  	[timem:s6], [sflag:s22] =	dma.local [hbm:s4], s20  }
0x9e: {  	_ =	swait.ge [sflag:s22], s20  }
0x9f: {  	s3 =	ssub.s32 $0x0, s20;
	[sflag:s22] =	ssyncset.done $0x0  }
0xa0: {  	[sflag:s22] =	ssyncadd.s32 s3;
	_ =	sdelay $0x1  }
0xa1: {  	s23 =	simm.s32 $0x1B8B  }
0xa2: {  	_ =	swait.ge [sflag:s23], $0x1  }
0xa3: {  	[sflag:s23] =	ssyncset.done $0x0  }
0xa4: {  	s25 =	simm.s32 $0x1B8E;
	s24 =	sld [smem:$0x3FFE];
	[sflag:s23] =	ssyncadd.s32 $0xFFFFFFFF  }
0xa5: {  	s26 =	simm.s32 $execute0_lowered;
	[smem:$0x3FD2] =	sst s25  }
0xa6: {  	s4 =	sshll.u32 s26, $0x1;
	_ =	strace $0x80000046;
	[dreg:$0x1] =	wrdreg $0xFFFFFFFF  }
0xa7: {  	s28 =	simm.s32 $_size_execute0_lowered;
	s2 =	sadd.s32 s2, s4;
	[dreg:$0x0] =	wrdreg $0x0  }
0xa8: {  	s4 =	sshll.u32 s28, $0x1;
	[dreg:$0x2] =	wrdreg s2  }
0xa9: {  	[dreg:$0x3] =	wrdreg s4  }
0xaa: {  	[dreg:$0x4] =	wrdreg $0xC0  }
0xab: {  	_ =	task [dreg:s6], $0x5FFFF  }
0xac: {  	[dreg:$0x1] =	wrdreg $0xFFFFFFFF  }
0xad: {  	[dreg:$0x0] =	wrdreg $0x60  }
0xae: {  	[dreg:$0x2] =	wrdreg s24  }
0xaf: {  	[dreg:$0x3] =	wrdreg $0x9  }
0xb0: {  	_ =	task.clear_ibuf [dreg:s6], $0x4FFFF;
	_ =	strace $0x90000046  }
0xb1: {  	s29 =	simm.s32 $0x9;
	_ =	strace $0x80000048  }
0xb2: {  	_ =	swait.ge [sflag:s29], $0x1  }
0xb3: {  	[sflag:s29] =	ssyncadd.s32 $0xFFFFFFFF  }
0xb4: {  	_ =	strace $0x90000048  }
0xb5: {  	_ =	sfence  }
0xb6: {  	s30 =	sld [smem:$0x0];
	_ =	sdelay $0x2  }
0xb7: {  	s31 =	sshll.u32 s1, $0xD;
	s1 =	sshrl.u32 s1, $0x2  }
0xb8: {  	s3 =	sand.u32 $0x4000, s31;
	s1 =	sadd.s32 s1, s30  }
0xb9: {  	s0 =	sor.u32 s3, s0;
	s1 =	sshll.u32 s1, $0x11  }
0xba: {  	s0 =	sor.u32 s1, s0  }
0xbb: {  	s0 =	sadd.s32 $0x8F2B, s0  }
0xbc: {  	[sflag:s0] =	ssyncadd.remote.s32 $0x1  }
0xbd: {  	_ =	sfence.sel $0xFFFF  }
0xbe: {  	[dreg:$0x0] =	wrdreg $0xFFFFFFFF;
	(pc) =	sbr.abs _section_cstart, $3  }
0xbf: {  	[dreg:$0x1] =	wrdreg $0xFFFFFFFF  }
0xc0: {  	_ =	task.clear_ibuf [dreg:s6], $0x2FFFF;
	_ =	strace $0x9FFFFFFF  }
0xc1: {  	(tm) =	ssettm $0x7FFFFFFF  }
tec
execute0_lowered:
.L_overlay_start_1:
0x0: {  	(tag) =	ssettag $0x1  }
0x1: {  	s1 =	srdreg.scid  }
0x2: {  	s0 =	stileid.u32;
	s4 =	rddreg [dreg:$0x0];
	s2 =	simm.s32 $0x0  }
0x3: {  	s12 =	simm.s32 $0x5400;
	s13 =	simm.s32 $0x1;
	s14 =	simm.s32 $0x2  }
0x4: {  	s15 =	simm.s32 $0x3;
	s16 =	simm.s32 $0x4;
	s17 =	simm.s32 $0x0  }
0x5: {  	s3 =	sand.u32 $0x1, s1;
	s31 =	sshll.u32 s0, $0x1;
	s1 =	rddreg [dreg:$0x1]  }
0x6: {  	[smem:$0x7FF] =	sst s2;
	s8 =	smul.u32 $0x28000, s0;
	s9 =	sadd.s32 $0x4DE00, s4  }
0x7: {  	s5 =	sor.u32 s3, s31;
	_ =	strace $0x80000047;
	s11 =	smul.u32 $0x14000, s3  }
0x8: {  	s7 =	ssub.s32 $0x2, s3;
	s3 =	sadd.s32 $0x28E00, s4;
	s6 =	smul.u32 $0x1400, s5  }
0x9: {  	s5 =	smul.u32 $0x14000, s5;
	s10 =	sshrl.u32 s7, $0x1;
	s8 =	sadd.s32 s8, s9  }
0xa: {  	s7 =	ssub.s32 s7, s10;
	s8 =	sadd.s32 s11, s8;
	s10 =	simm.s32 $0x80  }
0xb: {  	s11 =	simm.s32 $0x1400;
	s6 =	sshrl.u32 s6, $0x3;
	s5 =	sadd.s32 s9, s5  }
0xc: {  	s8 =	sadd.s32 $0x1800, s8;
	s9 =	simm.s32 $0x5;
	s6 =	sadd.s32 s6, s4  }
0xd: {  	s4 =	sadd.s32 $0x48E00, s6;
	s6 =	smax.u32 s7, $0x1;
	s7 =	sadd.s32 $0x800, s5  }
.LBB2_1:
0xe: {  	[tilespmem:s2], [sflag:$0x5] =	stream.linear.gather [hbm4b:s4+s2], $0x1400, $0x38;
	[tilespmem:$0x9400] =	vst v63  }
0xf: {  	_ =	swait.ge [sflag:s9], $0x1400  }
0x10: {  	[sflag:s9] =	ssyncset.done $0x0  }
0x11: {  	[sflag:s9] =	ssyncadd.s32 $0xFFFFEC00  }
0x12: {  	[tilespmem:s11], [sflag:$0x1] =	stream.indirect.gather [hbm4b:s3+s10], $0x80, s2, s10, $0xb8;
	[tilespmem:$0x9400] =	vst v63  }
0x13: {  	_ = 	snop  }
0x14: {  	[tilespmem:s12], [sflag:$0x2] =	stream.indirect.gather [hbm4b:s3+s10], $0x80, s10, s10, $0xb8;
	[tilespmem:$0x9400] =	vst v63  }
0x15: {  	_ =	swait.ge [sflag:s13], $0x4000  }
0x16: {  	[sflag:s13] =	ssyncset.done $0x0  }
0x17: {  	[sflag:s13] =	ssyncadd.s32 $0xFFFFC000  }
0x18: {  	[hbm4b:s5+s2] =	stream.linear.scatter [tilespmem:s11], [sflag:$0x3], $0x4000, $0x38;
	[tilespmem:$0x9400] =	vst v63  }
0x19: {  	_ =	swait.ge [sflag:s14], $0x4000  }
0x1a: {  	[sflag:s14] =	ssyncset.done $0x0  }
0x1b: {  	[sflag:s14] =	ssyncadd.s32 $0xFFFFC000  }
0x1c: {  	[hbm4b:s7+s2] =	stream.linear.scatter [tilespmem:s12], [sflag:$0x4], $0x4000, $0x38;
	[tilespmem:$0x9400] =	vst v63  }
0x1d: {  	_ =	swait.ge [sflag:s15], $0x4000  }
0x1e: {  	[sflag:s15] =	ssyncset.done $0x0  }
0x1f: {  	[sflag:s15] =	ssyncadd.s32 $0xFFFFC000  }
0x20: {  	_ =	swait.ge [sflag:s16], $0x4000  }
0x21: {  	[sflag:s16] =	ssyncset.done $0x0  }
0x22: {  	s18 =	simm.s32 $0x100;
	[sflag:s16] =	ssyncadd.s32 $0xFFFFC000  }
0x23: {  	[tilespmem:s11], [sflag:$0x1] =	stream.indirect.gather [hbm4b:s3+s10], $0x80, s18, s10, $0xb8;
	[tilespmem:$0x9400] =	vst v63  }
0x24: {  	s30 =	simm.s32 $0x180  }
0x25: {  	[tilespmem:s12], [sflag:$0x2] =	stream.indirect.gather [hbm4b:s3+s10], $0x80, s30, s10, $0xb8;
	[tilespmem:$0x9400] =	vst v63  }
0x26: {  	_ =	swait.ge [sflag:s13], $0x4000  }
0x27: {  	[sflag:s13] =	ssyncset.done $0x0  }
0x28: {  	s31 =	sadd.s32 $0xFFFFF800, s8;
	[sflag:s13] =	ssyncadd.s32 $0xFFFFC000  }
0x29: {  	[hbm4b:s31+s2] =	stream.linear.scatter [tilespmem:s11], [sflag:$0x3], $0x4000, $0x38;
	[tilespmem:$0x9400] =	vst v63  }
0x2a: {  	_ =	swait.ge [sflag:s14], $0x4000  }
0x2b: {  	s19 =	sadd.s32 $0x1000, s8;
	[sflag:s14] =	ssyncset.done $0x0  }
0x2c: {  	s20 =	smov.u32 s8;
	s18 =	simm.s32 $0x400;
	[sflag:s14] =	ssyncadd.s32 $0xFFFFC000  }
.LBB2_2:
0x2d: {  	[hbm4b:s20+s2] =	stream.linear.scatter [tilespmem:s12], [sflag:$0x4], $0x4000, $0x38;
	[tilespmem:$0x9400] =	vst v63  }
0x2e: {  	s21 =	smov.u32 s18;
	s20 =	smov.u32 s19  }
0x2f: {  	p0 =	sne.s32 s18, $0x4800;
	s18 =	sadd.s32 $0x400, s18;
	_ =	swait.ge [sflag:s15], $0x4000  }
0x30: {  	[sflag:s15] =	ssyncset.done $0x0  }
0x31: {  	[sflag:s15] =	ssyncadd.s32 $0xFFFFC000  }
0x32: {  	_ =	swait.ge [sflag:s16], $0x4000  }
0x33: {  	s21 =	sshra.s32 s21, $0x2;
	[sflag:s16] =	ssyncset.done $0x0  }
0x34: {  	s22 =	sadd.s32 $0x100, s21;
	[sflag:s16] =	ssyncadd.s32 $0xFFFFC000  }
0x35: {  	[tilespmem:s11], [sflag:$0x1] =	stream.indirect.gather [hbm4b:s3+s10], $0x80, s22, s10, $0xb8;
	[tilespmem:$0x9400] =	vst v63  }
0x36: {  	s21 =	sadd.s32 $0x180, s21  }
0x37: {  	[tilespmem:s12], [sflag:$0x2] =	stream.indirect.gather [hbm4b:s3+s10], $0x80, s21, s10, $0xb8;
	[tilespmem:$0x9400] =	vst v63  }
0x38: {  	_ =	swait.ge [sflag:s13], $0x4000  }
0x39: {  	[sflag:s13] =	ssyncset.done $0x0  }
.Ltmp0:
0x3a: {  	s21 =	sadd.s32 $0xFFFFF800, s19;
	[sflag:s13] =	ssyncadd.s32 $0xFFFFC000;
	(pc) =	sbr.rel @p0 .LBB2_2-.Ltmp0, $4  }
0x3b: {  	[hbm4b:s21+s2] =	stream.linear.scatter [tilespmem:s11], [sflag:$0x3], $0x4000, $0x38;
	[tilespmem:$0x9400] =	vst v63  }
0x3c: {  	_ =	swait.ge [sflag:s14], $0x4000  }
0x3d: {  	[sflag:s14] =	ssyncset.done $0x0  }
0x3e: {  	s19 =	sadd.s32 $0x1000, s19;
	[sflag:s14] =	ssyncadd.s32 $0xFFFFC000  }
0x3f: {  	[hbm4b:s20+s2] =	stream.linear.scatter [tilespmem:s12], [sflag:$0x4], $0x4000, $0x38;
	[tilespmem:$0x9400] =	vst v63  }
0x40: {  	s17 =	sadd.s32 $0x1, s17  }
0x41: {  	_ =	swait.ge [sflag:s15], $0x4000;
	p0 =	sne.s32 s17, s6  }
.Ltmp1:
0x42: {  	[sflag:s15] =	ssyncset.done $0x0;
	(pc) =	sbr.rel @p0 .LBB2_1-.Ltmp1, $4  }
0x43: {  	[sflag:s15] =	ssyncadd.s32 $0xFFFFC000  }
0x44: {  	_ =	swait.ge [sflag:s16], $0x4000  }
0x45: {  	[sflag:s16] =	ssyncset.done $0x0  }
0x46: {  	[sflag:s16] =	ssyncadd.s32 $0xFFFFC000  }
0x47: {  	_ =	sfence.sel $0x180000  }
0x48: {  	[bflag:$0x0] =	sbarrier.arrive $0xFFFF  }
0x49: {  	p0 =	sne.s32 s0, $0x0;
	_ =	strace $0x90000047  }
0x4a: {  	s0 =	sadd.s32 @!p0 $0x100000, s1;
	[bflag:$0x2] =	sbarrier.arrive $0xFFFF  }
0x4b: {  	[sflag:s0] =	ssyncadd.tile.s32 @!p0 $0x1;
	_ =	shalt  }
.Lfunc_end2:
_tile_overlayer_lowered:
.L_overlay_start_2:
0x4c: {  	(tag) =	ssettag $0x2  }
0x4d: {  	s0 =	rddreg [dreg:$0x0];
	s2 =	stileid.u32  }
0x4e: {  	s1 =	rddreg [dreg:$0x1];
	p0 =	sne.s32 s2, $0x0  }
0x4f: {  	s3 =	rddreg [dreg:$0x2];
	[bflag:$0x3] =	sbarrier.arrive $0xFFFF;
	s2 =	simm.s32 @!p0 $0x1C05  }
0x50: {  	[timem:s3], [sflag:s2] =	dma.local @!p0 [hbm:s0], s1  }
0x51: {  	s0 =	simm.s32 @!p0 $0x5  }
0x52: {  	_ =	swait.ge @!p0 [sflag:s0], s1  }
0x53: {  	s1 =	ssub.s32 @!p0 $0x0, s1;
	[sflag:s0] =	ssyncset.done @!p0 $0x0  }
0x54: {  	[sflag:s0] =	ssyncadd.s32 @!p0 s1  }
0x55: {  	[bflag:$0x3] =	sbarrier.arrive $0xFFFF  }
0x56: {  	_ =	shalt  }

// kernel: kernel.30.cloned.1.call-start
scs
__scs_entry_jumppad:
0x0: {  	(pc) =	sbr.rel $0x88, $3  }
0x1: {  	(tag) =	ssettag $0x0;
	lr =	simm.s32 $0x1  }
0x2: {  	[smem:$0x3F92] =	sst lr;
	_ =	strace $0xD0000000  }
0x3: {  	_ = 	snop  }
0x4: {  	_ = 	snop  }
0x5: {  	_ = 	snop  }
0x6: {  	_ = 	snop  }
0x7: {  	_ = 	snop  }
__scs_overlays_trampoline_lowered:
0x8: {  	[smem:$0x3FA1] =	sst s0  }
0x9: {  	[smem:$0x3FA2] =	sst s1  }
0xa: {  	[smem:$0x3FA3] =	sst s2  }
0xb: {  	[smem:$0x3FA4] =	sst s3  }
0xc: {  	[smem:$0x3FA5] =	sst s4  }
0xd: {  	[smem:$0x3FA6] =	sst s5  }
0xe: {  	[smem:$0x3FA7] =	sst s6  }
0xf: {  	[smem:$0x3FA8] =	sst s7  }
0x10: {  	[smem:$0x3FA9] =	sst s8  }
0x11: {  	[smem:$0x3FAA] =	sst s9;
	s0 =	simm.s32 @!p0 $0x0  }
0x12: {  	s1 =	sld [smem:$0x3F90];
	s0 =	simm.s32 @p0 $0x1  }
0x13: {  	[smem:$0x3FAB] =	sst s0;
	s0 =	simm.s32 @!p1 $0x0  }
0x14: {  	s2 =	sld [smem:$0x3F8F];
	s0 =	simm.s32 @p1 $0x1  }
0x15: {  	[smem:$0x3FAC] =	sst s0;
	s0 =	simm.s32 @!p2 $0x0  }
0x16: {  	s3 =	sld [smem:$0x3FDB];
	s0 =	simm.s32 @p2 $0x1  }
0x17: {  	s4 =	simm.s32 $0x1BF5;
	[smem:$0x3FAE] =	sst s0  }
0x18: {  	s0 =	sld [smem:$0x3F91];
	_ =	swait.ge [sflag:s4], $0x0  }
0x19: {  	s7 =	sld [smem:$0x3F92]  }
0x1a: {  	s8 =	sadd.s32 $0xFFFFE003, lr  }
0x1b: {  	s9 =	sadd.s32 $0xFFFFFEF7, lr;
	s5 =	simm.s32 $0xFFFFFFFF;
	p2 =	slt.u32 s8, $0xFFFFF086  }
0x1c: {  	p1 =	slt.u32 s9, $0xF7A;
	s5 =	simm.s32 @!p2 $0x0  }
0x1d: {  	s5 =	simm.s32 @p1 $0x1;
	p0 =	seq.s32 s7, s2  }
0x1e: {  	s7 =	smul.u32 @!p0 $0xF7A, s2;
	p2 =	seq.s32 @!p0 s5, $0x0  }
0x1f: {  	s9 =	smul.u32 $0xF7A, s1;
	s8 =	simm.s32 @!p0 $0x1BF5;
	p2 =	por !p2, p0  }
0x20: {  	[sflag:s8] =	ssyncset.s32 @!p0 $0xFFFFF086;
	s6 =	sadd.s32 @!p0 s3, s7;
	s7 =	simm.s32 @!p0 $0x108  }
0x21: {  	s3 =	sadd.s32 s3, s9;
	s6 =	sadd.s32 @!p0 $0x88, s6;
	s7 =	simm.s32 @p2 $0x1082  }
0x22: {  	[simem:s7], [sflag:s8] =	dma.local @!p0 [hbm:s6], $0xF7A  }
0x23: {  	s9 =	sor.u32 $0xD0000000, s2;
	s6 =	simm.s32 $0x108;
	_ =	swait.ge @!p0 [sflag:s8], $0x0  }
0x24: {  	s3 =	sadd.s32 $0x88, s3;
	s6 =	simm.s32 @!p1 $0x1082;
	[sflag:s4] =	ssyncset.s32 $0xFFFFF086  }
0x25: {  	[simem:s6], [sflag:s4] =	dma.local [hbm:s3], $0xF7A  }
0x26: {  	[smem:$0x3F92] =	sst s1;
	(tag) =	ssettag s2;
	_ =	strace s9  }
0x27: {  	s1 =	sld [smem:$0x3FA2]  }
0x28: {  	s2 =	sld [smem:$0x3FA3]  }
0x29: {  	s4 =	sld [smem:$0x3FA5]  }
0x2a: {  	p0 =	seq.s32 s5, $0x0;
	s5 =	sld [smem:$0x3FA6]  }
0x2b: {  	s6 =	sld [smem:$0x3FA7]  }
0x2c: {  	s7 =	sld [smem:$0x3FA8]  }
0x2d: {  	s3 =	simm.s32 $0x108;
	s8 =	sld [smem:$0x3FA9]  }
0x2e: {  	s3 =	simm.s32 @!p0 $0x1082;
	s9 =	sld [smem:$0x3FAA]  }
0x2f: {  	lr =	sadd.s32 s0, s3;
	s0 =	sld [smem:$0x3FA1]  }
0x30: {  	s3 =	sld [smem:$0x3FA4]  }
0x31: {  	[smem:$0x3FAD] =	sst s10  }
0x32: {  	s10 =	sld [smem:$0x3FAB];
	_ =	sdelay $0x3  }
0x33: {  	p0 =	seq.s32 s10, $0x1;
	s10 =	sld [smem:$0x3FAD];
	_ =	sdelay $0x3  }
0x34: {  	[smem:$0x3FAD] =	sst s10  }
0x35: {  	s10 =	sld [smem:$0x3FAC];
	_ =	sdelay $0x3  }
0x36: {  	p1 =	seq.s32 s10, $0x1;
	s10 =	sld [smem:$0x3FAD];
	_ =	sdelay $0x3  }
0x37: {  	[smem:$0x3FAD] =	sst s10  }
0x38: {  	s10 =	sld [smem:$0x3FAE]  }
0x39: {  	_ = 	snop;
	(pc) =	sbr.ind lr, $3  }
0x3a: {  	_ = 	snop  }
0x3b: {  	_ = 	snop  }
0x3c: {  	p2 =	seq.s32 s10, $0x1;
	s10 =	sld [smem:$0x3FAD]  }
0x3d: {  	_ =	shalt  }
0x3e: {  	_ =	shalt  }
0x3f: {  	_ =	shalt  }
0x40: {  	_ =	shalt  }
0x41: {  	_ =	shalt  }
0x42: {  	_ =	shalt  }
0x43: {  	_ =	shalt  }
0x44: {  	_ =	shalt  }
0x45: {  	_ =	shalt  }
0x46: {  	_ =	shalt  }
0x47: {  	_ =	shalt  }
0x48: {  	_ =	shalt  }
0x49: {  	_ =	shalt  }
0x4a: {  	_ =	shalt  }
0x4b: {  	_ =	shalt  }
0x4c: {  	_ =	shalt  }
0x4d: {  	_ =	shalt  }
0x4e: {  	_ =	shalt  }
0x4f: {  	_ =	shalt  }
0x50: {  	_ =	shalt  }
0x51: {  	_ =	shalt  }
0x52: {  	_ =	shalt  }
0x53: {  	_ =	shalt  }
0x54: {  	_ =	shalt  }
0x55: {  	_ =	shalt  }
0x56: {  	_ =	shalt  }
0x57: {  	_ =	shalt  }
0x58: {  	_ =	shalt  }
0x59: {  	_ =	shalt  }
0x5a: {  	_ =	shalt  }
0x5b: {  	_ =	shalt  }
0x5c: {  	_ =	shalt  }
0x5d: {  	_ =	shalt  }
0x5e: {  	_ =	shalt  }
0x5f: {  	_ =	shalt  }
0x60: {  	_ =	shalt  }
0x61: {  	_ =	shalt  }
0x62: {  	_ =	shalt  }
0x63: {  	_ =	shalt  }
0x64: {  	_ =	shalt  }
0x65: {  	_ =	shalt  }
0x66: {  	_ =	shalt  }
0x67: {  	_ =	shalt  }
0x68: {  	_ =	shalt  }
0x69: {  	_ =	shalt  }
0x6a: {  	_ =	shalt  }
0x6b: {  	_ =	shalt  }
0x6c: {  	_ =	shalt  }
0x6d: {  	_ =	shalt  }
0x6e: {  	_ =	shalt  }
0x6f: {  	_ =	shalt  }
0x70: {  	_ =	shalt  }
0x71: {  	_ =	shalt  }
0x72: {  	_ =	shalt  }
0x73: {  	_ =	shalt  }
0x74: {  	_ =	shalt  }
0x75: {  	_ =	shalt  }
0x76: {  	_ =	shalt  }
0x77: {  	_ =	shalt  }
0x78: {  	_ =	shalt  }
0x79: {  	_ =	shalt  }
0x7a: {  	_ =	shalt  }
0x7b: {  	_ =	shalt  }
0x7c: {  	_ =	shalt  }
0x7d: {  	_ =	shalt  }
0x7e: {  	_ =	shalt  }
0x7f: {  	_ =	shalt  }
0x80: {  	_ =	shalt  }
0x81: {  	_ =	shalt  }
0x82: {  	_ =	shalt  }
0x83: {  	_ =	shalt  }
0x84: {  	_ =	shalt  }
0x85: {  	_ =	shalt  }
0x86: {  	_ =	shalt  }
0x87: {  	_ =	shalt  }
.Lfunc_end0:
.L_simem_size_0:
called_computation.1_lowered:
.L_overlay_start_0:
0x88: {  	s2 =	sld [smem:$0x3FD9]  }
0x89: {  	s3 =	sld [smem:$0x3FFE];
	_ =	sdelay $0x1  }
0x8a: {  	s1 =	srdreg.scid  }
0x8b: {  	s0 =	sand.u32 $0x1, s1  }
0x8c: {  	s17 =	sshll.u32 s0, $0xA;
	s2 =	sadd.s32 s3, s2  }
0x8d: {  	s2 =	sadd.s32 s2, s17  }
0x8e: {  	[smem:$0x3FB9] =	sst s2  }
0x8f: {  	_ = 	snop  }
0x90: {  	(tm) =	ssettm $0x1  }
0x91: {  	s18 =	sld [smem:$0x3FFB];
	_ =	sdelay $0x3  }
0x92: {  	_ =	strace s18  }
0x93: {  	s2 =	sld [smem:$0x3FFC];
	_ =	sdelay $0x3  }
0x94: {  	_ =	strace s2  }
0x95: {  	s2 =	sld [smem:$0x3FFD];
	_ =	sdelay $0x3  }
0x96: {  	_ =	strace s2  }
0x97: {  	_ =	strace $0x8FFFFFFF  }
0x98: {  	s19 =	sld [smem:$0x3FDB];
	_ =	sdelay $0x1  }
0x99: {  	s20 =	simm.s32 $_scs_section_size  }
0x9a: {  	s4 =	simm.s32 $_size__tile_overlayer_lowered;
	s5 =	simm.s32 $_tile_overlayer_lowered  }
0x9b: {  	s6 =	simm.s32 $0x1BFF;
	s21 =	sshll.u32 s5, $0x1;
	s3 =	sadd.s32 s20, s19  }
0x9c: {  	s22 =	simm.s32 $0x0;
	s4 =	sshll.u32 s4, $0x1;
	s5 =	sadd.s32 s21, s3  }
0x9d: {  	[timem:s22], [sflag:s6] =	dma.local [hbm:s5], s4  }
0x9e: {  	_ =	swait.ge [sflag:s6], s4  }
0x9f: {  	s4 =	ssub.s32 $0x0, s4;
	[sflag:s6] =	ssyncset.done $0x0  }
0xa0: {  	[sflag:s6] =	ssyncadd.s32 s4;
	_ =	sdelay $0x1  }
0xa1: {  	s23 =	simm.s32 $0x1B8B  }
0xa2: {  	_ =	swait.ge [sflag:s23], $0x1  }
0xa3: {  	[sflag:s23] =	ssyncset.done $0x0  }
0xa4: {  	[sflag:s23] =	ssyncadd.s32 $0xFFFFFFFF  }
0xa5: {  	s4 =	sld [smem:$0x0]  }
0xa6: {  	s5 =	sand.u32 $0xFFFFFFFE, s1  }
0xa7: {  	p0 =	sne.s32 s1, s5  }
0xa8: {  	s5 =	sshll.u32 @p0 s5, $0xE  }
0xa9: {  	s5 =	sadd.s32 @p0 $0x11B8D, s5;
	s6 =	sshll.u32 @p0 s4, $0x11  }
0xaa: {  	s5 =	sor.u32 @p0 s6, s5  }
0xab: {  	[sflag:s5] =	ssyncadd.remote.s32 @p0 $0x1;
	_ =	sdelay $0x1  }
0xac: {  	s5 =	simm.s32 @p0 $0x1B8D  }
0xad: {  	_ =	swait.eq @p0 [sflag:s5], $0x1  }
0xae: {  	[sflag:s5] =	ssyncadd.s32 @p0 $0xFFFFFFFF  }
0xaf: {  	s6 =	sshll.u32 @!p0 s1, $0xE  }
0xb0: {  	s6 =	sor.u32 @!p0 $0x4000, s6;
	s5 =	simm.s32 @!p0 $0x1B8D  }
0xb1: {  	s4 =	sshll.u32 @!p0 s4, $0x11;
	s6 =	sadd.s32 @!p0 $0x11B8D, s6;
	_ =	swait.eq @!p0 [sflag:s5], $0x1  }
0xb2: {  	s4 =	sor.u32 @!p0 s4, s6;
	[sflag:s5] =	ssyncadd.s32 @!p0 $0xFFFFFFFF  }
0xb3: {  	s25 =	simm.s32 $0x1B8E;
	s24 =	sld [smem:$0x3FFE];
	[sflag:s4] =	ssyncadd.remote.s32 @!p0 $0x1  }
0xb4: {  	s26 =	simm.s32 $execute0_lowered;
	[smem:$0x3FD2] =	sst s25  }
0xb5: {  	s5 =	sshll.u32 s26, $0x1;
	_ =	strace $0x80000052;
	[dreg:$0x1] =	wrdreg $0xFFFFFFFF  }
0xb6: {  	s28 =	simm.s32 $_size_execute0_lowered;
	s3 =	sadd.s32 s3, s5;
	[dreg:$0x0] =	wrdreg $0x0  }
0xb7: {  	s5 =	sshll.u32 s28, $0x1;
	[dreg:$0x2] =	wrdreg s3  }
0xb8: {  	[dreg:$0x3] =	wrdreg s5  }
0xb9: {  	[dreg:$0x4] =	wrdreg $0xC0  }
0xba: {  	_ =	task [dreg:s22], $0x5FFFF  }
0xbb: {  	[dreg:$0x1] =	wrdreg $0xFFFFFFFF  }
0xbc: {  	[dreg:$0x0] =	wrdreg $0x60  }
0xbd: {  	[dreg:$0x2] =	wrdreg s24  }
0xbe: {  	[dreg:$0x3] =	wrdreg $0x9  }
0xbf: {  	_ =	task.clear_ibuf [dreg:s22], $0x4FFFF;
	_ =	strace $0x90000052  }
0xc0: {  	s29 =	simm.s32 $0x9;
	_ =	strace $0x80000054  }
0xc1: {  	_ =	swait.ge [sflag:s29], $0x1  }
0xc2: {  	[sflag:s29] =	ssyncadd.s32 $0xFFFFFFFF  }
0xc3: {  	_ =	strace $0x90000054  }
0xc4: {  	_ =	sfence  }
0xc5: {  	s30 =	sld [smem:$0x0];
	_ =	sdelay $0x2  }
0xc6: {  	s31 =	sshll.u32 s1, $0xD;
	s1 =	sshrl.u32 s1, $0x2  }
0xc7: {  	s4 =	sand.u32 $0x4000, s31;
	s1 =	sadd.s32 s1, s30  }
0xc8: {  	s0 =	sor.u32 s4, s0;
	s1 =	sshll.u32 s1, $0x11  }
0xc9: {  	s0 =	sor.u32 s1, s0  }
0xca: {  	s0 =	sadd.s32 $0x8F2B, s0  }
0xcb: {  	[sflag:s0] =	ssyncadd.remote.s32 $0x1  }
0xcc: {  	_ =	sfence.sel $0xFFFF  }
0xcd: {  	[dreg:$0x0] =	wrdreg $0xFFFFFFFF;
	(pc) =	sbr.abs _section_cstart, $3  }
0xce: {  	[dreg:$0x1] =	wrdreg $0xFFFFFFFF  }
0xcf: {  	_ =	task.clear_ibuf [dreg:s22], $0x2FFFF;
	_ =	strace $0x9FFFFFFF  }
0xd0: {  	(tm) =	ssettm $0x7FFFFFFF  }
0xd1: {  	_ =	shalt  }
tec
execute0_lowered:
.L_overlay_start_1:
0x0: {  	(tag) =	ssettag $0x1  }
0x1: {  	s1 =	srdreg.scid  }
0x2: {  	s0 =	stileid.u32;
	s4 =	rddreg [dreg:$0x0];
	s2 =	simm.s32 $0x0  }
0x3: {  	s12 =	simm.s32 $0x5400;
	s13 =	simm.s32 $0x1;
	s14 =	simm.s32 $0x2  }
0x4: {  	s15 =	simm.s32 $0x3;
	s16 =	simm.s32 $0x4;
	s17 =	simm.s32 $0x0  }
0x5: {  	s3 =	sand.u32 $0x1, s1;
	s31 =	sshll.u32 s0, $0x1;
	s1 =	rddreg [dreg:$0x1]  }
0x6: {  	[smem:$0x7FF] =	sst s2;
	s8 =	smul.u32 $0x28000, s0;
	s9 =	sadd.s32 $0x2BE00, s4  }
0x7: {  	s5 =	sor.u32 s3, s31;
	_ =	strace $0x80000053;
	s11 =	smul.u32 $0x14000, s3  }
0x8: {  	s7 =	ssub.s32 $0x2, s3;
	s3 =	sadd.s32 $0x6E00, s4;
	s6 =	smul.u32 $0x1400, s5  }
0x9: {  	s5 =	smul.u32 $0x14000, s5;
	s10 =	sshrl.u32 s7, $0x1;
	s8 =	sadd.s32 s8, s9  }
0xa: {  	s7 =	ssub.s32 s7, s10;
	s8 =	sadd.s32 s11, s8;
	s10 =	simm.s32 $0x80  }
0xb: {  	s11 =	simm.s32 $0x1400;
	s6 =	sshrl.u32 s6, $0x3;
	s5 =	sadd.s32 s9, s5  }
0xc: {  	s8 =	sadd.s32 $0x1800, s8;
	s9 =	simm.s32 $0x5;
	s6 =	sadd.s32 s6, s4  }
0xd: {  	s4 =	sadd.s32 $0x26E00, s6;
	s6 =	smax.u32 s7, $0x1;
	s7 =	sadd.s32 $0x800, s5  }
.LBB2_1:
0xe: {  	[tilespmem:s2], [sflag:$0x5] =	stream.linear.gather [hbm4b:s4+s2], $0x1400, $0x38;
	[tilespmem:$0x9400] =	vst v63  }
0xf: {  	_ =	swait.ge [sflag:s9], $0x1400  }
0x10: {  	[sflag:s9] =	ssyncset.done $0x0  }
0x11: {  	[sflag:s9] =	ssyncadd.s32 $0xFFFFEC00  }
0x12: {  	[tilespmem:s11], [sflag:$0x1] =	stream.indirect.gather [hbm4b:s3+s10], $0x80, s2, s10, $0xb8;
	[tilespmem:$0x9400] =	vst v63  }
0x13: {  	_ = 	snop  }
0x14: {  	[tilespmem:s12], [sflag:$0x2] =	stream.indirect.gather [hbm4b:s3+s10], $0x80, s10, s10, $0xb8;
	[tilespmem:$0x9400] =	vst v63  }
0x15: {  	_ =	swait.ge [sflag:s13], $0x4000  }
0x16: {  	[sflag:s13] =	ssyncset.done $0x0  }
0x17: {  	[sflag:s13] =	ssyncadd.s32 $0xFFFFC000  }
0x18: {  	[hbm4b:s5+s2] =	stream.linear.scatter [tilespmem:s11], [sflag:$0x3], $0x4000, $0x38;
	[tilespmem:$0x9400] =	vst v63  }
0x19: {  	_ =	swait.ge [sflag:s14], $0x4000  }
0x1a: {  	[sflag:s14] =	ssyncset.done $0x0  }
0x1b: {  	[sflag:s14] =	ssyncadd.s32 $0xFFFFC000  }
0x1c: {  	[hbm4b:s7+s2] =	stream.linear.scatter [tilespmem:s12], [sflag:$0x4], $0x4000, $0x38;
	[tilespmem:$0x9400] =	vst v63  }
0x1d: {  	_ =	swait.ge [sflag:s15], $0x4000  }
0x1e: {  	[sflag:s15] =	ssyncset.done $0x0  }
0x1f: {  	[sflag:s15] =	ssyncadd.s32 $0xFFFFC000  }
0x20: {  	_ =	swait.ge [sflag:s16], $0x4000  }
0x21: {  	[sflag:s16] =	ssyncset.done $0x0  }
0x22: {  	s18 =	simm.s32 $0x100;
	[sflag:s16] =	ssyncadd.s32 $0xFFFFC000  }
0x23: {  	[tilespmem:s11], [sflag:$0x1] =	stream.indirect.gather [hbm4b:s3+s10], $0x80, s18, s10, $0xb8;
	[tilespmem:$0x9400] =	vst v63  }
0x24: {  	s30 =	simm.s32 $0x180  }
0x25: {  	[tilespmem:s12], [sflag:$0x2] =	stream.indirect.gather [hbm4b:s3+s10], $0x80, s30, s10, $0xb8;
	[tilespmem:$0x9400] =	vst v63  }
0x26: {  	_ =	swait.ge [sflag:s13], $0x4000  }
0x27: {  	[sflag:s13] =	ssyncset.done $0x0  }
0x28: {  	s31 =	sadd.s32 $0xFFFFF800, s8;
	[sflag:s13] =	ssyncadd.s32 $0xFFFFC000  }
0x29: {  	[hbm4b:s31+s2] =	stream.linear.scatter [tilespmem:s11], [sflag:$0x3], $0x4000, $0x38;
	[tilespmem:$0x9400] =	vst v63  }
0x2a: {  	_ =	swait.ge [sflag:s14], $0x4000  }
0x2b: {  	s19 =	sadd.s32 $0x1000, s8;
	[sflag:s14] =	ssyncset.done $0x0  }
0x2c: {  	s20 =	smov.u32 s8;
	s18 =	simm.s32 $0x400;
	[sflag:s14] =	ssyncadd.s32 $0xFFFFC000  }
.LBB2_2:
0x2d: {  	[hbm4b:s20+s2] =	stream.linear.scatter [tilespmem:s12], [sflag:$0x4], $0x4000, $0x38;
	[tilespmem:$0x9400] =	vst v63  }
0x2e: {  	s21 =	smov.u32 s18;
	s20 =	smov.u32 s19  }
0x2f: {  	p0 =	sne.s32 s18, $0x4800;
	s18 =	sadd.s32 $0x400, s18;
	_ =	swait.ge [sflag:s15], $0x4000  }
0x30: {  	[sflag:s15] =	ssyncset.done $0x0  }
0x31: {  	[sflag:s15] =	ssyncadd.s32 $0xFFFFC000  }
0x32: {  	_ =	swait.ge [sflag:s16], $0x4000  }
0x33: {  	s21 =	sshra.s32 s21, $0x2;
	[sflag:s16] =	ssyncset.done $0x0  }
0x34: {  	s22 =	sadd.s32 $0x100, s21;
	[sflag:s16] =	ssyncadd.s32 $0xFFFFC000  }
0x35: {  	[tilespmem:s11], [sflag:$0x1] =	stream.indirect.gather [hbm4b:s3+s10], $0x80, s22, s10, $0xb8;
	[tilespmem:$0x9400] =	vst v63  }
0x36: {  	s21 =	sadd.s32 $0x180, s21  }
0x37: {  	[tilespmem:s12], [sflag:$0x2] =	stream.indirect.gather [hbm4b:s3+s10], $0x80, s21, s10, $0xb8;
	[tilespmem:$0x9400] =	vst v63  }
0x38: {  	_ =	swait.ge [sflag:s13], $0x4000  }
0x39: {  	[sflag:s13] =	ssyncset.done $0x0  }
.Ltmp0:
0x3a: {  	s21 =	sadd.s32 $0xFFFFF800, s19;
	[sflag:s13] =	ssyncadd.s32 $0xFFFFC000;
	(pc) =	sbr.rel @p0 .LBB2_2-.Ltmp0, $4  }
0x3b: {  	[hbm4b:s21+s2] =	stream.linear.scatter [tilespmem:s11], [sflag:$0x3], $0x4000, $0x38;
	[tilespmem:$0x9400] =	vst v63  }
0x3c: {  	_ =	swait.ge [sflag:s14], $0x4000  }
0x3d: {  	[sflag:s14] =	ssyncset.done $0x0  }
0x3e: {  	s19 =	sadd.s32 $0x1000, s19;
	[sflag:s14] =	ssyncadd.s32 $0xFFFFC000  }
0x3f: {  	[hbm4b:s20+s2] =	stream.linear.scatter [tilespmem:s12], [sflag:$0x4], $0x4000, $0x38;
	[tilespmem:$0x9400] =	vst v63  }
0x40: {  	s17 =	sadd.s32 $0x1, s17  }
0x41: {  	_ =	swait.ge [sflag:s15], $0x4000;
	p0 =	sne.s32 s17, s6  }
.Ltmp1:
0x42: {  	[sflag:s15] =	ssyncset.done $0x0;
	(pc) =	sbr.rel @p0 .LBB2_1-.Ltmp1, $4  }
0x43: {  	[sflag:s15] =	ssyncadd.s32 $0xFFFFC000  }
0x44: {  	_ =	swait.ge [sflag:s16], $0x4000  }
0x45: {  	[sflag:s16] =	ssyncset.done $0x0  }
0x46: {  	[sflag:s16] =	ssyncadd.s32 $0xFFFFC000  }
0x47: {  	_ =	sfence.sel $0x180000  }
0x48: {  	[bflag:$0x0] =	sbarrier.arrive $0xFFFF  }
0x49: {  	p0 =	sne.s32 s0, $0x0;
	_ =	strace $0x90000053  }
0x4a: {  	s0 =	sadd.s32 @!p0 $0x100000, s1;
	[bflag:$0x2] =	sbarrier.arrive $0xFFFF  }
0x4b: {  	[sflag:s0] =	ssyncadd.tile.s32 @!p0 $0x1;
	_ =	shalt  }
.Lfunc_end2:
_tile_overlayer_lowered:
.L_overlay_start_2:
0x4c: {  	(tag) =	ssettag $0x2  }
0x4d: {  	s0 =	rddreg [dreg:$0x0];
	s2 =	stileid.u32  }
0x4e: {  	s1 =	rddreg [dreg:$0x1];
	p0 =	sne.s32 s2, $0x0  }
0x4f: {  	s3 =	rddreg [dreg:$0x2];
	[bflag:$0x3] =	sbarrier.arrive $0xFFFF;
	s2 =	simm.s32 @!p0 $0x1C05  }
0x50: {  	[timem:s3], [sflag:s2] =	dma.local @!p0 [hbm:s0], s1  }
0x51: {  	s0 =	simm.s32 @!p0 $0x5  }
0x52: {  	_ =	swait.ge @!p0 [sflag:s0], s1  }
0x53: {  	s1 =	ssub.s32 @!p0 $0x0, s1;
	[sflag:s0] =	ssyncset.done @!p0 $0x0  }
0x54: {  	[sflag:s0] =	ssyncadd.s32 @!p0 s1  }
0x55: {  	[bflag:$0x3] =	sbarrier.arrive $0xFFFF  }
0x56: {  	_ =	shalt  }

// kernel: kernel.33.cloned.1.call-start
scs
__scs_entry_jumppad:
0x0: {  	(pc) =	sbr.rel $0x88, $3  }
0x1: {  	(tag) =	ssettag $0x0;
	lr =	simm.s32 $0x1  }
0x2: {  	[smem:$0x3F92] =	sst lr;
	_ =	strace $0xD0000000  }
0x3: {  	_ = 	snop  }
0x4: {  	_ = 	snop  }
0x5: {  	_ = 	snop  }
0x6: {  	_ = 	snop  }
0x7: {  	_ = 	snop  }
__scs_overlays_trampoline_lowered:
0x8: {  	[smem:$0x3FA1] =	sst s0  }
0x9: {  	[smem:$0x3FA2] =	sst s1  }
0xa: {  	[smem:$0x3FA3] =	sst s2  }
0xb: {  	[smem:$0x3FA4] =	sst s3  }
0xc: {  	[smem:$0x3FA5] =	sst s4  }
0xd: {  	[smem:$0x3FA6] =	sst s5  }
0xe: {  	[smem:$0x3FA7] =	sst s6  }
0xf: {  	[smem:$0x3FA8] =	sst s7  }
0x10: {  	[smem:$0x3FA9] =	sst s8  }
0x11: {  	[smem:$0x3FAA] =	sst s9;
	s0 =	simm.s32 @!p0 $0x0  }
0x12: {  	s1 =	sld [smem:$0x3F90];
	s0 =	simm.s32 @p0 $0x1  }
0x13: {  	[smem:$0x3FAB] =	sst s0;
	s0 =	simm.s32 @!p1 $0x0  }
0x14: {  	s2 =	sld [smem:$0x3F8F];
	s0 =	simm.s32 @p1 $0x1  }
0x15: {  	[smem:$0x3FAC] =	sst s0;
	s0 =	simm.s32 @!p2 $0x0  }
0x16: {  	s3 =	sld [smem:$0x3FDB];
	s0 =	simm.s32 @p2 $0x1  }
0x17: {  	s4 =	simm.s32 $0x1BF5;
	[smem:$0x3FAE] =	sst s0  }
0x18: {  	s0 =	sld [smem:$0x3F91];
	_ =	swait.ge [sflag:s4], $0x0  }
0x19: {  	s7 =	sld [smem:$0x3F92]  }
0x1a: {  	s8 =	sadd.s32 $0xFFFFE003, lr  }
0x1b: {  	s9 =	sadd.s32 $0xFFFFFEF7, lr;
	s5 =	simm.s32 $0xFFFFFFFF;
	p2 =	slt.u32 s8, $0xFFFFF086  }
0x1c: {  	p1 =	slt.u32 s9, $0xF7A;
	s5 =	simm.s32 @!p2 $0x0  }
0x1d: {  	s5 =	simm.s32 @p1 $0x1;
	p0 =	seq.s32 s7, s2  }
0x1e: {  	s7 =	smul.u32 @!p0 $0xF7A, s2;
	p2 =	seq.s32 @!p0 s5, $0x0  }
0x1f: {  	s9 =	smul.u32 $0xF7A, s1;
	s8 =	simm.s32 @!p0 $0x1BF5;
	p2 =	por !p2, p0  }
0x20: {  	[sflag:s8] =	ssyncset.s32 @!p0 $0xFFFFF086;
	s6 =	sadd.s32 @!p0 s3, s7;
	s7 =	simm.s32 @!p0 $0x108  }
0x21: {  	s3 =	sadd.s32 s3, s9;
	s6 =	sadd.s32 @!p0 $0x88, s6;
	s7 =	simm.s32 @p2 $0x1082  }
0x22: {  	[simem:s7], [sflag:s8] =	dma.local @!p0 [hbm:s6], $0xF7A  }
0x23: {  	s9 =	sor.u32 $0xD0000000, s2;
	s6 =	simm.s32 $0x108;
	_ =	swait.ge @!p0 [sflag:s8], $0x0  }
0x24: {  	s3 =	sadd.s32 $0x88, s3;
	s6 =	simm.s32 @!p1 $0x1082;
	[sflag:s4] =	ssyncset.s32 $0xFFFFF086  }
0x25: {  	[simem:s6], [sflag:s4] =	dma.local [hbm:s3], $0xF7A  }
0x26: {  	[smem:$0x3F92] =	sst s1;
	(tag) =	ssettag s2;
	_ =	strace s9  }
0x27: {  	s1 =	sld [smem:$0x3FA2]  }
0x28: {  	s2 =	sld [smem:$0x3FA3]  }
0x29: {  	s4 =	sld [smem:$0x3FA5]  }
0x2a: {  	p0 =	seq.s32 s5, $0x0;
	s5 =	sld [smem:$0x3FA6]  }
0x2b: {  	s6 =	sld [smem:$0x3FA7]  }
0x2c: {  	s7 =	sld [smem:$0x3FA8]  }
0x2d: {  	s3 =	simm.s32 $0x108;
	s8 =	sld [smem:$0x3FA9]  }
0x2e: {  	s3 =	simm.s32 @!p0 $0x1082;
	s9 =	sld [smem:$0x3FAA]  }
0x2f: {  	lr =	sadd.s32 s0, s3;
	s0 =	sld [smem:$0x3FA1]  }
0x30: {  	s3 =	sld [smem:$0x3FA4]  }
0x31: {  	[smem:$0x3FAD] =	sst s10  }
0x32: {  	s10 =	sld [smem:$0x3FAB];
	_ =	sdelay $0x3  }
0x33: {  	p0 =	seq.s32 s10, $0x1;
	s10 =	sld [smem:$0x3FAD];
	_ =	sdelay $0x3  }
0x34: {  	[smem:$0x3FAD] =	sst s10  }
0x35: {  	s10 =	sld [smem:$0x3FAC];
	_ =	sdelay $0x3  }
0x36: {  	p1 =	seq.s32 s10, $0x1;
	s10 =	sld [smem:$0x3FAD];
	_ =	sdelay $0x3  }
0x37: {  	[smem:$0x3FAD] =	sst s10  }
0x38: {  	s10 =	sld [smem:$0x3FAE]  }
0x39: {  	_ = 	snop;
	(pc) =	sbr.ind lr, $3  }
0x3a: {  	_ = 	snop  }
0x3b: {  	_ = 	snop  }
0x3c: {  	p2 =	seq.s32 s10, $0x1;
	s10 =	sld [smem:$0x3FAD]  }
0x3d: {  	_ =	shalt  }
0x3e: {  	_ =	shalt  }
0x3f: {  	_ =	shalt  }
0x40: {  	_ =	shalt  }
0x41: {  	_ =	shalt  }
0x42: {  	_ =	shalt  }
0x43: {  	_ =	shalt  }
0x44: {  	_ =	shalt  }
0x45: {  	_ =	shalt  }
0x46: {  	_ =	shalt  }
0x47: {  	_ =	shalt  }
0x48: {  	_ =	shalt  }
0x49: {  	_ =	shalt  }
0x4a: {  	_ =	shalt  }
0x4b: {  	_ =	shalt  }
0x4c: {  	_ =	shalt  }
0x4d: {  	_ =	shalt  }
0x4e: {  	_ =	shalt  }
0x4f: {  	_ =	shalt  }
0x50: {  	_ =	shalt  }
0x51: {  	_ =	shalt  }
0x52: {  	_ =	shalt  }
0x53: {  	_ =	shalt  }
0x54: {  	_ =	shalt  }
0x55: {  	_ =	shalt  }
0x56: {  	_ =	shalt  }
0x57: {  	_ =	shalt  }
0x58: {  	_ =	shalt  }
0x59: {  	_ =	shalt  }
0x5a: {  	_ =	shalt  }
0x5b: {  	_ =	shalt  }
0x5c: {  	_ =	shalt  }
0x5d: {  	_ =	shalt  }
0x5e: {  	_ =	shalt  }
0x5f: {  	_ =	shalt  }
0x60: {  	_ =	shalt  }
0x61: {  	_ =	shalt  }
0x62: {  	_ =	shalt  }
0x63: {  	_ =	shalt  }
0x64: {  	_ =	shalt  }
0x65: {  	_ =	shalt  }
0x66: {  	_ =	shalt  }
0x67: {  	_ =	shalt  }
0x68: {  	_ =	shalt  }
0x69: {  	_ =	shalt  }
0x6a: {  	_ =	shalt  }
0x6b: {  	_ =	shalt  }
0x6c: {  	_ =	shalt  }
0x6d: {  	_ =	shalt  }
0x6e: {  	_ =	shalt  }
0x6f: {  	_ =	shalt  }
0x70: {  	_ =	shalt  }
0x71: {  	_ =	shalt  }
0x72: {  	_ =	shalt  }
0x73: {  	_ =	shalt  }
0x74: {  	_ =	shalt  }
0x75: {  	_ =	shalt  }
0x76: {  	_ =	shalt  }
0x77: {  	_ =	shalt  }
0x78: {  	_ =	shalt  }
0x79: {  	_ =	shalt  }
0x7a: {  	_ =	shalt  }
0x7b: {  	_ =	shalt  }
0x7c: {  	_ =	shalt  }
0x7d: {  	_ =	shalt  }
0x7e: {  	_ =	shalt  }
0x7f: {  	_ =	shalt  }
0x80: {  	_ =	shalt  }
0x81: {  	_ =	shalt  }
0x82: {  	_ =	shalt  }
0x83: {  	_ =	shalt  }
0x84: {  	_ =	shalt  }
0x85: {  	_ =	shalt  }
0x86: {  	_ =	shalt  }
0x87: {  	_ =	shalt  }
.Lfunc_end0:
.L_simem_size_0:
called_computation.2_lowered:
.L_overlay_start_0:
0x88: {  	s2 =	sld [smem:$0x3FD9]  }
0x89: {  	s3 =	sld [smem:$0x3FFE];
	_ =	sdelay $0x1  }
0x8a: {  	s1 =	srdreg.scid  }
0x8b: {  	s0 =	sand.u32 $0x1, s1  }
0x8c: {  	s17 =	sshll.u32 s0, $0xA;
	s2 =	sadd.s32 s3, s2  }
0x8d: {  	s2 =	sadd.s32 s2, s17  }
0x8e: {  	[smem:$0x3FB9] =	sst s2  }
0x8f: {  	_ = 	snop  }
0x90: {  	(tm) =	ssettm $0x1  }
0x91: {  	s18 =	sld [smem:$0x3FFB];
	_ =	sdelay $0x3  }
0x92: {  	_ =	strace s18  }
0x93: {  	s2 =	sld [smem:$0x3FFC];
	_ =	sdelay $0x3  }
0x94: {  	_ =	strace s2  }
0x95: {  	s2 =	sld [smem:$0x3FFD];
	_ =	sdelay $0x3  }
0x96: {  	_ =	strace s2  }
0x97: {  	_ =	strace $0x8FFFFFFF  }
0x98: {  	s19 =	sld [smem:$0x3FDB];
	_ =	sdelay $0x1  }
0x99: {  	s20 =	simm.s32 $_scs_section_size  }
0x9a: {  	s4 =	simm.s32 $_size__tile_overlayer_lowered;
	s5 =	simm.s32 $_tile_overlayer_lowered  }
0x9b: {  	s6 =	simm.s32 $0x1BFF;
	s21 =	sshll.u32 s5, $0x1;
	s3 =	sadd.s32 s20, s19  }
0x9c: {  	s22 =	simm.s32 $0x0;
	s4 =	sshll.u32 s4, $0x1;
	s5 =	sadd.s32 s21, s3  }
0x9d: {  	[timem:s22], [sflag:s6] =	dma.local [hbm:s5], s4  }
0x9e: {  	_ =	swait.ge [sflag:s6], s4  }
0x9f: {  	s4 =	ssub.s32 $0x0, s4;
	[sflag:s6] =	ssyncset.done $0x0  }
0xa0: {  	[sflag:s6] =	ssyncadd.s32 s4;
	_ =	sdelay $0x1  }
0xa1: {  	s23 =	simm.s32 $0x1B8B  }
0xa2: {  	_ =	swait.ge [sflag:s23], $0x1  }
0xa3: {  	[sflag:s23] =	ssyncset.done $0x0  }
0xa4: {  	[sflag:s23] =	ssyncadd.s32 $0xFFFFFFFF  }
0xa5: {  	s4 =	sld [smem:$0x0]  }
0xa6: {  	s5 =	sand.u32 $0xFFFFFFFE, s1  }
0xa7: {  	p0 =	sne.s32 s1, s5  }
0xa8: {  	s5 =	sshll.u32 @p0 s5, $0xE  }
0xa9: {  	s5 =	sadd.s32 @p0 $0x11B8D, s5;
	s6 =	sshll.u32 @p0 s4, $0x11  }
0xaa: {  	s5 =	sor.u32 @p0 s6, s5  }
0xab: {  	[sflag:s5] =	ssyncadd.remote.s32 @p0 $0x1;
	_ =	sdelay $0x1  }
0xac: {  	s5 =	simm.s32 @p0 $0x1B8D  }
0xad: {  	_ =	swait.eq @p0 [sflag:s5], $0x1  }
0xae: {  	[sflag:s5] =	ssyncadd.s32 @p0 $0xFFFFFFFF  }
0xaf: {  	s6 =	sshll.u32 @!p0 s1, $0xE  }
0xb0: {  	s6 =	sor.u32 @!p0 $0x4000, s6;
	s5 =	simm.s32 @!p0 $0x1B8D  }
0xb1: {  	s4 =	sshll.u32 @!p0 s4, $0x11;
	s6 =	sadd.s32 @!p0 $0x11B8D, s6;
	_ =	swait.eq @!p0 [sflag:s5], $0x1  }
0xb2: {  	s4 =	sor.u32 @!p0 s4, s6;
	[sflag:s5] =	ssyncadd.s32 @!p0 $0xFFFFFFFF  }
0xb3: {  	s25 =	simm.s32 $0x1B8E;
	s24 =	sld [smem:$0x3FFE];
	[sflag:s4] =	ssyncadd.remote.s32 @!p0 $0x1  }
0xb4: {  	s26 =	simm.s32 $execute0_lowered;
	[smem:$0x3FD2] =	sst s25  }
0xb5: {  	s5 =	sshll.u32 s26, $0x1;
	_ =	strace $0x80000049;
	[dreg:$0x1] =	wrdreg $0xFFFFFFFF  }
0xb6: {  	s28 =	simm.s32 $_size_execute0_lowered;
	s3 =	sadd.s32 s3, s5;
	[dreg:$0x0] =	wrdreg $0x0  }
0xb7: {  	s5 =	sshll.u32 s28, $0x1;
	[dreg:$0x2] =	wrdreg s3  }
0xb8: {  	[dreg:$0x3] =	wrdreg s5  }
0xb9: {  	[dreg:$0x4] =	wrdreg $0xC0  }
0xba: {  	_ =	task [dreg:s22], $0x5FFFF  }
0xbb: {  	[dreg:$0x1] =	wrdreg $0xFFFFFFFF  }
0xbc: {  	[dreg:$0x0] =	wrdreg $0x60  }
0xbd: {  	[dreg:$0x2] =	wrdreg s24  }
0xbe: {  	[dreg:$0x3] =	wrdreg $0xB  }
0xbf: {  	_ =	task.clear_ibuf [dreg:s22], $0x4FFFF;
	_ =	strace $0x90000049  }
0xc0: {  	s29 =	simm.s32 $0xB;
	_ =	strace $0x8000004B  }
0xc1: {  	_ =	swait.ge [sflag:s29], $0x1  }
0xc2: {  	[sflag:s29] =	ssyncadd.s32 $0xFFFFFFFF  }
0xc3: {  	_ =	strace $0x9000004B  }
0xc4: {  	_ =	sfence  }
0xc5: {  	s30 =	sld [smem:$0x0];
	_ =	sdelay $0x2  }
0xc6: {  	s31 =	sshll.u32 s1, $0xD;
	s1 =	sshrl.u32 s1, $0x2  }
0xc7: {  	s4 =	sand.u32 $0x4000, s31;
	s1 =	sadd.s32 s1, s30  }
0xc8: {  	s0 =	sor.u32 s4, s0;
	s1 =	sshll.u32 s1, $0x11  }
0xc9: {  	s0 =	sor.u32 s1, s0  }
0xca: {  	s0 =	sadd.s32 $0x8F2B, s0  }
0xcb: {  	[sflag:s0] =	ssyncadd.remote.s32 $0x1  }
0xcc: {  	_ =	sfence.sel $0xFFFF  }
0xcd: {  	[dreg:$0x0] =	wrdreg $0xFFFFFFFF;
	(pc) =	sbr.abs _section_cstart, $3  }
0xce: {  	[dreg:$0x1] =	wrdreg $0xFFFFFFFF  }
0xcf: {  	_ =	task.clear_ibuf [dreg:s22], $0x2FFFF;
	_ =	strace $0x9FFFFFFF  }
0xd0: {  	(tm) =	ssettm $0x7FFFFFFF  }
0xd1: {  	_ =	shalt  }
tec
execute0_lowered:
.L_overlay_start_1:
0x0: {  	(tag) =	ssettag $0x1  }
0x1: {  	s1 =	srdreg.scid  }
0x2: {  	s0 =	stileid.u32;
	s4 =	rddreg [dreg:$0x0];
	s2 =	simm.s32 $0x0  }
0x3: {  	s12 =	simm.s32 $0x5400;
	s13 =	simm.s32 $0x1;
	s14 =	simm.s32 $0x2  }
0x4: {  	s15 =	simm.s32 $0x3;
	s16 =	simm.s32 $0x4;
	s17 =	simm.s32 $0x0  }
0x5: {  	s3 =	sand.u32 $0x1, s1;
	s31 =	sshll.u32 s0, $0x1;
	s1 =	rddreg [dreg:$0x1]  }
0x6: {  	[smem:$0x7FF] =	sst s2;
	s8 =	smul.u32 $0x28000, s0;
	s9 =	sadd.s32 $0x312E00, s4  }
0x7: {  	s5 =	sor.u32 s3, s31;
	_ =	strace $0x8000004A;
	s11 =	smul.u32 $0x14000, s3  }
0x8: {  	s7 =	ssub.s32 $0x2, s3;
	s3 =	sadd.s32 $0x2EDE00, s4;
	s6 =	smul.u32 $0x1400, s5  }
0x9: {  	s5 =	smul.u32 $0x14000, s5;
	s10 =	sshrl.u32 s7, $0x1;
	s8 =	sadd.s32 s8, s9  }
0xa: {  	s7 =	ssub.s32 s7, s10;
	s8 =	sadd.s32 s11, s8;
	s10 =	simm.s32 $0x80  }
0xb: {  	s11 =	simm.s32 $0x1400;
	s6 =	sshrl.u32 s6, $0x3;
	s5 =	sadd.s32 s9, s5  }
0xc: {  	s8 =	sadd.s32 $0x1800, s8;
	s9 =	simm.s32 $0x5;
	s6 =	sadd.s32 s6, s4  }
0xd: {  	s4 =	sadd.s32 $0x30DE00, s6;
	s6 =	smax.u32 s7, $0x1;
	s7 =	sadd.s32 $0x800, s5  }
.LBB2_1:
0xe: {  	[tilespmem:s2], [sflag:$0x5] =	stream.linear.gather [hbm4b:s4+s2], $0x1400, $0x38;
	[tilespmem:$0x9400] =	vst v63  }
0xf: {  	_ =	swait.ge [sflag:s9], $0x1400  }
0x10: {  	[sflag:s9] =	ssyncset.done $0x0  }
0x11: {  	[sflag:s9] =	ssyncadd.s32 $0xFFFFEC00  }
0x12: {  	[tilespmem:s11], [sflag:$0x1] =	stream.indirect.gather [hbm4b:s3+s10], $0x80, s2, s10, $0xb8;
	[tilespmem:$0x9400] =	vst v63  }
0x13: {  	_ = 	snop  }
0x14: {  	[tilespmem:s12], [sflag:$0x2] =	stream.indirect.gather [hbm4b:s3+s10], $0x80, s10, s10, $0xb8;
	[tilespmem:$0x9400] =	vst v63  }
0x15: {  	_ =	swait.ge [sflag:s13], $0x4000  }
0x16: {  	[sflag:s13] =	ssyncset.done $0x0  }
0x17: {  	[sflag:s13] =	ssyncadd.s32 $0xFFFFC000  }
0x18: {  	[hbm4b:s5+s2] =	stream.linear.scatter [tilespmem:s11], [sflag:$0x3], $0x4000, $0x38;
	[tilespmem:$0x9400] =	vst v63  }
0x19: {  	_ =	swait.ge [sflag:s14], $0x4000  }
0x1a: {  	[sflag:s14] =	ssyncset.done $0x0  }
0x1b: {  	[sflag:s14] =	ssyncadd.s32 $0xFFFFC000  }
0x1c: {  	[hbm4b:s7+s2] =	stream.linear.scatter [tilespmem:s12], [sflag:$0x4], $0x4000, $0x38;
	[tilespmem:$0x9400] =	vst v63  }
0x1d: {  	_ =	swait.ge [sflag:s15], $0x4000  }
0x1e: {  	[sflag:s15] =	ssyncset.done $0x0  }
0x1f: {  	[sflag:s15] =	ssyncadd.s32 $0xFFFFC000  }
0x20: {  	_ =	swait.ge [sflag:s16], $0x4000  }
0x21: {  	[sflag:s16] =	ssyncset.done $0x0  }
0x22: {  	s18 =	simm.s32 $0x100;
	[sflag:s16] =	ssyncadd.s32 $0xFFFFC000  }
0x23: {  	[tilespmem:s11], [sflag:$0x1] =	stream.indirect.gather [hbm4b:s3+s10], $0x80, s18, s10, $0xb8;
	[tilespmem:$0x9400] =	vst v63  }
0x24: {  	s30 =	simm.s32 $0x180  }
0x25: {  	[tilespmem:s12], [sflag:$0x2] =	stream.indirect.gather [hbm4b:s3+s10], $0x80, s30, s10, $0xb8;
	[tilespmem:$0x9400] =	vst v63  }
0x26: {  	_ =	swait.ge [sflag:s13], $0x4000  }
0x27: {  	[sflag:s13] =	ssyncset.done $0x0  }
0x28: {  	s31 =	sadd.s32 $0xFFFFF800, s8;
	[sflag:s13] =	ssyncadd.s32 $0xFFFFC000  }
0x29: {  	[hbm4b:s31+s2] =	stream.linear.scatter [tilespmem:s11], [sflag:$0x3], $0x4000, $0x38;
	[tilespmem:$0x9400] =	vst v63  }
0x2a: {  	_ =	swait.ge [sflag:s14], $0x4000  }
0x2b: {  	s19 =	sadd.s32 $0x1000, s8;
	[sflag:s14] =	ssyncset.done $0x0  }
0x2c: {  	s20 =	smov.u32 s8;
	s18 =	simm.s32 $0x400;
	[sflag:s14] =	ssyncadd.s32 $0xFFFFC000  }
.LBB2_2:
0x2d: {  	[hbm4b:s20+s2] =	stream.linear.scatter [tilespmem:s12], [sflag:$0x4], $0x4000, $0x38;
	[tilespmem:$0x9400] =	vst v63  }
0x2e: {  	s21 =	smov.u32 s18;
	s20 =	smov.u32 s19  }
0x2f: {  	p0 =	sne.s32 s18, $0x4800;
	s18 =	sadd.s32 $0x400, s18;
	_ =	swait.ge [sflag:s15], $0x4000  }
0x30: {  	[sflag:s15] =	ssyncset.done $0x0  }
0x31: {  	[sflag:s15] =	ssyncadd.s32 $0xFFFFC000  }
0x32: {  	_ =	swait.ge [sflag:s16], $0x4000  }
0x33: {  	s21 =	sshra.s32 s21, $0x2;
	[sflag:s16] =	ssyncset.done $0x0  }
0x34: {  	s22 =	sadd.s32 $0x100, s21;
	[sflag:s16] =	ssyncadd.s32 $0xFFFFC000  }
0x35: {  	[tilespmem:s11], [sflag:$0x1] =	stream.indirect.gather [hbm4b:s3+s10], $0x80, s22, s10, $0xb8;
	[tilespmem:$0x9400] =	vst v63  }
0x36: {  	s21 =	sadd.s32 $0x180, s21  }
0x37: {  	[tilespmem:s12], [sflag:$0x2] =	stream.indirect.gather [hbm4b:s3+s10], $0x80, s21, s10, $0xb8;
	[tilespmem:$0x9400] =	vst v63  }
0x38: {  	_ =	swait.ge [sflag:s13], $0x4000  }
0x39: {  	[sflag:s13] =	ssyncset.done $0x0  }
.Ltmp0:
0x3a: {  	s21 =	sadd.s32 $0xFFFFF800, s19;
	[sflag:s13] =	ssyncadd.s32 $0xFFFFC000;
	(pc) =	sbr.rel @p0 .LBB2_2-.Ltmp0, $4  }
0x3b: {  	[hbm4b:s21+s2] =	stream.linear.scatter [tilespmem:s11], [sflag:$0x3], $0x4000, $0x38;
	[tilespmem:$0x9400] =	vst v63  }
0x3c: {  	_ =	swait.ge [sflag:s14], $0x4000  }
0x3d: {  	[sflag:s14] =	ssyncset.done $0x0  }
0x3e: {  	s19 =	sadd.s32 $0x1000, s19;
	[sflag:s14] =	ssyncadd.s32 $0xFFFFC000  }
0x3f: {  	[hbm4b:s20+s2] =	stream.linear.scatter [tilespmem:s12], [sflag:$0x4], $0x4000, $0x38;
	[tilespmem:$0x9400] =	vst v63  }
0x40: {  	s17 =	sadd.s32 $0x1, s17  }
0x41: {  	_ =	swait.ge [sflag:s15], $0x4000;
	p0 =	sne.s32 s17, s6  }
.Ltmp1:
0x42: {  	[sflag:s15] =	ssyncset.done $0x0;
	(pc) =	sbr.rel @p0 .LBB2_1-.Ltmp1, $4  }
0x43: {  	[sflag:s15] =	ssyncadd.s32 $0xFFFFC000  }
0x44: {  	_ =	swait.ge [sflag:s16], $0x4000  }
0x45: {  	[sflag:s16] =	ssyncset.done $0x0  }
0x46: {  	[sflag:s16] =	ssyncadd.s32 $0xFFFFC000  }
0x47: {  	_ =	sfence.sel $0x180000  }
0x48: {  	[bflag:$0x0] =	sbarrier.arrive $0xFFFF  }
0x49: {  	p0 =	sne.s32 s0, $0x0;
	_ =	strace $0x9000004A  }
0x4a: {  	s0 =	sadd.s32 @!p0 $0x100000, s1;
	[bflag:$0x2] =	sbarrier.arrive $0xFFFF  }
0x4b: {  	[sflag:s0] =	ssyncadd.tile.s32 @!p0 $0x1;
	_ =	shalt  }
.Lfunc_end2:
_tile_overlayer_lowered:
.L_overlay_start_2:
0x4c: {  	(tag) =	ssettag $0x2  }
0x4d: {  	s0 =	rddreg [dreg:$0x0];
	s2 =	stileid.u32  }
0x4e: {  	s1 =	rddreg [dreg:$0x1];
	p0 =	sne.s32 s2, $0x0  }
0x4f: {  	s3 =	rddreg [dreg:$0x2];
	[bflag:$0x3] =	sbarrier.arrive $0xFFFF;
	s2 =	simm.s32 @!p0 $0x1C05  }
0x50: {  	[timem:s3], [sflag:s2] =	dma.local @!p0 [hbm:s0], s1  }
0x51: {  	s0 =	simm.s32 @!p0 $0x5  }
0x52: {  	_ =	swait.ge @!p0 [sflag:s0], s1  }
0x53: {  	s1 =	ssub.s32 @!p0 $0x0, s1;
	[sflag:s0] =	ssyncset.done @!p0 $0x0  }
0x54: {  	[sflag:s0] =	ssyncadd.s32 @!p0 s1  }
0x55: {  	[bflag:$0x3] =	sbarrier.arrive $0xFFFF  }
0x56: {  	_ =	shalt  }

// kernel: kernel.36.cloned.1.call-start
scs
__scs_entry_jumppad:
0x0: {  	(pc) =	sbr.rel $0x88, $3  }
0x1: {  	(tag) =	ssettag $0x0;
	lr =	simm.s32 $0x1  }
0x2: {  	[smem:$0x3F92] =	sst lr;
	_ =	strace $0xD0000000  }
0x3: {  	_ = 	snop  }
0x4: {  	_ = 	snop  }
0x5: {  	_ = 	snop  }
0x6: {  	_ = 	snop  }
0x7: {  	_ = 	snop  }
__scs_overlays_trampoline_lowered:
0x8: {  	[smem:$0x3FA1] =	sst s0  }
0x9: {  	[smem:$0x3FA2] =	sst s1  }
0xa: {  	[smem:$0x3FA3] =	sst s2  }
0xb: {  	[smem:$0x3FA4] =	sst s3  }
0xc: {  	[smem:$0x3FA5] =	sst s4  }
0xd: {  	[smem:$0x3FA6] =	sst s5  }
0xe: {  	[smem:$0x3FA7] =	sst s6  }
0xf: {  	[smem:$0x3FA8] =	sst s7  }
0x10: {  	[smem:$0x3FA9] =	sst s8  }
0x11: {  	[smem:$0x3FAA] =	sst s9;
	s0 =	simm.s32 @!p0 $0x0  }
0x12: {  	s1 =	sld [smem:$0x3F90];
	s0 =	simm.s32 @p0 $0x1  }
0x13: {  	[smem:$0x3FAB] =	sst s0;
	s0 =	simm.s32 @!p1 $0x0  }
0x14: {  	s2 =	sld [smem:$0x3F8F];
	s0 =	simm.s32 @p1 $0x1  }
0x15: {  	[smem:$0x3FAC] =	sst s0;
	s0 =	simm.s32 @!p2 $0x0  }
0x16: {  	s3 =	sld [smem:$0x3FDB];
	s0 =	simm.s32 @p2 $0x1  }
0x17: {  	s4 =	simm.s32 $0x1BF5;
	[smem:$0x3FAE] =	sst s0  }
0x18: {  	s0 =	sld [smem:$0x3F91];
	_ =	swait.ge [sflag:s4], $0x0  }
0x19: {  	s7 =	sld [smem:$0x3F92]  }
0x1a: {  	s8 =	sadd.s32 $0xFFFFE003, lr  }
0x1b: {  	s9 =	sadd.s32 $0xFFFFFEF7, lr;
	s5 =	simm.s32 $0xFFFFFFFF;
	p2 =	slt.u32 s8, $0xFFFFF086  }
0x1c: {  	p1 =	slt.u32 s9, $0xF7A;
	s5 =	simm.s32 @!p2 $0x0  }
0x1d: {  	s5 =	simm.s32 @p1 $0x1;
	p0 =	seq.s32 s7, s2  }
0x1e: {  	s7 =	smul.u32 @!p0 $0xF7A, s2;
	p2 =	seq.s32 @!p0 s5, $0x0  }
0x1f: {  	s9 =	smul.u32 $0xF7A, s1;
	s8 =	simm.s32 @!p0 $0x1BF5;
	p2 =	por !p2, p0  }
0x20: {  	[sflag:s8] =	ssyncset.s32 @!p0 $0xFFFFF086;
	s6 =	sadd.s32 @!p0 s3, s7;
	s7 =	simm.s32 @!p0 $0x108  }
0x21: {  	s3 =	sadd.s32 s3, s9;
	s6 =	sadd.s32 @!p0 $0x88, s6;
	s7 =	simm.s32 @p2 $0x1082  }
0x22: {  	[simem:s7], [sflag:s8] =	dma.local @!p0 [hbm:s6], $0xF7A  }
0x23: {  	s9 =	sor.u32 $0xD0000000, s2;
	s6 =	simm.s32 $0x108;
	_ =	swait.ge @!p0 [sflag:s8], $0x0  }
0x24: {  	s3 =	sadd.s32 $0x88, s3;
	s6 =	simm.s32 @!p1 $0x1082;
	[sflag:s4] =	ssyncset.s32 $0xFFFFF086  }
0x25: {  	[simem:s6], [sflag:s4] =	dma.local [hbm:s3], $0xF7A  }
0x26: {  	[smem:$0x3F92] =	sst s1;
	(tag) =	ssettag s2;
	_ =	strace s9  }
0x27: {  	s1 =	sld [smem:$0x3FA2]  }
0x28: {  	s2 =	sld [smem:$0x3FA3]  }
0x29: {  	s4 =	sld [smem:$0x3FA5]  }
0x2a: {  	p0 =	seq.s32 s5, $0x0;
	s5 =	sld [smem:$0x3FA6]  }
0x2b: {  	s6 =	sld [smem:$0x3FA7]  }
0x2c: {  	s7 =	sld [smem:$0x3FA8]  }
0x2d: {  	s3 =	simm.s32 $0x108;
	s8 =	sld [smem:$0x3FA9]  }
0x2e: {  	s3 =	simm.s32 @!p0 $0x1082;
	s9 =	sld [smem:$0x3FAA]  }
0x2f: {  	lr =	sadd.s32 s0, s3;
	s0 =	sld [smem:$0x3FA1]  }
0x30: {  	s3 =	sld [smem:$0x3FA4]  }
0x31: {  	[smem:$0x3FAD] =	sst s10  }
0x32: {  	s10 =	sld [smem:$0x3FAB];
	_ =	sdelay $0x3  }
0x33: {  	p0 =	seq.s32 s10, $0x1;
	s10 =	sld [smem:$0x3FAD];
	_ =	sdelay $0x3  }
0x34: {  	[smem:$0x3FAD] =	sst s10  }
0x35: {  	s10 =	sld [smem:$0x3FAC];
	_ =	sdelay $0x3  }
0x36: {  	p1 =	seq.s32 s10, $0x1;
	s10 =	sld [smem:$0x3FAD];
	_ =	sdelay $0x3  }
0x37: {  	[smem:$0x3FAD] =	sst s10  }
0x38: {  	s10 =	sld [smem:$0x3FAE]  }
0x39: {  	_ = 	snop;
	(pc) =	sbr.ind lr, $3  }
0x3a: {  	_ = 	snop  }
0x3b: {  	_ = 	snop  }
0x3c: {  	p2 =	seq.s32 s10, $0x1;
	s10 =	sld [smem:$0x3FAD]  }
0x3d: {  	_ =	shalt  }
0x3e: {  	_ =	shalt  }
0x3f: {  	_ =	shalt  }
0x40: {  	_ =	shalt  }
0x41: {  	_ =	shalt  }
0x42: {  	_ =	shalt  }
0x43: {  	_ =	shalt  }
0x44: {  	_ =	shalt  }
0x45: {  	_ =	shalt  }
0x46: {  	_ =	shalt  }
0x47: {  	_ =	shalt  }
0x48: {  	_ =	shalt  }
0x49: {  	_ =	shalt  }
0x4a: {  	_ =	shalt  }
0x4b: {  	_ =	shalt  }
0x4c: {  	_ =	shalt  }
0x4d: {  	_ =	shalt  }
0x4e: {  	_ =	shalt  }
0x4f: {  	_ =	shalt  }
0x50: {  	_ =	shalt  }
0x51: {  	_ =	shalt  }
0x52: {  	_ =	shalt  }
0x53: {  	_ =	shalt  }
0x54: {  	_ =	shalt  }
0x55: {  	_ =	shalt  }
0x56: {  	_ =	shalt  }
0x57: {  	_ =	shalt  }
0x58: {  	_ =	shalt  }
0x59: {  	_ =	shalt  }
0x5a: {  	_ =	shalt  }
0x5b: {  	_ =	shalt  }
0x5c: {  	_ =	shalt  }
0x5d: {  	_ =	shalt  }
0x5e: {  	_ =	shalt  }
0x5f: {  	_ =	shalt  }
0x60: {  	_ =	shalt  }
0x61: {  	_ =	shalt  }
0x62: {  	_ =	shalt  }
0x63: {  	_ =	shalt  }
0x64: {  	_ =	shalt  }
0x65: {  	_ =	shalt  }
0x66: {  	_ =	shalt  }
0x67: {  	_ =	shalt  }
0x68: {  	_ =	shalt  }
0x69: {  	_ =	shalt  }
0x6a: {  	_ =	shalt  }
0x6b: {  	_ =	shalt  }
0x6c: {  	_ =	shalt  }
0x6d: {  	_ =	shalt  }
0x6e: {  	_ =	shalt  }
0x6f: {  	_ =	shalt  }
0x70: {  	_ =	shalt  }
0x71: {  	_ =	shalt  }
0x72: {  	_ =	shalt  }
0x73: {  	_ =	shalt  }
0x74: {  	_ =	shalt  }
0x75: {  	_ =	shalt  }
0x76: {  	_ =	shalt  }
0x77: {  	_ =	shalt  }
0x78: {  	_ =	shalt  }
0x79: {  	_ =	shalt  }
0x7a: {  	_ =	shalt  }
0x7b: {  	_ =	shalt  }
0x7c: {  	_ =	shalt  }
0x7d: {  	_ =	shalt  }
0x7e: {  	_ =	shalt  }
0x7f: {  	_ =	shalt  }
0x80: {  	_ =	shalt  }
0x81: {  	_ =	shalt  }
0x82: {  	_ =	shalt  }
0x83: {  	_ =	shalt  }
0x84: {  	_ =	shalt  }
0x85: {  	_ =	shalt  }
0x86: {  	_ =	shalt  }
0x87: {  	_ =	shalt  }
.Lfunc_end0:
.L_simem_size_0:
called_computation.3_lowered:
.L_overlay_start_0:
0x88: {  	s2 =	sld [smem:$0x3FD9]  }
0x89: {  	s3 =	sld [smem:$0x3FFE];
	_ =	sdelay $0x1  }
0x8a: {  	s1 =	srdreg.scid  }
0x8b: {  	s0 =	sand.u32 $0x1, s1  }
0x8c: {  	s17 =	sshll.u32 s0, $0xA;
	s2 =	sadd.s32 s3, s2  }
0x8d: {  	s2 =	sadd.s32 s2, s17  }
0x8e: {  	[smem:$0x3FB9] =	sst s2  }
0x8f: {  	_ = 	snop  }
0x90: {  	(tm) =	ssettm $0x1  }
0x91: {  	s18 =	sld [smem:$0x3FFB];
	_ =	sdelay $0x3  }
0x92: {  	_ =	strace s18  }
0x93: {  	s2 =	sld [smem:$0x3FFC];
	_ =	sdelay $0x3  }
0x94: {  	_ =	strace s2  }
0x95: {  	s2 =	sld [smem:$0x3FFD];
	_ =	sdelay $0x3  }
0x96: {  	_ =	strace s2  }
0x97: {  	_ =	strace $0x8FFFFFFF  }
0x98: {  	s19 =	sld [smem:$0x3FDB];
	_ =	sdelay $0x1  }
0x99: {  	s20 =	simm.s32 $_scs_section_size  }
0x9a: {  	s4 =	simm.s32 $_size__tile_overlayer_lowered;
	s5 =	simm.s32 $_tile_overlayer_lowered  }
0x9b: {  	s6 =	simm.s32 $0x1BFF;
	s21 =	sshll.u32 s5, $0x1;
	s3 =	sadd.s32 s20, s19  }
0x9c: {  	s22 =	simm.s32 $0x0;
	s4 =	sshll.u32 s4, $0x1;
	s5 =	sadd.s32 s21, s3  }
0x9d: {  	[timem:s22], [sflag:s6] =	dma.local [hbm:s5], s4  }
0x9e: {  	_ =	swait.ge [sflag:s6], s4  }
0x9f: {  	s4 =	ssub.s32 $0x0, s4;
	[sflag:s6] =	ssyncset.done $0x0  }
0xa0: {  	[sflag:s6] =	ssyncadd.s32 s4;
	_ =	sdelay $0x1  }
0xa1: {  	s23 =	simm.s32 $0x1B8B  }
0xa2: {  	_ =	swait.ge [sflag:s23], $0x1  }
0xa3: {  	[sflag:s23] =	ssyncset.done $0x0  }
0xa4: {  	[sflag:s23] =	ssyncadd.s32 $0xFFFFFFFF  }
0xa5: {  	s4 =	sld [smem:$0x0]  }
0xa6: {  	s5 =	sand.u32 $0xFFFFFFFE, s1  }
0xa7: {  	p0 =	sne.s32 s1, s5  }
0xa8: {  	s5 =	sshll.u32 @p0 s5, $0xE  }
0xa9: {  	s5 =	sadd.s32 @p0 $0x11B8D, s5;
	s6 =	sshll.u32 @p0 s4, $0x11  }
0xaa: {  	s5 =	sor.u32 @p0 s6, s5  }
0xab: {  	[sflag:s5] =	ssyncadd.remote.s32 @p0 $0x1;
	_ =	sdelay $0x1  }
0xac: {  	s5 =	simm.s32 @p0 $0x1B8D  }
0xad: {  	_ =	swait.eq @p0 [sflag:s5], $0x1  }
0xae: {  	[sflag:s5] =	ssyncadd.s32 @p0 $0xFFFFFFFF  }
0xaf: {  	s6 =	sshll.u32 @!p0 s1, $0xE  }
0xb0: {  	s6 =	sor.u32 @!p0 $0x4000, s6;
	s5 =	simm.s32 @!p0 $0x1B8D  }
0xb1: {  	s4 =	sshll.u32 @!p0 s4, $0x11;
	s6 =	sadd.s32 @!p0 $0x11B8D, s6;
	_ =	swait.eq @!p0 [sflag:s5], $0x1  }
0xb2: {  	s4 =	sor.u32 @!p0 s4, s6;
	[sflag:s5] =	ssyncadd.s32 @!p0 $0xFFFFFFFF  }
0xb3: {  	s25 =	simm.s32 $0x1B8E;
	s24 =	sld [smem:$0x3FFE];
	[sflag:s4] =	ssyncadd.remote.s32 @!p0 $0x1  }
0xb4: {  	s26 =	simm.s32 $execute0_lowered;
	[smem:$0x3FD2] =	sst s25  }
0xb5: {  	s5 =	sshll.u32 s26, $0x1;
	_ =	strace $0x80000055;
	[dreg:$0x1] =	wrdreg $0xFFFFFFFF  }
0xb6: {  	s28 =	simm.s32 $_size_execute0_lowered;
	s3 =	sadd.s32 s3, s5;
	[dreg:$0x0] =	wrdreg $0x0  }
0xb7: {  	s5 =	sshll.u32 s28, $0x1;
	[dreg:$0x2] =	wrdreg s3  }
0xb8: {  	[dreg:$0x3] =	wrdreg s5  }
0xb9: {  	[dreg:$0x4] =	wrdreg $0xC0  }
0xba: {  	_ =	task [dreg:s22], $0x5FFFF  }
0xbb: {  	[dreg:$0x1] =	wrdreg $0xFFFFFFFF  }
0xbc: {  	[dreg:$0x0] =	wrdreg $0x60  }
0xbd: {  	[dreg:$0x2] =	wrdreg s24  }
0xbe: {  	[dreg:$0x3] =	wrdreg $0xB  }
0xbf: {  	_ =	task.clear_ibuf [dreg:s22], $0x4FFFF;
	_ =	strace $0x90000055  }
0xc0: {  	s29 =	simm.s32 $0xB;
	_ =	strace $0x80000057  }
0xc1: {  	_ =	swait.ge [sflag:s29], $0x1  }
0xc2: {  	[sflag:s29] =	ssyncadd.s32 $0xFFFFFFFF  }
0xc3: {  	_ =	strace $0x90000057  }
0xc4: {  	_ =	sfence  }
0xc5: {  	s30 =	sld [smem:$0x0];
	_ =	sdelay $0x2  }
0xc6: {  	s31 =	sshll.u32 s1, $0xD;
	s1 =	sshrl.u32 s1, $0x2  }
0xc7: {  	s4 =	sand.u32 $0x4000, s31;
	s1 =	sadd.s32 s1, s30  }
0xc8: {  	s0 =	sor.u32 s4, s0;
	s1 =	sshll.u32 s1, $0x11  }
0xc9: {  	s0 =	sor.u32 s1, s0  }
0xca: {  	s0 =	sadd.s32 $0x8F2B, s0  }
0xcb: {  	[sflag:s0] =	ssyncadd.remote.s32 $0x1  }
0xcc: {  	_ =	sfence.sel $0xFFFF  }
0xcd: {  	[dreg:$0x0] =	wrdreg $0xFFFFFFFF;
	(pc) =	sbr.abs _section_cstart, $3  }
0xce: {  	[dreg:$0x1] =	wrdreg $0xFFFFFFFF  }
0xcf: {  	_ =	task.clear_ibuf [dreg:s22], $0x2FFFF;
	_ =	strace $0x9FFFFFFF  }
0xd0: {  	(tm) =	ssettm $0x7FFFFFFF  }
0xd1: {  	_ =	shalt  }
tec
execute0_lowered:
.L_overlay_start_1:
0x0: {  	(tag) =	ssettag $0x1  }
0x1: {  	s1 =	srdreg.scid  }
0x2: {  	s0 =	stileid.u32;
	s4 =	rddreg [dreg:$0x0];
	s2 =	simm.s32 $0x0  }
0x3: {  	s12 =	simm.s32 $0x5400;
	s13 =	simm.s32 $0x1;
	s14 =	simm.s32 $0x2  }
0x4: {  	s15 =	simm.s32 $0x3;
	s16 =	simm.s32 $0x4;
	s17 =	simm.s32 $0x0  }
0x5: {  	s3 =	sand.u32 $0x1, s1;
	s31 =	sshll.u32 s0, $0x1;
	s1 =	rddreg [dreg:$0x1]  }
0x6: {  	[smem:$0x7FF] =	sst s2;
	s8 =	smul.u32 $0x28000, s0;
	s9 =	sadd.s32 $0x2D0E00, s4  }
0x7: {  	s5 =	sor.u32 s3, s31;
	_ =	strace $0x80000056;
	s11 =	smul.u32 $0x14000, s3  }
0x8: {  	s7 =	ssub.s32 $0x2, s3;
	s3 =	sadd.s32 $0x2ABE00, s4;
	s6 =	smul.u32 $0x1400, s5  }
0x9: {  	s5 =	smul.u32 $0x14000, s5;
	s10 =	sshrl.u32 s7, $0x1;
	s8 =	sadd.s32 s8, s9  }
0xa: {  	s7 =	ssub.s32 s7, s10;
	s8 =	sadd.s32 s11, s8;
	s10 =	simm.s32 $0x80  }
0xb: {  	s11 =	simm.s32 $0x1400;
	s6 =	sshrl.u32 s6, $0x3;
	s5 =	sadd.s32 s9, s5  }
0xc: {  	s8 =	sadd.s32 $0x1800, s8;
	s9 =	simm.s32 $0x5;
	s6 =	sadd.s32 s6, s4  }
0xd: {  	s4 =	sadd.s32 $0x2CBE00, s6;
	s6 =	smax.u32 s7, $0x1;
	s7 =	sadd.s32 $0x800, s5  }
.LBB2_1:
0xe: {  	[tilespmem:s2], [sflag:$0x5] =	stream.linear.gather [hbm4b:s4+s2], $0x1400, $0x38;
	[tilespmem:$0x9400] =	vst v63  }
0xf: {  	_ =	swait.ge [sflag:s9], $0x1400  }
0x10: {  	[sflag:s9] =	ssyncset.done $0x0  }
0x11: {  	[sflag:s9] =	ssyncadd.s32 $0xFFFFEC00  }
0x12: {  	[tilespmem:s11], [sflag:$0x1] =	stream.indirect.gather [hbm4b:s3+s10], $0x80, s2, s10, $0xb8;
	[tilespmem:$0x9400] =	vst v63  }
0x13: {  	_ = 	snop  }
0x14: {  	[tilespmem:s12], [sflag:$0x2] =	stream.indirect.gather [hbm4b:s3+s10], $0x80, s10, s10, $0xb8;
	[tilespmem:$0x9400] =	vst v63  }
0x15: {  	_ =	swait.ge [sflag:s13], $0x4000  }
0x16: {  	[sflag:s13] =	ssyncset.done $0x0  }
0x17: {  	[sflag:s13] =	ssyncadd.s32 $0xFFFFC000  }
0x18: {  	[hbm4b:s5+s2] =	stream.linear.scatter [tilespmem:s11], [sflag:$0x3], $0x4000, $0x38;
	[tilespmem:$0x9400] =	vst v63  }
0x19: {  	_ =	swait.ge [sflag:s14], $0x4000  }
0x1a: {  	[sflag:s14] =	ssyncset.done $0x0  }
0x1b: {  	[sflag:s14] =	ssyncadd.s32 $0xFFFFC000  }
0x1c: {  	[hbm4b:s7+s2] =	stream.linear.scatter [tilespmem:s12], [sflag:$0x4], $0x4000, $0x38;
	[tilespmem:$0x9400] =	vst v63  }
0x1d: {  	_ =	swait.ge [sflag:s15], $0x4000  }
0x1e: {  	[sflag:s15] =	ssyncset.done $0x0  }
0x1f: {  	[sflag:s15] =	ssyncadd.s32 $0xFFFFC000  }
0x20: {  	_ =	swait.ge [sflag:s16], $0x4000  }
0x21: {  	[sflag:s16] =	ssyncset.done $0x0  }
0x22: {  	s18 =	simm.s32 $0x100;
	[sflag:s16] =	ssyncadd.s32 $0xFFFFC000  }
0x23: {  	[tilespmem:s11], [sflag:$0x1] =	stream.indirect.gather [hbm4b:s3+s10], $0x80, s18, s10, $0xb8;
	[tilespmem:$0x9400] =	vst v63  }
0x24: {  	s30 =	simm.s32 $0x180  }
0x25: {  	[tilespmem:s12], [sflag:$0x2] =	stream.indirect.gather [hbm4b:s3+s10], $0x80, s30, s10, $0xb8;
	[tilespmem:$0x9400] =	vst v63  }
0x26: {  	_ =	swait.ge [sflag:s13], $0x4000  }
0x27: {  	[sflag:s13] =	ssyncset.done $0x0  }
0x28: {  	s31 =	sadd.s32 $0xFFFFF800, s8;
	[sflag:s13] =	ssyncadd.s32 $0xFFFFC000  }
0x29: {  	[hbm4b:s31+s2] =	stream.linear.scatter [tilespmem:s11], [sflag:$0x3], $0x4000, $0x38;
	[tilespmem:$0x9400] =	vst v63  }
0x2a: {  	_ =	swait.ge [sflag:s14], $0x4000  }
0x2b: {  	s19 =	sadd.s32 $0x1000, s8;
	[sflag:s14] =	ssyncset.done $0x0  }
0x2c: {  	s20 =	smov.u32 s8;
	s18 =	simm.s32 $0x400;
	[sflag:s14] =	ssyncadd.s32 $0xFFFFC000  }
.LBB2_2:
0x2d: {  	[hbm4b:s20+s2] =	stream.linear.scatter [tilespmem:s12], [sflag:$0x4], $0x4000, $0x38;
	[tilespmem:$0x9400] =	vst v63  }
0x2e: {  	s21 =	smov.u32 s18;
	s20 =	smov.u32 s19  }
0x2f: {  	p0 =	sne.s32 s18, $0x4800;
	s18 =	sadd.s32 $0x400, s18;
	_ =	swait.ge [sflag:s15], $0x4000  }
0x30: {  	[sflag:s15] =	ssyncset.done $0x0  }
0x31: {  	[sflag:s15] =	ssyncadd.s32 $0xFFFFC000  }
0x32: {  	_ =	swait.ge [sflag:s16], $0x4000  }
0x33: {  	s21 =	sshra.s32 s21, $0x2;
	[sflag:s16] =	ssyncset.done $0x0  }
0x34: {  	s22 =	sadd.s32 $0x100, s21;
	[sflag:s16] =	ssyncadd.s32 $0xFFFFC000  }
0x35: {  	[tilespmem:s11], [sflag:$0x1] =	stream.indirect.gather [hbm4b:s3+s10], $0x80, s22, s10, $0xb8;
	[tilespmem:$0x9400] =	vst v63  }
0x36: {  	s21 =	sadd.s32 $0x180, s21  }
0x37: {  	[tilespmem:s12], [sflag:$0x2] =	stream.indirect.gather [hbm4b:s3+s10], $0x80, s21, s10, $0xb8;
	[tilespmem:$0x9400] =	vst v63  }
0x38: {  	_ =	swait.ge [sflag:s13], $0x4000  }
0x39: {  	[sflag:s13] =	ssyncset.done $0x0  }
.Ltmp0:
0x3a: {  	s21 =	sadd.s32 $0xFFFFF800, s19;
	[sflag:s13] =	ssyncadd.s32 $0xFFFFC000;
	(pc) =	sbr.rel @p0 .LBB2_2-.Ltmp0, $4  }
0x3b: {  	[hbm4b:s21+s2] =	stream.linear.scatter [tilespmem:s11], [sflag:$0x3], $0x4000, $0x38;
	[tilespmem:$0x9400] =	vst v63  }
0x3c: {  	_ =	swait.ge [sflag:s14], $0x4000  }
0x3d: {  	[sflag:s14] =	ssyncset.done $0x0  }
0x3e: {  	s19 =	sadd.s32 $0x1000, s19;
	[sflag:s14] =	ssyncadd.s32 $0xFFFFC000  }
0x3f: {  	[hbm4b:s20+s2] =	stream.linear.scatter [tilespmem:s12], [sflag:$0x4], $0x4000, $0x38;
	[tilespmem:$0x9400] =	vst v63  }
0x40: {  	s17 =	sadd.s32 $0x1, s17  }
0x41: {  	_ =	swait.ge [sflag:s15], $0x4000;
	p0 =	sne.s32 s17, s6  }
.Ltmp1:
0x42: {  	[sflag:s15] =	ssyncset.done $0x0;
	(pc) =	sbr.rel @p0 .LBB2_1-.Ltmp1, $4  }
0x43: {  	[sflag:s15] =	ssyncadd.s32 $0xFFFFC000  }
0x44: {  	_ =	swait.ge [sflag:s16], $0x4000  }
0x45: {  	[sflag:s16] =	ssyncset.done $0x0  }
0x46: {  	[sflag:s16] =	ssyncadd.s32 $0xFFFFC000  }
0x47: {  	_ =	sfence.sel $0x180000  }
0x48: {  	[bflag:$0x0] =	sbarrier.arrive $0xFFFF  }
0x49: {  	p0 =	sne.s32 s0, $0x0;
	_ =	strace $0x90000056  }
0x4a: {  	s0 =	sadd.s32 @!p0 $0x100000, s1;
	[bflag:$0x2] =	sbarrier.arrive $0xFFFF  }
0x4b: {  	[sflag:s0] =	ssyncadd.tile.s32 @!p0 $0x1;
	_ =	shalt  }
.Lfunc_end2:
_tile_overlayer_lowered:
.L_overlay_start_2:
0x4c: {  	(tag) =	ssettag $0x2  }
0x4d: {  	s0 =	rddreg [dreg:$0x0];
	s2 =	stileid.u32  }
0x4e: {  	s1 =	rddreg [dreg:$0x1];
	p0 =	sne.s32 s2, $0x0  }
0x4f: {  	s3 =	rddreg [dreg:$0x2];
	[bflag:$0x3] =	sbarrier.arrive $0xFFFF;
	s2 =	simm.s32 @!p0 $0x1C05  }
0x50: {  	[timem:s3], [sflag:s2] =	dma.local @!p0 [hbm:s0], s1  }
0x51: {  	s0 =	simm.s32 @!p0 $0x5  }
0x52: {  	_ =	swait.ge @!p0 [sflag:s0], s1  }
0x53: {  	s1 =	ssub.s32 @!p0 $0x0, s1;
	[sflag:s0] =	ssyncset.done @!p0 $0x0  }
0x54: {  	[sflag:s0] =	ssyncadd.s32 @!p0 s1  }
0x55: {  	[bflag:$0x3] =	sbarrier.arrive $0xFFFF  }
0x56: {  	_ =	shalt  }

// kernel: kernel.39.cloned.1.call-start
scs
__scs_entry_jumppad:
0x0: {  	(pc) =	sbr.rel $0x88, $3  }
0x1: {  	(tag) =	ssettag $0x0;
	lr =	simm.s32 $0x1  }
0x2: {  	[smem:$0x3F92] =	sst lr;
	_ =	strace $0xD0000000  }
0x3: {  	_ = 	snop  }
0x4: {  	_ = 	snop  }
0x5: {  	_ = 	snop  }
0x6: {  	_ = 	snop  }
0x7: {  	_ = 	snop  }
__scs_overlays_trampoline_lowered:
0x8: {  	[smem:$0x3FA1] =	sst s0  }
0x9: {  	[smem:$0x3FA2] =	sst s1  }
0xa: {  	[smem:$0x3FA3] =	sst s2  }
0xb: {  	[smem:$0x3FA4] =	sst s3  }
0xc: {  	[smem:$0x3FA5] =	sst s4  }
0xd: {  	[smem:$0x3FA6] =	sst s5  }
0xe: {  	[smem:$0x3FA7] =	sst s6  }
0xf: {  	[smem:$0x3FA8] =	sst s7  }
0x10: {  	[smem:$0x3FA9] =	sst s8  }
0x11: {  	[smem:$0x3FAA] =	sst s9;
	s0 =	simm.s32 @!p0 $0x0  }
0x12: {  	s1 =	sld [smem:$0x3F90];
	s0 =	simm.s32 @p0 $0x1  }
0x13: {  	[smem:$0x3FAB] =	sst s0;
	s0 =	simm.s32 @!p1 $0x0  }
0x14: {  	s2 =	sld [smem:$0x3F8F];
	s0 =	simm.s32 @p1 $0x1  }
0x15: {  	[smem:$0x3FAC] =	sst s0;
	s0 =	simm.s32 @!p2 $0x0  }
0x16: {  	s3 =	sld [smem:$0x3FDB];
	s0 =	simm.s32 @p2 $0x1  }
0x17: {  	s4 =	simm.s32 $0x1BF5;
	[smem:$0x3FAE] =	sst s0  }
0x18: {  	s0 =	sld [smem:$0x3F91];
	_ =	swait.ge [sflag:s4], $0x0  }
0x19: {  	s7 =	sld [smem:$0x3F92]  }
0x1a: {  	s8 =	sadd.s32 $0xFFFFE003, lr  }
0x1b: {  	s9 =	sadd.s32 $0xFFFFFEF7, lr;
	s5 =	simm.s32 $0xFFFFFFFF;
	p2 =	slt.u32 s8, $0xFFFFF086  }
0x1c: {  	p1 =	slt.u32 s9, $0xF7A;
	s5 =	simm.s32 @!p2 $0x0  }
0x1d: {  	s5 =	simm.s32 @p1 $0x1;
	p0 =	seq.s32 s7, s2  }
0x1e: {  	s7 =	smul.u32 @!p0 $0xF7A, s2;
	p2 =	seq.s32 @!p0 s5, $0x0  }
0x1f: {  	s9 =	smul.u32 $0xF7A, s1;
	s8 =	simm.s32 @!p0 $0x1BF5;
	p2 =	por !p2, p0  }
0x20: {  	[sflag:s8] =	ssyncset.s32 @!p0 $0xFFFFF086;
	s6 =	sadd.s32 @!p0 s3, s7;
	s7 =	simm.s32 @!p0 $0x108  }
0x21: {  	s3 =	sadd.s32 s3, s9;
	s6 =	sadd.s32 @!p0 $0x88, s6;
	s7 =	simm.s32 @p2 $0x1082  }
0x22: {  	[simem:s7], [sflag:s8] =	dma.local @!p0 [hbm:s6], $0xF7A  }
0x23: {  	s9 =	sor.u32 $0xD0000000, s2;
	s6 =	simm.s32 $0x108;
	_ =	swait.ge @!p0 [sflag:s8], $0x0  }
0x24: {  	s3 =	sadd.s32 $0x88, s3;
	s6 =	simm.s32 @!p1 $0x1082;
	[sflag:s4] =	ssyncset.s32 $0xFFFFF086  }
0x25: {  	[simem:s6], [sflag:s4] =	dma.local [hbm:s3], $0xF7A  }
0x26: {  	[smem:$0x3F92] =	sst s1;
	(tag) =	ssettag s2;
	_ =	strace s9  }
0x27: {  	s1 =	sld [smem:$0x3FA2]  }
0x28: {  	s2 =	sld [smem:$0x3FA3]  }
0x29: {  	s4 =	sld [smem:$0x3FA5]  }
0x2a: {  	p0 =	seq.s32 s5, $0x0;
	s5 =	sld [smem:$0x3FA6]  }
0x2b: {  	s6 =	sld [smem:$0x3FA7]  }
0x2c: {  	s7 =	sld [smem:$0x3FA8]  }
0x2d: {  	s3 =	simm.s32 $0x108;
	s8 =	sld [smem:$0x3FA9]  }
0x2e: {  	s3 =	simm.s32 @!p0 $0x1082;
	s9 =	sld [smem:$0x3FAA]  }
0x2f: {  	lr =	sadd.s32 s0, s3;
	s0 =	sld [smem:$0x3FA1]  }
0x30: {  	s3 =	sld [smem:$0x3FA4]  }
0x31: {  	[smem:$0x3FAD] =	sst s10  }
0x32: {  	s10 =	sld [smem:$0x3FAB];
	_ =	sdelay $0x3  }
0x33: {  	p0 =	seq.s32 s10, $0x1;
	s10 =	sld [smem:$0x3FAD];
	_ =	sdelay $0x3  }
0x34: {  	[smem:$0x3FAD] =	sst s10  }
0x35: {  	s10 =	sld [smem:$0x3FAC];
	_ =	sdelay $0x3  }
0x36: {  	p1 =	seq.s32 s10, $0x1;
	s10 =	sld [smem:$0x3FAD];
	_ =	sdelay $0x3  }
0x37: {  	[smem:$0x3FAD] =	sst s10  }
0x38: {  	s10 =	sld [smem:$0x3FAE]  }
0x39: {  	_ = 	snop;
	(pc) =	sbr.ind lr, $3  }
0x3a: {  	_ = 	snop  }
0x3b: {  	_ = 	snop  }
0x3c: {  	p2 =	seq.s32 s10, $0x1;
	s10 =	sld [smem:$0x3FAD]  }
0x3d: {  	_ =	shalt  }
0x3e: {  	_ =	shalt  }
0x3f: {  	_ =	shalt  }
0x40: {  	_ =	shalt  }
0x41: {  	_ =	shalt  }
0x42: {  	_ =	shalt  }
0x43: {  	_ =	shalt  }
0x44: {  	_ =	shalt  }
0x45: {  	_ =	shalt  }
0x46: {  	_ =	shalt  }
0x47: {  	_ =	shalt  }
0x48: {  	_ =	shalt  }
0x49: {  	_ =	shalt  }
0x4a: {  	_ =	shalt  }
0x4b: {  	_ =	shalt  }
0x4c: {  	_ =	shalt  }
0x4d: {  	_ =	shalt  }
0x4e: {  	_ =	shalt  }
0x4f: {  	_ =	shalt  }
0x50: {  	_ =	shalt  }
0x51: {  	_ =	shalt  }
0x52: {  	_ =	shalt  }
0x53: {  	_ =	shalt  }
0x54: {  	_ =	shalt  }
0x55: {  	_ =	shalt  }
0x56: {  	_ =	shalt  }
0x57: {  	_ =	shalt  }
0x58: {  	_ =	shalt  }
0x59: {  	_ =	shalt  }
0x5a: {  	_ =	shalt  }
0x5b: {  	_ =	shalt  }
0x5c: {  	_ =	shalt  }
0x5d: {  	_ =	shalt  }
0x5e: {  	_ =	shalt  }
0x5f: {  	_ =	shalt  }
0x60: {  	_ =	shalt  }
0x61: {  	_ =	shalt  }
0x62: {  	_ =	shalt  }
0x63: {  	_ =	shalt  }
0x64: {  	_ =	shalt  }
0x65: {  	_ =	shalt  }
0x66: {  	_ =	shalt  }
0x67: {  	_ =	shalt  }
0x68: {  	_ =	shalt  }
0x69: {  	_ =	shalt  }
0x6a: {  	_ =	shalt  }
0x6b: {  	_ =	shalt  }
0x6c: {  	_ =	shalt  }
0x6d: {  	_ =	shalt  }
0x6e: {  	_ =	shalt  }
0x6f: {  	_ =	shalt  }
0x70: {  	_ =	shalt  }
0x71: {  	_ =	shalt  }
0x72: {  	_ =	shalt  }
0x73: {  	_ =	shalt  }
0x74: {  	_ =	shalt  }
0x75: {  	_ =	shalt  }
0x76: {  	_ =	shalt  }
0x77: {  	_ =	shalt  }
0x78: {  	_ =	shalt  }
0x79: {  	_ =	shalt  }
0x7a: {  	_ =	shalt  }
0x7b: {  	_ =	shalt  }
0x7c: {  	_ =	shalt  }
0x7d: {  	_ =	shalt  }
0x7e: {  	_ =	shalt  }
0x7f: {  	_ =	shalt  }
0x80: {  	_ =	shalt  }
0x81: {  	_ =	shalt  }
0x82: {  	_ =	shalt  }
0x83: {  	_ =	shalt  }
0x84: {  	_ =	shalt  }
0x85: {  	_ =	shalt  }
0x86: {  	_ =	shalt  }
0x87: {  	_ =	shalt  }
.Lfunc_end0:
.L_simem_size_0:
called_computation.4_lowered:
.L_overlay_start_0:
0x88: {  	s2 =	sld [smem:$0x3FD9]  }
0x89: {  	s3 =	sld [smem:$0x3FFE];
	_ =	sdelay $0x1  }
0x8a: {  	s1 =	srdreg.scid  }
0x8b: {  	s0 =	sand.u32 $0x1, s1  }
0x8c: {  	s17 =	sshll.u32 s0, $0xA;
	s2 =	sadd.s32 s3, s2  }
0x8d: {  	s2 =	sadd.s32 s2, s17  }
0x8e: {  	[smem:$0x3FB9] =	sst s2  }
0x8f: {  	_ = 	snop  }
0x90: {  	(tm) =	ssettm $0x1  }
0x91: {  	s18 =	sld [smem:$0x3FFB];
	_ =	sdelay $0x3  }
0x92: {  	_ =	strace s18  }
0x93: {  	s2 =	sld [smem:$0x3FFC];
	_ =	sdelay $0x3  }
0x94: {  	_ =	strace s2  }
0x95: {  	s2 =	sld [smem:$0x3FFD];
	_ =	sdelay $0x3  }
0x96: {  	_ =	strace s2  }
0x97: {  	_ =	strace $0x8FFFFFFF  }
0x98: {  	s19 =	sld [smem:$0x3FDB];
	_ =	sdelay $0x1  }
0x99: {  	s20 =	simm.s32 $_scs_section_size  }
0x9a: {  	s4 =	simm.s32 $_size__tile_overlayer_lowered;
	s5 =	simm.s32 $_tile_overlayer_lowered  }
0x9b: {  	s6 =	simm.s32 $0x1BFF;
	s21 =	sshll.u32 s5, $0x1;
	s3 =	sadd.s32 s20, s19  }
0x9c: {  	s22 =	simm.s32 $0x0;
	s4 =	sshll.u32 s4, $0x1;
	s5 =	sadd.s32 s21, s3  }
0x9d: {  	[timem:s22], [sflag:s6] =	dma.local [hbm:s5], s4  }
0x9e: {  	_ =	swait.ge [sflag:s6], s4  }
0x9f: {  	s4 =	ssub.s32 $0x0, s4;
	[sflag:s6] =	ssyncset.done $0x0  }
0xa0: {  	[sflag:s6] =	ssyncadd.s32 s4;
	_ =	sdelay $0x1  }
0xa1: {  	s23 =	simm.s32 $0x1B8B  }
0xa2: {  	_ =	swait.ge [sflag:s23], $0x1  }
0xa3: {  	[sflag:s23] =	ssyncset.done $0x0  }
0xa4: {  	[sflag:s23] =	ssyncadd.s32 $0xFFFFFFFF  }
0xa5: {  	s4 =	sld [smem:$0x0]  }
0xa6: {  	s5 =	sand.u32 $0xFFFFFFFE, s1  }
0xa7: {  	p0 =	sne.s32 s1, s5  }
0xa8: {  	s5 =	sshll.u32 @p0 s5, $0xE  }
0xa9: {  	s5 =	sadd.s32 @p0 $0x11B8D, s5;
	s6 =	sshll.u32 @p0 s4, $0x11  }
0xaa: {  	s5 =	sor.u32 @p0 s6, s5  }
0xab: {  	[sflag:s5] =	ssyncadd.remote.s32 @p0 $0x1;
	_ =	sdelay $0x1  }
0xac: {  	s5 =	simm.s32 @p0 $0x1B8D  }
0xad: {  	_ =	swait.eq @p0 [sflag:s5], $0x1  }
0xae: {  	[sflag:s5] =	ssyncadd.s32 @p0 $0xFFFFFFFF  }
0xaf: {  	s6 =	sshll.u32 @!p0 s1, $0xE  }
0xb0: {  	s6 =	sor.u32 @!p0 $0x4000, s6;
	s5 =	simm.s32 @!p0 $0x1B8D  }
0xb1: {  	s4 =	sshll.u32 @!p0 s4, $0x11;
	s6 =	sadd.s32 @!p0 $0x11B8D, s6;
	_ =	swait.eq @!p0 [sflag:s5], $0x1  }
0xb2: {  	s4 =	sor.u32 @!p0 s4, s6;
	[sflag:s5] =	ssyncadd.s32 @!p0 $0xFFFFFFFF  }
0xb3: {  	s25 =	simm.s32 $0x1B8E;
	s24 =	sld [smem:$0x3FFE];
	[sflag:s4] =	ssyncadd.remote.s32 @!p0 $0x1  }
0xb4: {  	s26 =	simm.s32 $execute0_lowered;
	[smem:$0x3FD2] =	sst s25  }
0xb5: {  	s5 =	sshll.u32 s26, $0x1;
	_ =	strace $0x8000004C;
	[dreg:$0x1] =	wrdreg $0xFFFFFFFF  }
0xb6: {  	s28 =	simm.s32 $_size_execute0_lowered;
	s3 =	sadd.s32 s3, s5;
	[dreg:$0x0] =	wrdreg $0x0  }
0xb7: {  	s5 =	sshll.u32 s28, $0x1;
	[dreg:$0x2] =	wrdreg s3  }
0xb8: {  	[dreg:$0x3] =	wrdreg s5  }
0xb9: {  	[dreg:$0x4] =	wrdreg $0xC0  }
0xba: {  	_ =	task [dreg:s22], $0x5FFFF  }
0xbb: {  	[dreg:$0x1] =	wrdreg $0xFFFFFFFF  }
0xbc: {  	[dreg:$0x0] =	wrdreg $0x60  }
0xbd: {  	[dreg:$0x2] =	wrdreg s24  }
0xbe: {  	[dreg:$0x3] =	wrdreg $0xC  }
0xbf: {  	_ =	task.clear_ibuf [dreg:s22], $0x4FFFF;
	_ =	strace $0x9000004C  }
0xc0: {  	s29 =	simm.s32 $0xC;
	_ =	strace $0x8000004E  }
0xc1: {  	_ =	swait.ge [sflag:s29], $0x1  }
0xc2: {  	[sflag:s29] =	ssyncadd.s32 $0xFFFFFFFF  }
0xc3: {  	_ =	strace $0x9000004E  }
0xc4: {  	_ =	sfence  }
0xc5: {  	s30 =	sld [smem:$0x0];
	_ =	sdelay $0x2  }
0xc6: {  	s31 =	sshll.u32 s1, $0xD;
	s1 =	sshrl.u32 s1, $0x2  }
0xc7: {  	s4 =	sand.u32 $0x4000, s31;
	s1 =	sadd.s32 s1, s30  }
0xc8: {  	s0 =	sor.u32 s4, s0;
	s1 =	sshll.u32 s1, $0x11  }
0xc9: {  	s0 =	sor.u32 s1, s0  }
0xca: {  	s0 =	sadd.s32 $0x8F2B, s0  }
0xcb: {  	[sflag:s0] =	ssyncadd.remote.s32 $0x1  }
0xcc: {  	_ =	sfence.sel $0xFFFF  }
0xcd: {  	[dreg:$0x0] =	wrdreg $0xFFFFFFFF;
	(pc) =	sbr.abs _section_cstart, $3  }
0xce: {  	[dreg:$0x1] =	wrdreg $0xFFFFFFFF  }
0xcf: {  	_ =	task.clear_ibuf [dreg:s22], $0x2FFFF;
	_ =	strace $0x9FFFFFFF  }
0xd0: {  	(tm) =	ssettm $0x7FFFFFFF  }
0xd1: {  	_ =	shalt  }
tec
execute0_lowered:
.L_overlay_start_1:
0x0: {  	(tag) =	ssettag $0x1  }
0x1: {  	s1 =	srdreg.scid  }
0x2: {  	s0 =	stileid.u32;
	s4 =	rddreg [dreg:$0x0];
	s2 =	simm.s32 $0x0  }
0x3: {  	s12 =	simm.s32 $0x5400;
	s13 =	simm.s32 $0x1;
	s14 =	simm.s32 $0x2  }
0x4: {  	s15 =	simm.s32 $0x3;
	s16 =	simm.s32 $0x4;
	s17 =	simm.s32 $0x0  }
0x5: {  	s3 =	sand.u32 $0x1, s1;
	s31 =	sshll.u32 s0, $0x1;
	s1 =	rddreg [dreg:$0x1]  }
0x6: {  	[smem:$0x7FF] =	sst s2;
	s8 =	smul.u32 $0x28000, s0;
	s9 =	sadd.s32 $0x5D7E00, s4  }
0x7: {  	s5 =	sor.u32 s3, s31;
	_ =	strace $0x8000004D;
	s11 =	smul.u32 $0x14000, s3  }
0x8: {  	s7 =	ssub.s32 $0x2, s3;
	s3 =	sadd.s32 $0x5B2E00, s4;
	s6 =	smul.u32 $0x1400, s5  }
0x9: {  	s5 =	smul.u32 $0x14000, s5;
	s10 =	sshrl.u32 s7, $0x1;
	s8 =	sadd.s32 s8, s9  }
0xa: {  	s7 =	ssub.s32 s7, s10;
	s8 =	sadd.s32 s11, s8;
	s10 =	simm.s32 $0x80  }
0xb: {  	s11 =	simm.s32 $0x1400;
	s6 =	sshrl.u32 s6, $0x3;
	s5 =	sadd.s32 s9, s5  }
0xc: {  	s8 =	sadd.s32 $0x1800, s8;
	s9 =	simm.s32 $0x5;
	s6 =	sadd.s32 s6, s4  }
0xd: {  	s4 =	sadd.s32 $0x5D2E00, s6;
	s6 =	smax.u32 s7, $0x1;
	s7 =	sadd.s32 $0x800, s5  }
.LBB2_1:
0xe: {  	[tilespmem:s2], [sflag:$0x5] =	stream.linear.gather [hbm4b:s4+s2], $0x1400, $0x38;
	[tilespmem:$0x9400] =	vst v63  }
0xf: {  	_ =	swait.ge [sflag:s9], $0x1400  }
0x10: {  	[sflag:s9] =	ssyncset.done $0x0  }
0x11: {  	[sflag:s9] =	ssyncadd.s32 $0xFFFFEC00  }
0x12: {  	[tilespmem:s11], [sflag:$0x1] =	stream.indirect.gather [hbm4b:s3+s10], $0x80, s2, s10, $0xb8;
	[tilespmem:$0x9400] =	vst v63  }
0x13: {  	_ = 	snop  }
0x14: {  	[tilespmem:s12], [sflag:$0x2] =	stream.indirect.gather [hbm4b:s3+s10], $0x80, s10, s10, $0xb8;
	[tilespmem:$0x9400] =	vst v63  }
0x15: {  	_ =	swait.ge [sflag:s13], $0x4000  }
0x16: {  	[sflag:s13] =	ssyncset.done $0x0  }
0x17: {  	[sflag:s13] =	ssyncadd.s32 $0xFFFFC000  }
0x18: {  	[hbm4b:s5+s2] =	stream.linear.scatter [tilespmem:s11], [sflag:$0x3], $0x4000, $0x38;
	[tilespmem:$0x9400] =	vst v63  }
0x19: {  	_ =	swait.ge [sflag:s14], $0x4000  }
0x1a: {  	[sflag:s14] =	ssyncset.done $0x0  }
0x1b: {  	[sflag:s14] =	ssyncadd.s32 $0xFFFFC000  }
0x1c: {  	[hbm4b:s7+s2] =	stream.linear.scatter [tilespmem:s12], [sflag:$0x4], $0x4000, $0x38;
	[tilespmem:$0x9400] =	vst v63  }
0x1d: {  	_ =	swait.ge [sflag:s15], $0x4000  }
0x1e: {  	[sflag:s15] =	ssyncset.done $0x0  }
0x1f: {  	[sflag:s15] =	ssyncadd.s32 $0xFFFFC000  }
0x20: {  	_ =	swait.ge [sflag:s16], $0x4000  }
0x21: {  	[sflag:s16] =	ssyncset.done $0x0  }
0x22: {  	s18 =	simm.s32 $0x100;
	[sflag:s16] =	ssyncadd.s32 $0xFFFFC000  }
0x23: {  	[tilespmem:s11], [sflag:$0x1] =	stream.indirect.gather [hbm4b:s3+s10], $0x80, s18, s10, $0xb8;
	[tilespmem:$0x9400] =	vst v63  }
0x24: {  	s30 =	simm.s32 $0x180  }
0x25: {  	[tilespmem:s12], [sflag:$0x2] =	stream.indirect.gather [hbm4b:s3+s10], $0x80, s30, s10, $0xb8;
	[tilespmem:$0x9400] =	vst v63  }
0x26: {  	_ =	swait.ge [sflag:s13], $0x4000  }
0x27: {  	[sflag:s13] =	ssyncset.done $0x0  }
0x28: {  	s31 =	sadd.s32 $0xFFFFF800, s8;
	[sflag:s13] =	ssyncadd.s32 $0xFFFFC000  }
0x29: {  	[hbm4b:s31+s2] =	stream.linear.scatter [tilespmem:s11], [sflag:$0x3], $0x4000, $0x38;
	[tilespmem:$0x9400] =	vst v63  }
0x2a: {  	_ =	swait.ge [sflag:s14], $0x4000  }
0x2b: {  	s19 =	sadd.s32 $0x1000, s8;
	[sflag:s14] =	ssyncset.done $0x0  }
0x2c: {  	s20 =	smov.u32 s8;
	s18 =	simm.s32 $0x400;
	[sflag:s14] =	ssyncadd.s32 $0xFFFFC000  }
.LBB2_2:
0x2d: {  	[hbm4b:s20+s2] =	stream.linear.scatter [tilespmem:s12], [sflag:$0x4], $0x4000, $0x38;
	[tilespmem:$0x9400] =	vst v63  }
0x2e: {  	s21 =	smov.u32 s18;
	s20 =	smov.u32 s19  }
0x2f: {  	p0 =	sne.s32 s18, $0x4800;
	s18 =	sadd.s32 $0x400, s18;
	_ =	swait.ge [sflag:s15], $0x4000  }
0x30: {  	[sflag:s15] =	ssyncset.done $0x0  }
0x31: {  	[sflag:s15] =	ssyncadd.s32 $0xFFFFC000  }
0x32: {  	_ =	swait.ge [sflag:s16], $0x4000  }
0x33: {  	s21 =	sshra.s32 s21, $0x2;
	[sflag:s16] =	ssyncset.done $0x0  }
0x34: {  	s22 =	sadd.s32 $0x100, s21;
	[sflag:s16] =	ssyncadd.s32 $0xFFFFC000  }
0x35: {  	[tilespmem:s11], [sflag:$0x1] =	stream.indirect.gather [hbm4b:s3+s10], $0x80, s22, s10, $0xb8;
	[tilespmem:$0x9400] =	vst v63  }
0x36: {  	s21 =	sadd.s32 $0x180, s21  }
0x37: {  	[tilespmem:s12], [sflag:$0x2] =	stream.indirect.gather [hbm4b:s3+s10], $0x80, s21, s10, $0xb8;
	[tilespmem:$0x9400] =	vst v63  }
0x38: {  	_ =	swait.ge [sflag:s13], $0x4000  }
0x39: {  	[sflag:s13] =	ssyncset.done $0x0  }
.Ltmp0:
0x3a: {  	s21 =	sadd.s32 $0xFFFFF800, s19;
	[sflag:s13] =	ssyncadd.s32 $0xFFFFC000;
	(pc) =	sbr.rel @p0 .LBB2_2-.Ltmp0, $4  }
0x3b: {  	[hbm4b:s21+s2] =	stream.linear.scatter [tilespmem:s11], [sflag:$0x3], $0x4000, $0x38;
	[tilespmem:$0x9400] =	vst v63  }
0x3c: {  	_ =	swait.ge [sflag:s14], $0x4000  }
0x3d: {  	[sflag:s14] =	ssyncset.done $0x0  }
0x3e: {  	s19 =	sadd.s32 $0x1000, s19;
	[sflag:s14] =	ssyncadd.s32 $0xFFFFC000  }
0x3f: {  	[hbm4b:s20+s2] =	stream.linear.scatter [tilespmem:s12], [sflag:$0x4], $0x4000, $0x38;
	[tilespmem:$0x9400] =	vst v63  }
0x40: {  	s17 =	sadd.s32 $0x1, s17  }
0x41: {  	_ =	swait.ge [sflag:s15], $0x4000;
	p0 =	sne.s32 s17, s6  }
.Ltmp1:
0x42: {  	[sflag:s15] =	ssyncset.done $0x0;
	(pc) =	sbr.rel @p0 .LBB2_1-.Ltmp1, $4  }
0x43: {  	[sflag:s15] =	ssyncadd.s32 $0xFFFFC000  }
0x44: {  	_ =	swait.ge [sflag:s16], $0x4000  }
0x45: {  	[sflag:s16] =	ssyncset.done $0x0  }
0x46: {  	[sflag:s16] =	ssyncadd.s32 $0xFFFFC000  }
0x47: {  	_ =	sfence.sel $0x180000  }
0x48: {  	[bflag:$0x0] =	sbarrier.arrive $0xFFFF  }
0x49: {  	p0 =	sne.s32 s0, $0x0;
	_ =	strace $0x9000004D  }
0x4a: {  	s0 =	sadd.s32 @!p0 $0x100000, s1;
	[bflag:$0x2] =	sbarrier.arrive $0xFFFF  }
0x4b: {  	[sflag:s0] =	ssyncadd.tile.s32 @!p0 $0x1;
	_ =	shalt  }
.Lfunc_end2:
_tile_overlayer_lowered:
.L_overlay_start_2:
0x4c: {  	(tag) =	ssettag $0x2  }
0x4d: {  	s0 =	rddreg [dreg:$0x0];
	s2 =	stileid.u32  }
0x4e: {  	s1 =	rddreg [dreg:$0x1];
	p0 =	sne.s32 s2, $0x0  }
0x4f: {  	s3 =	rddreg [dreg:$0x2];
	[bflag:$0x3] =	sbarrier.arrive $0xFFFF;
	s2 =	simm.s32 @!p0 $0x1C05  }
0x50: {  	[timem:s3], [sflag:s2] =	dma.local @!p0 [hbm:s0], s1  }
0x51: {  	s0 =	simm.s32 @!p0 $0x5  }
0x52: {  	_ =	swait.ge @!p0 [sflag:s0], s1  }
0x53: {  	s1 =	ssub.s32 @!p0 $0x0, s1;
	[sflag:s0] =	ssyncset.done @!p0 $0x0  }
0x54: {  	[sflag:s0] =	ssyncadd.s32 @!p0 s1  }
0x55: {  	[bflag:$0x3] =	sbarrier.arrive $0xFFFF  }
0x56: {  	_ =	shalt  }

// kernel: kernel.42.cloned.1.call-start
scs
__scs_entry_jumppad:
0x0: {  	(pc) =	sbr.rel $0x88, $3  }
0x1: {  	(tag) =	ssettag $0x0;
	lr =	simm.s32 $0x1  }
0x2: {  	[smem:$0x3F92] =	sst lr;
	_ =	strace $0xD0000000  }
0x3: {  	_ = 	snop  }
0x4: {  	_ = 	snop  }
0x5: {  	_ = 	snop  }
0x6: {  	_ = 	snop  }
0x7: {  	_ = 	snop  }
__scs_overlays_trampoline_lowered:
0x8: {  	[smem:$0x3FA1] =	sst s0  }
0x9: {  	[smem:$0x3FA2] =	sst s1  }
0xa: {  	[smem:$0x3FA3] =	sst s2  }
0xb: {  	[smem:$0x3FA4] =	sst s3  }
0xc: {  	[smem:$0x3FA5] =	sst s4  }
0xd: {  	[smem:$0x3FA6] =	sst s5  }
0xe: {  	[smem:$0x3FA7] =	sst s6  }
0xf: {  	[smem:$0x3FA8] =	sst s7  }
0x10: {  	[smem:$0x3FA9] =	sst s8  }
0x11: {  	[smem:$0x3FAA] =	sst s9;
	s0 =	simm.s32 @!p0 $0x0  }
0x12: {  	s1 =	sld [smem:$0x3F90];
	s0 =	simm.s32 @p0 $0x1  }
0x13: {  	[smem:$0x3FAB] =	sst s0;
	s0 =	simm.s32 @!p1 $0x0  }
0x14: {  	s2 =	sld [smem:$0x3F8F];
	s0 =	simm.s32 @p1 $0x1  }
0x15: {  	[smem:$0x3FAC] =	sst s0;
	s0 =	simm.s32 @!p2 $0x0  }
0x16: {  	s3 =	sld [smem:$0x3FDB];
	s0 =	simm.s32 @p2 $0x1  }
0x17: {  	s4 =	simm.s32 $0x1BF5;
	[smem:$0x3FAE] =	sst s0  }
0x18: {  	s0 =	sld [smem:$0x3F91];
	_ =	swait.ge [sflag:s4], $0x0  }
0x19: {  	s7 =	sld [smem:$0x3F92]  }
0x1a: {  	s8 =	sadd.s32 $0xFFFFE003, lr  }
0x1b: {  	s9 =	sadd.s32 $0xFFFFFEF7, lr;
	s5 =	simm.s32 $0xFFFFFFFF;
	p2 =	slt.u32 s8, $0xFFFFF086  }
0x1c: {  	p1 =	slt.u32 s9, $0xF7A;
	s5 =	simm.s32 @!p2 $0x0  }
0x1d: {  	s5 =	simm.s32 @p1 $0x1;
	p0 =	seq.s32 s7, s2  }
0x1e: {  	s7 =	smul.u32 @!p0 $0xF7A, s2;
	p2 =	seq.s32 @!p0 s5, $0x0  }
0x1f: {  	s9 =	smul.u32 $0xF7A, s1;
	s8 =	simm.s32 @!p0 $0x1BF5;
	p2 =	por !p2, p0  }
0x20: {  	[sflag:s8] =	ssyncset.s32 @!p0 $0xFFFFF086;
	s6 =	sadd.s32 @!p0 s3, s7;
	s7 =	simm.s32 @!p0 $0x108  }
0x21: {  	s3 =	sadd.s32 s3, s9;
	s6 =	sadd.s32 @!p0 $0x88, s6;
	s7 =	simm.s32 @p2 $0x1082  }
0x22: {  	[simem:s7], [sflag:s8] =	dma.local @!p0 [hbm:s6], $0xF7A  }
0x23: {  	s9 =	sor.u32 $0xD0000000, s2;
	s6 =	simm.s32 $0x108;
	_ =	swait.ge @!p0 [sflag:s8], $0x0  }
0x24: {  	s3 =	sadd.s32 $0x88, s3;
	s6 =	simm.s32 @!p1 $0x1082;
	[sflag:s4] =	ssyncset.s32 $0xFFFFF086  }
0x25: {  	[simem:s6], [sflag:s4] =	dma.local [hbm:s3], $0xF7A  }
0x26: {  	[smem:$0x3F92] =	sst s1;
	(tag) =	ssettag s2;
	_ =	strace s9  }
0x27: {  	s1 =	sld [smem:$0x3FA2]  }
0x28: {  	s2 =	sld [smem:$0x3FA3]  }
0x29: {  	s4 =	sld [smem:$0x3FA5]  }
0x2a: {  	p0 =	seq.s32 s5, $0x0;
	s5 =	sld [smem:$0x3FA6]  }
0x2b: {  	s6 =	sld [smem:$0x3FA7]  }
0x2c: {  	s7 =	sld [smem:$0x3FA8]  }
0x2d: {  	s3 =	simm.s32 $0x108;
	s8 =	sld [smem:$0x3FA9]  }
0x2e: {  	s3 =	simm.s32 @!p0 $0x1082;
	s9 =	sld [smem:$0x3FAA]  }
0x2f: {  	lr =	sadd.s32 s0, s3;
	s0 =	sld [smem:$0x3FA1]  }
0x30: {  	s3 =	sld [smem:$0x3FA4]  }
0x31: {  	[smem:$0x3FAD] =	sst s10  }
0x32: {  	s10 =	sld [smem:$0x3FAB];
	_ =	sdelay $0x3  }
0x33: {  	p0 =	seq.s32 s10, $0x1;
	s10 =	sld [smem:$0x3FAD];
	_ =	sdelay $0x3  }
0x34: {  	[smem:$0x3FAD] =	sst s10  }
0x35: {  	s10 =	sld [smem:$0x3FAC];
	_ =	sdelay $0x3  }
0x36: {  	p1 =	seq.s32 s10, $0x1;
	s10 =	sld [smem:$0x3FAD];
	_ =	sdelay $0x3  }
0x37: {  	[smem:$0x3FAD] =	sst s10  }
0x38: {  	s10 =	sld [smem:$0x3FAE]  }
0x39: {  	_ = 	snop;
	(pc) =	sbr.ind lr, $3  }
0x3a: {  	_ = 	snop  }
0x3b: {  	_ = 	snop  }
0x3c: {  	p2 =	seq.s32 s10, $0x1;
	s10 =	sld [smem:$0x3FAD]  }
0x3d: {  	_ =	shalt  }
0x3e: {  	_ =	shalt  }
0x3f: {  	_ =	shalt  }
0x40: {  	_ =	shalt  }
0x41: {  	_ =	shalt  }
0x42: {  	_ =	shalt  }
0x43: {  	_ =	shalt  }
0x44: {  	_ =	shalt  }
0x45: {  	_ =	shalt  }
0x46: {  	_ =	shalt  }
0x47: {  	_ =	shalt  }
0x48: {  	_ =	shalt  }
0x49: {  	_ =	shalt  }
0x4a: {  	_ =	shalt  }
0x4b: {  	_ =	shalt  }
0x4c: {  	_ =	shalt  }
0x4d: {  	_ =	shalt  }
0x4e: {  	_ =	shalt  }
0x4f: {  	_ =	shalt  }
0x50: {  	_ =	shalt  }
0x51: {  	_ =	shalt  }
0x52: {  	_ =	shalt  }
0x53: {  	_ =	shalt  }
0x54: {  	_ =	shalt  }
0x55: {  	_ =	shalt  }
0x56: {  	_ =	shalt  }
0x57: {  	_ =	shalt  }
0x58: {  	_ =	shalt  }
0x59: {  	_ =	shalt  }
0x5a: {  	_ =	shalt  }
0x5b: {  	_ =	shalt  }
0x5c: {  	_ =	shalt  }
0x5d: {  	_ =	shalt  }
0x5e: {  	_ =	shalt  }
0x5f: {  	_ =	shalt  }
0x60: {  	_ =	shalt  }
0x61: {  	_ =	shalt  }
0x62: {  	_ =	shalt  }
0x63: {  	_ =	shalt  }
0x64: {  	_ =	shalt  }
0x65: {  	_ =	shalt  }
0x66: {  	_ =	shalt  }
0x67: {  	_ =	shalt  }
0x68: {  	_ =	shalt  }
0x69: {  	_ =	shalt  }
0x6a: {  	_ =	shalt  }
0x6b: {  	_ =	shalt  }
0x6c: {  	_ =	shalt  }
0x6d: {  	_ =	shalt  }
0x6e: {  	_ =	shalt  }
0x6f: {  	_ =	shalt  }
0x70: {  	_ =	shalt  }
0x71: {  	_ =	shalt  }
0x72: {  	_ =	shalt  }
0x73: {  	_ =	shalt  }
0x74: {  	_ =	shalt  }
0x75: {  	_ =	shalt  }
0x76: {  	_ =	shalt  }
0x77: {  	_ =	shalt  }
0x78: {  	_ =	shalt  }
0x79: {  	_ =	shalt  }
0x7a: {  	_ =	shalt  }
0x7b: {  	_ =	shalt  }
0x7c: {  	_ =	shalt  }
0x7d: {  	_ =	shalt  }
0x7e: {  	_ =	shalt  }
0x7f: {  	_ =	shalt  }
0x80: {  	_ =	shalt  }
0x81: {  	_ =	shalt  }
0x82: {  	_ =	shalt  }
0x83: {  	_ =	shalt  }
0x84: {  	_ =	shalt  }
0x85: {  	_ =	shalt  }
0x86: {  	_ =	shalt  }
0x87: {  	_ =	shalt  }
.Lfunc_end0:
.L_simem_size_0:
called_computation.5_lowered:
.L_overlay_start_0:
0x88: {  	s2 =	sld [smem:$0x3FD9]  }
0x89: {  	s3 =	sld [smem:$0x3FFE];
	_ =	sdelay $0x1  }
0x8a: {  	s1 =	srdreg.scid  }
0x8b: {  	s0 =	sand.u32 $0x1, s1  }
0x8c: {  	s17 =	sshll.u32 s0, $0xA;
	s2 =	sadd.s32 s3, s2  }
0x8d: {  	s2 =	sadd.s32 s2, s17  }
0x8e: {  	[smem:$0x3FB9] =	sst s2  }
0x8f: {  	_ = 	snop  }
0x90: {  	(tm) =	ssettm $0x1  }
0x91: {  	s18 =	sld [smem:$0x3FFB];
	_ =	sdelay $0x3  }
0x92: {  	_ =	strace s18  }
0x93: {  	s2 =	sld [smem:$0x3FFC];
	_ =	sdelay $0x3  }
0x94: {  	_ =	strace s2  }
0x95: {  	s2 =	sld [smem:$0x3FFD];
	_ =	sdelay $0x3  }
0x96: {  	_ =	strace s2  }
0x97: {  	_ =	strace $0x8FFFFFFF  }
0x98: {  	s19 =	sld [smem:$0x3FDB];
	_ =	sdelay $0x1  }
0x99: {  	s20 =	simm.s32 $_scs_section_size  }
0x9a: {  	s4 =	simm.s32 $_size__tile_overlayer_lowered;
	s5 =	simm.s32 $_tile_overlayer_lowered  }
0x9b: {  	s6 =	simm.s32 $0x1BFF;
	s21 =	sshll.u32 s5, $0x1;
	s3 =	sadd.s32 s20, s19  }
0x9c: {  	s22 =	simm.s32 $0x0;
	s4 =	sshll.u32 s4, $0x1;
	s5 =	sadd.s32 s21, s3  }
0x9d: {  	[timem:s22], [sflag:s6] =	dma.local [hbm:s5], s4  }
0x9e: {  	_ =	swait.ge [sflag:s6], s4  }
0x9f: {  	s4 =	ssub.s32 $0x0, s4;
	[sflag:s6] =	ssyncset.done $0x0  }
0xa0: {  	[sflag:s6] =	ssyncadd.s32 s4;
	_ =	sdelay $0x1  }
0xa1: {  	s23 =	simm.s32 $0x1B8B  }
0xa2: {  	_ =	swait.ge [sflag:s23], $0x1  }
0xa3: {  	[sflag:s23] =	ssyncset.done $0x0  }
0xa4: {  	[sflag:s23] =	ssyncadd.s32 $0xFFFFFFFF  }
0xa5: {  	s4 =	sld [smem:$0x0]  }
0xa6: {  	s5 =	sand.u32 $0xFFFFFFFE, s1  }
0xa7: {  	p0 =	sne.s32 s1, s5  }
0xa8: {  	s5 =	sshll.u32 @p0 s5, $0xE  }
0xa9: {  	s5 =	sadd.s32 @p0 $0x11B8D, s5;
	s6 =	sshll.u32 @p0 s4, $0x11  }
0xaa: {  	s5 =	sor.u32 @p0 s6, s5  }
0xab: {  	[sflag:s5] =	ssyncadd.remote.s32 @p0 $0x1;
	_ =	sdelay $0x1  }
0xac: {  	s5 =	simm.s32 @p0 $0x1B8D  }
0xad: {  	_ =	swait.eq @p0 [sflag:s5], $0x1  }
0xae: {  	[sflag:s5] =	ssyncadd.s32 @p0 $0xFFFFFFFF  }
0xaf: {  	s6 =	sshll.u32 @!p0 s1, $0xE  }
0xb0: {  	s6 =	sor.u32 @!p0 $0x4000, s6;
	s5 =	simm.s32 @!p0 $0x1B8D  }
0xb1: {  	s4 =	sshll.u32 @!p0 s4, $0x11;
	s6 =	sadd.s32 @!p0 $0x11B8D, s6;
	_ =	swait.eq @!p0 [sflag:s5], $0x1  }
0xb2: {  	s4 =	sor.u32 @!p0 s4, s6;
	[sflag:s5] =	ssyncadd.s32 @!p0 $0xFFFFFFFF  }
0xb3: {  	s25 =	simm.s32 $0x1B8E;
	s24 =	sld [smem:$0x3FFE];
	[sflag:s4] =	ssyncadd.remote.s32 @!p0 $0x1  }
0xb4: {  	s26 =	simm.s32 $execute0_lowered;
	[smem:$0x3FD2] =	sst s25  }
0xb5: {  	s5 =	sshll.u32 s26, $0x1;
	_ =	strace $0x80000058;
	[dreg:$0x1] =	wrdreg $0xFFFFFFFF  }
0xb6: {  	s28 =	simm.s32 $_size_execute0_lowered;
	s3 =	sadd.s32 s3, s5;
	[dreg:$0x0] =	wrdreg $0x0  }
0xb7: {  	s5 =	sshll.u32 s28, $0x1;
	[dreg:$0x2] =	wrdreg s3  }
0xb8: {  	[dreg:$0x3] =	wrdreg s5  }
0xb9: {  	[dreg:$0x4] =	wrdreg $0xC0  }
0xba: {  	_ =	task [dreg:s22], $0x5FFFF  }
0xbb: {  	[dreg:$0x1] =	wrdreg $0xFFFFFFFF  }
0xbc: {  	[dreg:$0x0] =	wrdreg $0x60  }
0xbd: {  	[dreg:$0x2] =	wrdreg s24  }
0xbe: {  	[dreg:$0x3] =	wrdreg $0xC  }
0xbf: {  	_ =	task.clear_ibuf [dreg:s22], $0x4FFFF;
	_ =	strace $0x90000058  }
0xc0: {  	s29 =	simm.s32 $0xC;
	_ =	strace $0x8000005A  }
0xc1: {  	_ =	swait.ge [sflag:s29], $0x1  }
0xc2: {  	[sflag:s29] =	ssyncadd.s32 $0xFFFFFFFF  }
0xc3: {  	_ =	strace $0x9000005A  }
0xc4: {  	_ =	sfence  }
0xc5: {  	s30 =	sld [smem:$0x0];
	_ =	sdelay $0x2  }
0xc6: {  	s31 =	sshll.u32 s1, $0xD;
	s1 =	sshrl.u32 s1, $0x2  }
0xc7: {  	s4 =	sand.u32 $0x4000, s31;
	s1 =	sadd.s32 s1, s30  }
0xc8: {  	s0 =	sor.u32 s4, s0;
	s1 =	sshll.u32 s1, $0x11  }
0xc9: {  	s0 =	sor.u32 s1, s0  }
0xca: {  	s0 =	sadd.s32 $0x8F2B, s0  }
0xcb: {  	[sflag:s0] =	ssyncadd.remote.s32 $0x1  }
0xcc: {  	_ =	sfence.sel $0xFFFF  }
0xcd: {  	[dreg:$0x0] =	wrdreg $0xFFFFFFFF;
	(pc) =	sbr.abs _section_cstart, $3  }
0xce: {  	[dreg:$0x1] =	wrdreg $0xFFFFFFFF  }
0xcf: {  	_ =	task.clear_ibuf [dreg:s22], $0x2FFFF;
	_ =	strace $0x9FFFFFFF  }
0xd0: {  	(tm) =	ssettm $0x7FFFFFFF  }
0xd1: {  	_ =	shalt  }
tec
execute0_lowered:
.L_overlay_start_1:
0x0: {  	(tag) =	ssettag $0x1  }
0x1: {  	s1 =	srdreg.scid  }
0x2: {  	s0 =	stileid.u32;
	s4 =	rddreg [dreg:$0x0];
	s2 =	simm.s32 $0x0  }
0x3: {  	s12 =	simm.s32 $0x5400;
	s13 =	simm.s32 $0x1;
	s14 =	simm.s32 $0x2  }
0x4: {  	s15 =	simm.s32 $0x3;
	s16 =	simm.s32 $0x4;
	s17 =	simm.s32 $0x0  }
0x5: {  	s3 =	sand.u32 $0x1, s1;
	s31 =	sshll.u32 s0, $0x1;
	s1 =	rddreg [dreg:$0x1]  }
0x6: {  	[smem:$0x7FF] =	sst s2;
	s8 =	smul.u32 $0x28000, s0;
	s9 =	sadd.s32 $0x575E00, s4  }
0x7: {  	s5 =	sor.u32 s3, s31;
	_ =	strace $0x80000059;
	s11 =	smul.u32 $0x14000, s3  }
0x8: {  	s7 =	ssub.s32 $0x2, s3;
	s3 =	sadd.s32 $0x550E00, s4;
	s6 =	smul.u32 $0x1400, s5  }
0x9: {  	s5 =	smul.u32 $0x14000, s5;
	s10 =	sshrl.u32 s7, $0x1;
	s8 =	sadd.s32 s8, s9  }
0xa: {  	s7 =	ssub.s32 s7, s10;
	s8 =	sadd.s32 s11, s8;
	s10 =	simm.s32 $0x80  }
0xb: {  	s11 =	simm.s32 $0x1400;
	s6 =	sshrl.u32 s6, $0x3;
	s5 =	sadd.s32 s9, s5  }
0xc: {  	s8 =	sadd.s32 $0x1800, s8;
	s9 =	simm.s32 $0x5;
	s6 =	sadd.s32 s6, s4  }
0xd: {  	s4 =	sadd.s32 $0x570E00, s6;
	s6 =	smax.u32 s7, $0x1;
	s7 =	sadd.s32 $0x800, s5  }
.LBB2_1:
0xe: {  	[tilespmem:s2], [sflag:$0x5] =	stream.linear.gather [hbm4b:s4+s2], $0x1400, $0x38;
	[tilespmem:$0x9400] =	vst v63  }
0xf: {  	_ =	swait.ge [sflag:s9], $0x1400  }
0x10: {  	[sflag:s9] =	ssyncset.done $0x0  }
0x11: {  	[sflag:s9] =	ssyncadd.s32 $0xFFFFEC00  }
0x12: {  	[tilespmem:s11], [sflag:$0x1] =	stream.indirect.gather [hbm4b:s3+s10], $0x80, s2, s10, $0xb8;
	[tilespmem:$0x9400] =	vst v63  }
0x13: {  	_ = 	snop  }
0x14: {  	[tilespmem:s12], [sflag:$0x2] =	stream.indirect.gather [hbm4b:s3+s10], $0x80, s10, s10, $0xb8;
	[tilespmem:$0x9400] =	vst v63  }
0x15: {  	_ =	swait.ge [sflag:s13], $0x4000  }
0x16: {  	[sflag:s13] =	ssyncset.done $0x0  }
0x17: {  	[sflag:s13] =	ssyncadd.s32 $0xFFFFC000  }
0x18: {  	[hbm4b:s5+s2] =	stream.linear.scatter [tilespmem:s11], [sflag:$0x3], $0x4000, $0x38;
	[tilespmem:$0x9400] =	vst v63  }
0x19: {  	_ =	swait.ge [sflag:s14], $0x4000  }
0x1a: {  	[sflag:s14] =	ssyncset.done $0x0  }
0x1b: {  	[sflag:s14] =	ssyncadd.s32 $0xFFFFC000  }
0x1c: {  	[hbm4b:s7+s2] =	stream.linear.scatter [tilespmem:s12], [sflag:$0x4], $0x4000, $0x38;
	[tilespmem:$0x9400] =	vst v63  }
0x1d: {  	_ =	swait.ge [sflag:s15], $0x4000  }
0x1e: {  	[sflag:s15] =	ssyncset.done $0x0  }
0x1f: {  	[sflag:s15] =	ssyncadd.s32 $0xFFFFC000  }
0x20: {  	_ =	swait.ge [sflag:s16], $0x4000  }
0x21: {  	[sflag:s16] =	ssyncset.done $0x0  }
0x22: {  	s18 =	simm.s32 $0x100;
	[sflag:s16] =	ssyncadd.s32 $0xFFFFC000  }
0x23: {  	[tilespmem:s11], [sflag:$0x1] =	stream.indirect.gather [hbm4b:s3+s10], $0x80, s18, s10, $0xb8;
	[tilespmem:$0x9400] =	vst v63  }
0x24: {  	s30 =	simm.s32 $0x180  }
0x25: {  	[tilespmem:s12], [sflag:$0x2] =	stream.indirect.gather [hbm4b:s3+s10], $0x80, s30, s10, $0xb8;
	[tilespmem:$0x9400] =	vst v63  }
0x26: {  	_ =	swait.ge [sflag:s13], $0x4000  }
0x27: {  	[sflag:s13] =	ssyncset.done $0x0  }
0x28: {  	s31 =	sadd.s32 $0xFFFFF800, s8;
	[sflag:s13] =	ssyncadd.s32 $0xFFFFC000  }
0x29: {  	[hbm4b:s31+s2] =	stream.linear.scatter [tilespmem:s11], [sflag:$0x3], $0x4000, $0x38;
	[tilespmem:$0x9400] =	vst v63  }
0x2a: {  	_ =	swait.ge [sflag:s14], $0x4000  }
0x2b: {  	s19 =	sadd.s32 $0x1000, s8;
	[sflag:s14] =	ssyncset.done $0x0  }
0x2c: {  	s20 =	smov.u32 s8;
	s18 =	simm.s32 $0x400;
	[sflag:s14] =	ssyncadd.s32 $0xFFFFC000  }
.LBB2_2:
0x2d: {  	[hbm4b:s20+s2] =	stream.linear.scatter [tilespmem:s12], [sflag:$0x4], $0x4000, $0x38;
	[tilespmem:$0x9400] =	vst v63  }
0x2e: {  	s21 =	smov.u32 s18;
	s20 =	smov.u32 s19  }
0x2f: {  	p0 =	sne.s32 s18, $0x4800;
	s18 =	sadd.s32 $0x400, s18;
	_ =	swait.ge [sflag:s15], $0x4000  }
0x30: {  	[sflag:s15] =	ssyncset.done $0x0  }
0x31: {  	[sflag:s15] =	ssyncadd.s32 $0xFFFFC000  }
0x32: {  	_ =	swait.ge [sflag:s16], $0x4000  }
0x33: {  	s21 =	sshra.s32 s21, $0x2;
	[sflag:s16] =	ssyncset.done $0x0  }
0x34: {  	s22 =	sadd.s32 $0x100, s21;
	[sflag:s16] =	ssyncadd.s32 $0xFFFFC000  }
0x35: {  	[tilespmem:s11], [sflag:$0x1] =	stream.indirect.gather [hbm4b:s3+s10], $0x80, s22, s10, $0xb8;
	[tilespmem:$0x9400] =	vst v63  }
0x36: {  	s21 =	sadd.s32 $0x180, s21  }
0x37: {  	[tilespmem:s12], [sflag:$0x2] =	stream.indirect.gather [hbm4b:s3+s10], $0x80, s21, s10, $0xb8;
	[tilespmem:$0x9400] =	vst v63  }
0x38: {  	_ =	swait.ge [sflag:s13], $0x4000  }
0x39: {  	[sflag:s13] =	ssyncset.done $0x0  }
.Ltmp0:
0x3a: {  	s21 =	sadd.s32 $0xFFFFF800, s19;
	[sflag:s13] =	ssyncadd.s32 $0xFFFFC000;
	(pc) =	sbr.rel @p0 .LBB2_2-.Ltmp0, $4  }
0x3b: {  	[hbm4b:s21+s2] =	stream.linear.scatter [tilespmem:s11], [sflag:$0x3], $0x4000, $0x38;
	[tilespmem:$0x9400] =	vst v63  }
0x3c: {  	_ =	swait.ge [sflag:s14], $0x4000  }
0x3d: {  	[sflag:s14] =	ssyncset.done $0x0  }
0x3e: {  	s19 =	sadd.s32 $0x1000, s19;
	[sflag:s14] =	ssyncadd.s32 $0xFFFFC000  }
0x3f: {  	[hbm4b:s20+s2] =	stream.linear.scatter [tilespmem:s12], [sflag:$0x4], $0x4000, $0x38;
	[tilespmem:$0x9400] =	vst v63  }
0x40: {  	s17 =	sadd.s32 $0x1, s17  }
0x41: {  	_ =	swait.ge [sflag:s15], $0x4000;
	p0 =	sne.s32 s17, s6  }
.Ltmp1:
0x42: {  	[sflag:s15] =	ssyncset.done $0x0;
	(pc) =	sbr.rel @p0 .LBB2_1-.Ltmp1, $4  }
0x43: {  	[sflag:s15] =	ssyncadd.s32 $0xFFFFC000  }
0x44: {  	_ =	swait.ge [sflag:s16], $0x4000  }
0x45: {  	[sflag:s16] =	ssyncset.done $0x0  }
0x46: {  	[sflag:s16] =	ssyncadd.s32 $0xFFFFC000  }
0x47: {  	_ =	sfence.sel $0x180000  }
0x48: {  	[bflag:$0x0] =	sbarrier.arrive $0xFFFF  }
0x49: {  	p0 =	sne.s32 s0, $0x0;
	_ =	strace $0x90000059  }
0x4a: {  	s0 =	sadd.s32 @!p0 $0x100000, s1;
	[bflag:$0x2] =	sbarrier.arrive $0xFFFF  }
0x4b: {  	[sflag:s0] =	ssyncadd.tile.s32 @!p0 $0x1;
	_ =	shalt  }
.Lfunc_end2:
_tile_overlayer_lowered:
.L_overlay_start_2:
0x4c: {  	(tag) =	ssettag $0x2  }
0x4d: {  	s0 =	rddreg [dreg:$0x0];
	s2 =	stileid.u32  }
0x4e: {  	s1 =	rddreg [dreg:$0x1];
	p0 =	sne.s32 s2, $0x0  }
0x4f: {  	s3 =	rddreg [dreg:$0x2];
	[bflag:$0x3] =	sbarrier.arrive $0xFFFF;
	s2 =	simm.s32 @!p0 $0x1C05  }
0x50: {  	[timem:s3], [sflag:s2] =	dma.local @!p0 [hbm:s0], s1  }
0x51: {  	s0 =	simm.s32 @!p0 $0x5  }
0x52: {  	_ =	swait.ge @!p0 [sflag:s0], s1  }
0x53: {  	s1 =	ssub.s32 @!p0 $0x0, s1;
	[sflag:s0] =	ssyncset.done @!p0 $0x0  }
0x54: {  	[sflag:s0] =	ssyncadd.s32 @!p0 s1  }
0x55: {  	[bflag:$0x3] =	sbarrier.arrive $0xFFFF  }
0x56: {  	_ =	shalt  }

// kernel: kernel.45.cloned.1.call-start
scs
__scs_entry_jumppad:
0x0: {  	(pc) =	sbr.rel $0x88, $3  }
0x1: {  	(tag) =	ssettag $0x0;
	lr =	simm.s32 $0x1  }
0x2: {  	[smem:$0x3F92] =	sst lr;
	_ =	strace $0xD0000000  }
0x3: {  	_ = 	snop  }
0x4: {  	_ = 	snop  }
0x5: {  	_ = 	snop  }
0x6: {  	_ = 	snop  }
0x7: {  	_ = 	snop  }
__scs_overlays_trampoline_lowered:
0x8: {  	[smem:$0x3FA1] =	sst s0  }
0x9: {  	[smem:$0x3FA2] =	sst s1  }
0xa: {  	[smem:$0x3FA3] =	sst s2  }
0xb: {  	[smem:$0x3FA4] =	sst s3  }
0xc: {  	[smem:$0x3FA5] =	sst s4  }
0xd: {  	[smem:$0x3FA6] =	sst s5  }
0xe: {  	[smem:$0x3FA7] =	sst s6  }
0xf: {  	[smem:$0x3FA8] =	sst s7  }
0x10: {  	[smem:$0x3FA9] =	sst s8  }
0x11: {  	[smem:$0x3FAA] =	sst s9;
	s0 =	simm.s32 @!p0 $0x0  }
0x12: {  	s1 =	sld [smem:$0x3F90];
	s0 =	simm.s32 @p0 $0x1  }
0x13: {  	[smem:$0x3FAB] =	sst s0;
	s0 =	simm.s32 @!p1 $0x0  }
0x14: {  	s2 =	sld [smem:$0x3F8F];
	s0 =	simm.s32 @p1 $0x1  }
0x15: {  	[smem:$0x3FAC] =	sst s0;
	s0 =	simm.s32 @!p2 $0x0  }
0x16: {  	s3 =	sld [smem:$0x3FDB];
	s0 =	simm.s32 @p2 $0x1  }
0x17: {  	s4 =	simm.s32 $0x1BF5;
	[smem:$0x3FAE] =	sst s0  }
0x18: {  	s0 =	sld [smem:$0x3F91];
	_ =	swait.ge [sflag:s4], $0x0  }
0x19: {  	s7 =	sld [smem:$0x3F92]  }
0x1a: {  	s8 =	sadd.s32 $0xFFFFE003, lr  }
0x1b: {  	s9 =	sadd.s32 $0xFFFFFEF7, lr;
	s5 =	simm.s32 $0xFFFFFFFF;
	p2 =	slt.u32 s8, $0xFFFFF086  }
0x1c: {  	p1 =	slt.u32 s9, $0xF7A;
	s5 =	simm.s32 @!p2 $0x0  }
0x1d: {  	s5 =	simm.s32 @p1 $0x1;
	p0 =	seq.s32 s7, s2  }
0x1e: {  	s7 =	smul.u32 @!p0 $0xF7A, s2;
	p2 =	seq.s32 @!p0 s5, $0x0  }
0x1f: {  	s9 =	smul.u32 $0xF7A, s1;
	s8 =	simm.s32 @!p0 $0x1BF5;
	p2 =	por !p2, p0  }
0x20: {  	[sflag:s8] =	ssyncset.s32 @!p0 $0xFFFFF086;
	s6 =	sadd.s32 @!p0 s3, s7;
	s7 =	simm.s32 @!p0 $0x108  }
0x21: {  	s3 =	sadd.s32 s3, s9;
	s6 =	sadd.s32 @!p0 $0x88, s6;
	s7 =	simm.s32 @p2 $0x1082  }
0x22: {  	[simem:s7], [sflag:s8] =	dma.local @!p0 [hbm:s6], $0xF7A  }
0x23: {  	s9 =	sor.u32 $0xD0000000, s2;
	s6 =	simm.s32 $0x108;
	_ =	swait.ge @!p0 [sflag:s8], $0x0  }
0x24: {  	s3 =	sadd.s32 $0x88, s3;
	s6 =	simm.s32 @!p1 $0x1082;
	[sflag:s4] =	ssyncset.s32 $0xFFFFF086  }
0x25: {  	[simem:s6], [sflag:s4] =	dma.local [hbm:s3], $0xF7A  }
0x26: {  	[smem:$0x3F92] =	sst s1;
	(tag) =	ssettag s2;
	_ =	strace s9  }
0x27: {  	s1 =	sld [smem:$0x3FA2]  }
0x28: {  	s2 =	sld [smem:$0x3FA3]  }
0x29: {  	s4 =	sld [smem:$0x3FA5]  }
0x2a: {  	p0 =	seq.s32 s5, $0x0;
	s5 =	sld [smem:$0x3FA6]  }
0x2b: {  	s6 =	sld [smem:$0x3FA7]  }
0x2c: {  	s7 =	sld [smem:$0x3FA8]  }
0x2d: {  	s3 =	simm.s32 $0x108;
	s8 =	sld [smem:$0x3FA9]  }
0x2e: {  	s3 =	simm.s32 @!p0 $0x1082;
	s9 =	sld [smem:$0x3FAA]  }
0x2f: {  	lr =	sadd.s32 s0, s3;
	s0 =	sld [smem:$0x3FA1]  }
0x30: {  	s3 =	sld [smem:$0x3FA4]  }
0x31: {  	[smem:$0x3FAD] =	sst s10  }
0x32: {  	s10 =	sld [smem:$0x3FAB];
	_ =	sdelay $0x3  }
0x33: {  	p0 =	seq.s32 s10, $0x1;
	s10 =	sld [smem:$0x3FAD];
	_ =	sdelay $0x3  }
0x34: {  	[smem:$0x3FAD] =	sst s10  }
0x35: {  	s10 =	sld [smem:$0x3FAC];
	_ =	sdelay $0x3  }
0x36: {  	p1 =	seq.s32 s10, $0x1;
	s10 =	sld [smem:$0x3FAD];
	_ =	sdelay $0x3  }
0x37: {  	[smem:$0x3FAD] =	sst s10  }
0x38: {  	s10 =	sld [smem:$0x3FAE]  }
0x39: {  	_ = 	snop;
	(pc) =	sbr.ind lr, $3  }
0x3a: {  	_ = 	snop  }
0x3b: {  	_ = 	snop  }
0x3c: {  	p2 =	seq.s32 s10, $0x1;
	s10 =	sld [smem:$0x3FAD]  }
0x3d: {  	_ =	shalt  }
0x3e: {  	_ =	shalt  }
0x3f: {  	_ =	shalt  }
0x40: {  	_ =	shalt  }
0x41: {  	_ =	shalt  }
0x42: {  	_ =	shalt  }
0x43: {  	_ =	shalt  }
0x44: {  	_ =	shalt  }
0x45: {  	_ =	shalt  }
0x46: {  	_ =	shalt  }
0x47: {  	_ =	shalt  }
0x48: {  	_ =	shalt  }
0x49: {  	_ =	shalt  }
0x4a: {  	_ =	shalt  }
0x4b: {  	_ =	shalt  }
0x4c: {  	_ =	shalt  }
0x4d: {  	_ =	shalt  }
0x4e: {  	_ =	shalt  }
0x4f: {  	_ =	shalt  }
0x50: {  	_ =	shalt  }
0x51: {  	_ =	shalt  }
0x52: {  	_ =	shalt  }
0x53: {  	_ =	shalt  }
0x54: {  	_ =	shalt  }
0x55: {  	_ =	shalt  }
0x56: {  	_ =	shalt  }
0x57: {  	_ =	shalt  }
0x58: {  	_ =	shalt  }
0x59: {  	_ =	shalt  }
0x5a: {  	_ =	shalt  }
0x5b: {  	_ =	shalt  }
0x5c: {  	_ =	shalt  }
0x5d: {  	_ =	shalt  }
0x5e: {  	_ =	shalt  }
0x5f: {  	_ =	shalt  }
0x60: {  	_ =	shalt  }
0x61: {  	_ =	shalt  }
0x62: {  	_ =	shalt  }
0x63: {  	_ =	shalt  }
0x64: {  	_ =	shalt  }
0x65: {  	_ =	shalt  }
0x66: {  	_ =	shalt  }
0x67: {  	_ =	shalt  }
0x68: {  	_ =	shalt  }
0x69: {  	_ =	shalt  }
0x6a: {  	_ =	shalt  }
0x6b: {  	_ =	shalt  }
0x6c: {  	_ =	shalt  }
0x6d: {  	_ =	shalt  }
0x6e: {  	_ =	shalt  }
0x6f: {  	_ =	shalt  }
0x70: {  	_ =	shalt  }
0x71: {  	_ =	shalt  }
0x72: {  	_ =	shalt  }
0x73: {  	_ =	shalt  }
0x74: {  	_ =	shalt  }
0x75: {  	_ =	shalt  }
0x76: {  	_ =	shalt  }
0x77: {  	_ =	shalt  }
0x78: {  	_ =	shalt  }
0x79: {  	_ =	shalt  }
0x7a: {  	_ =	shalt  }
0x7b: {  	_ =	shalt  }
0x7c: {  	_ =	shalt  }
0x7d: {  	_ =	shalt  }
0x7e: {  	_ =	shalt  }
0x7f: {  	_ =	shalt  }
0x80: {  	_ =	shalt  }
0x81: {  	_ =	shalt  }
0x82: {  	_ =	shalt  }
0x83: {  	_ =	shalt  }
0x84: {  	_ =	shalt  }
0x85: {  	_ =	shalt  }
0x86: {  	_ =	shalt  }
0x87: {  	_ =	shalt  }
.Lfunc_end0:
.L_simem_size_0:
called_computation.6_lowered:
.L_overlay_start_0:
0x88: {  	s2 =	sld [smem:$0x3FD9]  }
0x89: {  	s3 =	sld [smem:$0x3FFE];
	_ =	sdelay $0x1  }
0x8a: {  	s1 =	srdreg.scid  }
0x8b: {  	s0 =	sand.u32 $0x1, s1  }
0x8c: {  	s17 =	sshll.u32 s0, $0xA;
	s2 =	sadd.s32 s3, s2  }
0x8d: {  	s2 =	sadd.s32 s2, s17  }
0x8e: {  	[smem:$0x3FB9] =	sst s2  }
0x8f: {  	_ = 	snop  }
0x90: {  	(tm) =	ssettm $0x1  }
0x91: {  	s18 =	sld [smem:$0x3FFB];
	_ =	sdelay $0x3  }
0x92: {  	_ =	strace s18  }
0x93: {  	s2 =	sld [smem:$0x3FFC];
	_ =	sdelay $0x3  }
0x94: {  	_ =	strace s2  }
0x95: {  	s2 =	sld [smem:$0x3FFD];
	_ =	sdelay $0x3  }
0x96: {  	_ =	strace s2  }
0x97: {  	_ =	strace $0x8FFFFFFF  }
0x98: {  	s19 =	sld [smem:$0x3FDB];
	_ =	sdelay $0x1  }
0x99: {  	s20 =	simm.s32 $_scs_section_size  }
0x9a: {  	s4 =	simm.s32 $_size__tile_overlayer_lowered;
	s5 =	simm.s32 $_tile_overlayer_lowered  }
0x9b: {  	s6 =	simm.s32 $0x1BFF;
	s21 =	sshll.u32 s5, $0x1;
	s3 =	sadd.s32 s20, s19  }
0x9c: {  	s22 =	simm.s32 $0x0;
	s4 =	sshll.u32 s4, $0x1;
	s5 =	sadd.s32 s21, s3  }
0x9d: {  	[timem:s22], [sflag:s6] =	dma.local [hbm:s5], s4  }
0x9e: {  	_ =	swait.ge [sflag:s6], s4  }
0x9f: {  	s4 =	ssub.s32 $0x0, s4;
	[sflag:s6] =	ssyncset.done $0x0  }
0xa0: {  	[sflag:s6] =	ssyncadd.s32 s4;
	_ =	sdelay $0x1  }
0xa1: {  	s23 =	simm.s32 $0x1B8B  }
0xa2: {  	_ =	swait.ge [sflag:s23], $0x1  }
0xa3: {  	[sflag:s23] =	ssyncset.done $0x0  }
0xa4: {  	[sflag:s23] =	ssyncadd.s32 $0xFFFFFFFF  }
0xa5: {  	s4 =	sld [smem:$0x0]  }
0xa6: {  	s5 =	sand.u32 $0xFFFFFFFE, s1  }
0xa7: {  	p0 =	sne.s32 s1, s5  }
0xa8: {  	s5 =	sshll.u32 @p0 s5, $0xE  }
0xa9: {  	s5 =	sadd.s32 @p0 $0x11B8D, s5;
	s6 =	sshll.u32 @p0 s4, $0x11  }
0xaa: {  	s5 =	sor.u32 @p0 s6, s5  }
0xab: {  	[sflag:s5] =	ssyncadd.remote.s32 @p0 $0x1;
	_ =	sdelay $0x1  }
0xac: {  	s5 =	simm.s32 @p0 $0x1B8D  }
0xad: {  	_ =	swait.eq @p0 [sflag:s5], $0x1  }
0xae: {  	[sflag:s5] =	ssyncadd.s32 @p0 $0xFFFFFFFF  }
0xaf: {  	s6 =	sshll.u32 @!p0 s1, $0xE  }
0xb0: {  	s6 =	sor.u32 @!p0 $0x4000, s6;
	s5 =	simm.s32 @!p0 $0x1B8D  }
0xb1: {  	s4 =	sshll.u32 @!p0 s4, $0x11;
	s6 =	sadd.s32 @!p0 $0x11B8D, s6;
	_ =	swait.eq @!p0 [sflag:s5], $0x1  }
0xb2: {  	s4 =	sor.u32 @!p0 s4, s6;
	[sflag:s5] =	ssyncadd.s32 @!p0 $0xFFFFFFFF  }
0xb3: {  	s25 =	simm.s32 $0x1B8E;
	s24 =	sld [smem:$0x3FFE];
	[sflag:s4] =	ssyncadd.remote.s32 @!p0 $0x1  }
0xb4: {  	s26 =	simm.s32 $execute0_lowered;
	[smem:$0x3FD2] =	sst s25  }
0xb5: {  	s5 =	sshll.u32 s26, $0x1;
	_ =	strace $0x8000004F;
	[dreg:$0x1] =	wrdreg $0xFFFFFFFF  }
0xb6: {  	s28 =	simm.s32 $_size_execute0_lowered;
	s3 =	sadd.s32 s3, s5;
	[dreg:$0x0] =	wrdreg $0x0  }
0xb7: {  	s5 =	sshll.u32 s28, $0x1;
	[dreg:$0x2] =	wrdreg s3  }
0xb8: {  	[dreg:$0x3] =	wrdreg s5  }
0xb9: {  	[dreg:$0x4] =	wrdreg $0xC0  }
0xba: {  	_ =	task [dreg:s22], $0x5FFFF  }
0xbb: {  	[dreg:$0x1] =	wrdreg $0xFFFFFFFF  }
0xbc: {  	[dreg:$0x0] =	wrdreg $0x60  }
0xbd: {  	[dreg:$0x2] =	wrdreg s24  }
0xbe: {  	[dreg:$0x3] =	wrdreg $0xA  }
0xbf: {  	_ =	task.clear_ibuf [dreg:s22], $0x4FFFF;
	_ =	strace $0x9000004F  }
0xc0: {  	s29 =	simm.s32 $0xA;
	_ =	strace $0x80000051  }
0xc1: {  	_ =	swait.ge [sflag:s29], $0x1  }
0xc2: {  	[sflag:s29] =	ssyncadd.s32 $0xFFFFFFFF  }
0xc3: {  	_ =	strace $0x90000051  }
0xc4: {  	_ =	sfence  }
0xc5: {  	s30 =	sld [smem:$0x0];
	_ =	sdelay $0x2  }
0xc6: {  	s31 =	sshll.u32 s1, $0xD;
	s1 =	sshrl.u32 s1, $0x2  }
0xc7: {  	s4 =	sand.u32 $0x4000, s31;
	s1 =	sadd.s32 s1, s30  }
0xc8: {  	s0 =	sor.u32 s4, s0;
	s1 =	sshll.u32 s1, $0x11  }
0xc9: {  	s0 =	sor.u32 s1, s0  }
0xca: {  	s0 =	sadd.s32 $0x8F2B, s0  }
0xcb: {  	[sflag:s0] =	ssyncadd.remote.s32 $0x1  }
0xcc: {  	_ =	sfence.sel $0xFFFF  }
0xcd: {  	[dreg:$0x0] =	wrdreg $0xFFFFFFFF;
	(pc) =	sbr.abs _section_cstart, $3  }
0xce: {  	[dreg:$0x1] =	wrdreg $0xFFFFFFFF  }
0xcf: {  	_ =	task.clear_ibuf [dreg:s22], $0x2FFFF;
	_ =	strace $0x9FFFFFFF  }
0xd0: {  	(tm) =	ssettm $0x7FFFFFFF  }
0xd1: {  	_ =	shalt  }
tec
execute0_lowered:
.L_overlay_start_1:
0x0: {  	(tag) =	ssettag $0x1  }
0x1: {  	s1 =	srdreg.scid  }
0x2: {  	s0 =	stileid.u32;
	s4 =	rddreg [dreg:$0x0];
	s2 =	simm.s32 $0x0  }
0x3: {  	s12 =	simm.s32 $0x5400;
	s13 =	simm.s32 $0x1;
	s14 =	simm.s32 $0x2  }
0x4: {  	s15 =	simm.s32 $0x3;
	s16 =	simm.s32 $0x4;
	s17 =	simm.s32 $0x0  }
0x5: {  	s3 =	sand.u32 $0x1, s1;
	s31 =	sshll.u32 s0, $0x1;
	s1 =	rddreg [dreg:$0x1]  }
0x6: {  	[smem:$0x7FF] =	sst s2;
	s8 =	smul.u32 $0x28000, s0;
	s9 =	sadd.s32 $0x89CE00, s4  }
0x7: {  	s5 =	sor.u32 s3, s31;
	_ =	strace $0x80000050;
	s11 =	smul.u32 $0x14000, s3  }
0x8: {  	s7 =	ssub.s32 $0x2, s3;
	s3 =	sadd.s32 $0x877E00, s4;
	s6 =	smul.u32 $0x1400, s5  }
0x9: {  	s5 =	smul.u32 $0x14000, s5;
	s10 =	sshrl.u32 s7, $0x1;
	s8 =	sadd.s32 s8, s9  }
0xa: {  	s7 =	ssub.s32 s7, s10;
	s8 =	sadd.s32 s11, s8;
	s10 =	simm.s32 $0x80  }
0xb: {  	s11 =	simm.s32 $0x1400;
	s6 =	sshrl.u32 s6, $0x3;
	s5 =	sadd.s32 s9, s5  }
0xc: {  	s8 =	sadd.s32 $0x1800, s8;
	s9 =	simm.s32 $0x5;
	s6 =	sadd.s32 s6, s4  }
0xd: {  	s4 =	sadd.s32 $0x897E00, s6;
	s6 =	smax.u32 s7, $0x1;
	s7 =	sadd.s32 $0x800, s5  }
.LBB2_1:
0xe: {  	[tilespmem:s2], [sflag:$0x5] =	stream.linear.gather [hbm4b:s4+s2], $0x1400, $0x38;
	[tilespmem:$0x9400] =	vst v63  }
0xf: {  	_ =	swait.ge [sflag:s9], $0x1400  }
0x10: {  	[sflag:s9] =	ssyncset.done $0x0  }
0x11: {  	[sflag:s9] =	ssyncadd.s32 $0xFFFFEC00  }
0x12: {  	[tilespmem:s11], [sflag:$0x1] =	stream.indirect.gather [hbm4b:s3+s10], $0x80, s2, s10, $0xb8;
	[tilespmem:$0x9400] =	vst v63  }
0x13: {  	_ = 	snop  }
0x14: {  	[tilespmem:s12], [sflag:$0x2] =	stream.indirect.gather [hbm4b:s3+s10], $0x80, s10, s10, $0xb8;
	[tilespmem:$0x9400] =	vst v63  }
0x15: {  	_ =	swait.ge [sflag:s13], $0x4000  }
0x16: {  	[sflag:s13] =	ssyncset.done $0x0  }
0x17: {  	[sflag:s13] =	ssyncadd.s32 $0xFFFFC000  }
0x18: {  	[hbm4b:s5+s2] =	stream.linear.scatter [tilespmem:s11], [sflag:$0x3], $0x4000, $0x38;
	[tilespmem:$0x9400] =	vst v63  }
0x19: {  	_ =	swait.ge [sflag:s14], $0x4000  }
0x1a: {  	[sflag:s14] =	ssyncset.done $0x0  }
0x1b: {  	[sflag:s14] =	ssyncadd.s32 $0xFFFFC000  }
0x1c: {  	[hbm4b:s7+s2] =	stream.linear.scatter [tilespmem:s12], [sflag:$0x4], $0x4000, $0x38;
	[tilespmem:$0x9400] =	vst v63  }
0x1d: {  	_ =	swait.ge [sflag:s15], $0x4000  }
0x1e: {  	[sflag:s15] =	ssyncset.done $0x0  }
0x1f: {  	[sflag:s15] =	ssyncadd.s32 $0xFFFFC000  }
0x20: {  	_ =	swait.ge [sflag:s16], $0x4000  }
0x21: {  	[sflag:s16] =	ssyncset.done $0x0  }
0x22: {  	s18 =	simm.s32 $0x100;
	[sflag:s16] =	ssyncadd.s32 $0xFFFFC000  }
0x23: {  	[tilespmem:s11], [sflag:$0x1] =	stream.indirect.gather [hbm4b:s3+s10], $0x80, s18, s10, $0xb8;
	[tilespmem:$0x9400] =	vst v63  }
0x24: {  	s30 =	simm.s32 $0x180  }
0x25: {  	[tilespmem:s12], [sflag:$0x2] =	stream.indirect.gather [hbm4b:s3+s10], $0x80, s30, s10, $0xb8;
	[tilespmem:$0x9400] =	vst v63  }
0x26: {  	_ =	swait.ge [sflag:s13], $0x4000  }
0x27: {  	[sflag:s13] =	ssyncset.done $0x0  }
0x28: {  	s31 =	sadd.s32 $0xFFFFF800, s8;
	[sflag:s13] =	ssyncadd.s32 $0xFFFFC000  }
0x29: {  	[hbm4b:s31+s2] =	stream.linear.scatter [tilespmem:s11], [sflag:$0x3], $0x4000, $0x38;
	[tilespmem:$0x9400] =	vst v63  }
0x2a: {  	_ =	swait.ge [sflag:s14], $0x4000  }
0x2b: {  	s19 =	sadd.s32 $0x1000, s8;
	[sflag:s14] =	ssyncset.done $0x0  }
0x2c: {  	s20 =	smov.u32 s8;
	s18 =	simm.s32 $0x400;
	[sflag:s14] =	ssyncadd.s32 $0xFFFFC000  }
.LBB2_2:
0x2d: {  	[hbm4b:s20+s2] =	stream.linear.scatter [tilespmem:s12], [sflag:$0x4], $0x4000, $0x38;
	[tilespmem:$0x9400] =	vst v63  }
0x2e: {  	s21 =	smov.u32 s18;
	s20 =	smov.u32 s19  }
0x2f: {  	p0 =	sne.s32 s18, $0x4800;
	s18 =	sadd.s32 $0x400, s18;
	_ =	swait.ge [sflag:s15], $0x4000  }
0x30: {  	[sflag:s15] =	ssyncset.done $0x0  }
0x31: {  	[sflag:s15] =	ssyncadd.s32 $0xFFFFC000  }
0x32: {  	_ =	swait.ge [sflag:s16], $0x4000  }
0x33: {  	s21 =	sshra.s32 s21, $0x2;
	[sflag:s16] =	ssyncset.done $0x0  }
0x34: {  	s22 =	sadd.s32 $0x100, s21;
	[sflag:s16] =	ssyncadd.s32 $0xFFFFC000  }
0x35: {  	[tilespmem:s11], [sflag:$0x1] =	stream.indirect.gather [hbm4b:s3+s10], $0x80, s22, s10, $0xb8;
	[tilespmem:$0x9400] =	vst v63  }
0x36: {  	s21 =	sadd.s32 $0x180, s21  }
0x37: {  	[tilespmem:s12], [sflag:$0x2] =	stream.indirect.gather [hbm4b:s3+s10], $0x80, s21, s10, $0xb8;
	[tilespmem:$0x9400] =	vst v63  }
0x38: {  	_ =	swait.ge [sflag:s13], $0x4000  }
0x39: {  	[sflag:s13] =	ssyncset.done $0x0  }
.Ltmp0:
0x3a: {  	s21 =	sadd.s32 $0xFFFFF800, s19;
	[sflag:s13] =	ssyncadd.s32 $0xFFFFC000;
	(pc) =	sbr.rel @p0 .LBB2_2-.Ltmp0, $4  }
0x3b: {  	[hbm4b:s21+s2] =	stream.linear.scatter [tilespmem:s11], [sflag:$0x3], $0x4000, $0x38;
	[tilespmem:$0x9400] =	vst v63  }
0x3c: {  	_ =	swait.ge [sflag:s14], $0x4000  }
0x3d: {  	[sflag:s14] =	ssyncset.done $0x0  }
0x3e: {  	s19 =	sadd.s32 $0x1000, s19;
	[sflag:s14] =	ssyncadd.s32 $0xFFFFC000  }
0x3f: {  	[hbm4b:s20+s2] =	stream.linear.scatter [tilespmem:s12], [sflag:$0x4], $0x4000, $0x38;
	[tilespmem:$0x9400] =	vst v63  }
0x40: {  	s17 =	sadd.s32 $0x1, s17  }
0x41: {  	_ =	swait.ge [sflag:s15], $0x4000;
	p0 =	sne.s32 s17, s6  }
.Ltmp1:
0x42: {  	[sflag:s15] =	ssyncset.done $0x0;
	(pc) =	sbr.rel @p0 .LBB2_1-.Ltmp1, $4  }
0x43: {  	[sflag:s15] =	ssyncadd.s32 $0xFFFFC000  }
0x44: {  	_ =	swait.ge [sflag:s16], $0x4000  }
0x45: {  	[sflag:s16] =	ssyncset.done $0x0  }
0x46: {  	[sflag:s16] =	ssyncadd.s32 $0xFFFFC000  }
0x47: {  	_ =	sfence.sel $0x180000  }
0x48: {  	[bflag:$0x0] =	sbarrier.arrive $0xFFFF  }
0x49: {  	p0 =	sne.s32 s0, $0x0;
	_ =	strace $0x90000050  }
0x4a: {  	s0 =	sadd.s32 @!p0 $0x100000, s1;
	[bflag:$0x2] =	sbarrier.arrive $0xFFFF  }
0x4b: {  	[sflag:s0] =	ssyncadd.tile.s32 @!p0 $0x1;
	_ =	shalt  }
.Lfunc_end2:
_tile_overlayer_lowered:
.L_overlay_start_2:
0x4c: {  	(tag) =	ssettag $0x2  }
0x4d: {  	s0 =	rddreg [dreg:$0x0];
	s2 =	stileid.u32  }
0x4e: {  	s1 =	rddreg [dreg:$0x1];
	p0 =	sne.s32 s2, $0x0  }
0x4f: {  	s3 =	rddreg [dreg:$0x2];
	[bflag:$0x3] =	sbarrier.arrive $0xFFFF;
	s2 =	simm.s32 @!p0 $0x1C05  }
0x50: {  	[timem:s3], [sflag:s2] =	dma.local @!p0 [hbm:s0], s1  }
0x51: {  	s0 =	simm.s32 @!p0 $0x5  }
0x52: {  	_ =	swait.ge @!p0 [sflag:s0], s1  }
0x53: {  	s1 =	ssub.s32 @!p0 $0x0, s1;
	[sflag:s0] =	ssyncset.done @!p0 $0x0  }
0x54: {  	[sflag:s0] =	ssyncadd.s32 @!p0 s1  }
0x55: {  	[bflag:$0x3] =	sbarrier.arrive $0xFFFF  }
0x56: {  	_ =	shalt  }

// kernel: kernel.48.cloned.1.call-start
scs
__scs_entry_jumppad:
0x0: {  	(pc) =	sbr.rel $0x88, $3  }
0x1: {  	(tag) =	ssettag $0x0;
	lr =	simm.s32 $0x1  }
0x2: {  	[smem:$0x3F92] =	sst lr;
	_ =	strace $0xD0000000  }
0x3: {  	_ = 	snop  }
0x4: {  	_ = 	snop  }
0x5: {  	_ = 	snop  }
0x6: {  	_ = 	snop  }
0x7: {  	_ = 	snop  }
__scs_overlays_trampoline_lowered:
0x8: {  	[smem:$0x3FA1] =	sst s0  }
0x9: {  	[smem:$0x3FA2] =	sst s1  }
0xa: {  	[smem:$0x3FA3] =	sst s2  }
0xb: {  	[smem:$0x3FA4] =	sst s3  }
0xc: {  	[smem:$0x3FA5] =	sst s4  }
0xd: {  	[smem:$0x3FA6] =	sst s5  }
0xe: {  	[smem:$0x3FA7] =	sst s6  }
0xf: {  	[smem:$0x3FA8] =	sst s7  }
0x10: {  	[smem:$0x3FA9] =	sst s8  }
0x11: {  	[smem:$0x3FAA] =	sst s9;
	s0 =	simm.s32 @!p0 $0x0  }
0x12: {  	s1 =	sld [smem:$0x3F90];
	s0 =	simm.s32 @p0 $0x1  }
0x13: {  	[smem:$0x3FAB] =	sst s0;
	s0 =	simm.s32 @!p1 $0x0  }
0x14: {  	s2 =	sld [smem:$0x3F8F];
	s0 =	simm.s32 @p1 $0x1  }
0x15: {  	[smem:$0x3FAC] =	sst s0;
	s0 =	simm.s32 @!p2 $0x0  }
0x16: {  	s3 =	sld [smem:$0x3FDB];
	s0 =	simm.s32 @p2 $0x1  }
0x17: {  	s4 =	simm.s32 $0x1BF5;
	[smem:$0x3FAE] =	sst s0  }
0x18: {  	s0 =	sld [smem:$0x3F91];
	_ =	swait.ge [sflag:s4], $0x0  }
0x19: {  	s7 =	sld [smem:$0x3F92]  }
0x1a: {  	s8 =	sadd.s32 $0xFFFFE003, lr  }
0x1b: {  	s9 =	sadd.s32 $0xFFFFFEF7, lr;
	s5 =	simm.s32 $0xFFFFFFFF;
	p2 =	slt.u32 s8, $0xFFFFF086  }
0x1c: {  	p1 =	slt.u32 s9, $0xF7A;
	s5 =	simm.s32 @!p2 $0x0  }
0x1d: {  	s5 =	simm.s32 @p1 $0x1;
	p0 =	seq.s32 s7, s2  }
0x1e: {  	s7 =	smul.u32 @!p0 $0xF7A, s2;
	p2 =	seq.s32 @!p0 s5, $0x0  }
0x1f: {  	s9 =	smul.u32 $0xF7A, s1;
	s8 =	simm.s32 @!p0 $0x1BF5;
	p2 =	por !p2, p0  }
0x20: {  	[sflag:s8] =	ssyncset.s32 @!p0 $0xFFFFF086;
	s6 =	sadd.s32 @!p0 s3, s7;
	s7 =	simm.s32 @!p0 $0x108  }
0x21: {  	s3 =	sadd.s32 s3, s9;
	s6 =	sadd.s32 @!p0 $0x88, s6;
	s7 =	simm.s32 @p2 $0x1082  }
0x22: {  	[simem:s7], [sflag:s8] =	dma.local @!p0 [hbm:s6], $0xF7A  }
0x23: {  	s9 =	sor.u32 $0xD0000000, s2;
	s6 =	simm.s32 $0x108;
	_ =	swait.ge @!p0 [sflag:s8], $0x0  }
0x24: {  	s3 =	sadd.s32 $0x88, s3;
	s6 =	simm.s32 @!p1 $0x1082;
	[sflag:s4] =	ssyncset.s32 $0xFFFFF086  }
0x25: {  	[simem:s6], [sflag:s4] =	dma.local [hbm:s3], $0xF7A  }
0x26: {  	[smem:$0x3F92] =	sst s1;
	(tag) =	ssettag s2;
	_ =	strace s9  }
0x27: {  	s1 =	sld [smem:$0x3FA2]  }
0x28: {  	s2 =	sld [smem:$0x3FA3]  }
0x29: {  	s4 =	sld [smem:$0x3FA5]  }
0x2a: {  	p0 =	seq.s32 s5, $0x0;
	s5 =	sld [smem:$0x3FA6]  }
0x2b: {  	s6 =	sld [smem:$0x3FA7]  }
0x2c: {  	s7 =	sld [smem:$0x3FA8]  }
0x2d: {  	s3 =	simm.s32 $0x108;
	s8 =	sld [smem:$0x3FA9]  }
0x2e: {  	s3 =	simm.s32 @!p0 $0x1082;
	s9 =	sld [smem:$0x3FAA]  }
0x2f: {  	lr =	sadd.s32 s0, s3;
	s0 =	sld [smem:$0x3FA1]  }
0x30: {  	s3 =	sld [smem:$0x3FA4]  }
0x31: {  	[smem:$0x3FAD] =	sst s10  }
0x32: {  	s10 =	sld [smem:$0x3FAB];
	_ =	sdelay $0x3  }
0x33: {  	p0 =	seq.s32 s10, $0x1;
	s10 =	sld [smem:$0x3FAD];
	_ =	sdelay $0x3  }
0x34: {  	[smem:$0x3FAD] =	sst s10  }
0x35: {  	s10 =	sld [smem:$0x3FAC];
	_ =	sdelay $0x3  }
0x36: {  	p1 =	seq.s32 s10, $0x1;
	s10 =	sld [smem:$0x3FAD];
	_ =	sdelay $0x3  }
0x37: {  	[smem:$0x3FAD] =	sst s10  }
0x38: {  	s10 =	sld [smem:$0x3FAE]  }
0x39: {  	_ = 	snop;
	(pc) =	sbr.ind lr, $3  }
0x3a: {  	_ = 	snop  }
0x3b: {  	_ = 	snop  }
0x3c: {  	p2 =	seq.s32 s10, $0x1;
	s10 =	sld [smem:$0x3FAD]  }
0x3d: {  	_ =	shalt  }
0x3e: {  	_ =	shalt  }
0x3f: {  	_ =	shalt  }
0x40: {  	_ =	shalt  }
0x41: {  	_ =	shalt  }
0x42: {  	_ =	shalt  }
0x43: {  	_ =	shalt  }
0x44: {  	_ =	shalt  }
0x45: {  	_ =	shalt  }
0x46: {  	_ =	shalt  }
0x47: {  	_ =	shalt  }
0x48: {  	_ =	shalt  }
0x49: {  	_ =	shalt  }
0x4a: {  	_ =	shalt  }
0x4b: {  	_ =	shalt  }
0x4c: {  	_ =	shalt  }
0x4d: {  	_ =	shalt  }
0x4e: {  	_ =	shalt  }
0x4f: {  	_ =	shalt  }
0x50: {  	_ =	shalt  }
0x51: {  	_ =	shalt  }
0x52: {  	_ =	shalt  }
0x53: {  	_ =	shalt  }
0x54: {  	_ =	shalt  }
0x55: {  	_ =	shalt  }
0x56: {  	_ =	shalt  }
0x57: {  	_ =	shalt  }
0x58: {  	_ =	shalt  }
0x59: {  	_ =	shalt  }
0x5a: {  	_ =	shalt  }
0x5b: {  	_ =	shalt  }
0x5c: {  	_ =	shalt  }
0x5d: {  	_ =	shalt  }
0x5e: {  	_ =	shalt  }
0x5f: {  	_ =	shalt  }
0x60: {  	_ =	shalt  }
0x61: {  	_ =	shalt  }
0x62: {  	_ =	shalt  }
0x63: {  	_ =	shalt  }
0x64: {  	_ =	shalt  }
0x65: {  	_ =	shalt  }
0x66: {  	_ =	shalt  }
0x67: {  	_ =	shalt  }
0x68: {  	_ =	shalt  }
0x69: {  	_ =	shalt  }
0x6a: {  	_ =	shalt  }
0x6b: {  	_ =	shalt  }
0x6c: {  	_ =	shalt  }
0x6d: {  	_ =	shalt  }
0x6e: {  	_ =	shalt  }
0x6f: {  	_ =	shalt  }
0x70: {  	_ =	shalt  }
0x71: {  	_ =	shalt  }
0x72: {  	_ =	shalt  }
0x73: {  	_ =	shalt  }
0x74: {  	_ =	shalt  }
0x75: {  	_ =	shalt  }
0x76: {  	_ =	shalt  }
0x77: {  	_ =	shalt  }
0x78: {  	_ =	shalt  }
0x79: {  	_ =	shalt  }
0x7a: {  	_ =	shalt  }
0x7b: {  	_ =	shalt  }
0x7c: {  	_ =	shalt  }
0x7d: {  	_ =	shalt  }
0x7e: {  	_ =	shalt  }
0x7f: {  	_ =	shalt  }
0x80: {  	_ =	shalt  }
0x81: {  	_ =	shalt  }
0x82: {  	_ =	shalt  }
0x83: {  	_ =	shalt  }
0x84: {  	_ =	shalt  }
0x85: {  	_ =	shalt  }
0x86: {  	_ =	shalt  }
0x87: {  	_ =	shalt  }
.Lfunc_end0:
.L_simem_size_0:
called_computation.7_lowered:
.L_overlay_start_0:
0x88: {  	s2 =	sld [smem:$0x3FD9]  }
0x89: {  	s3 =	sld [smem:$0x3FFE];
	_ =	sdelay $0x1  }
0x8a: {  	s1 =	srdreg.scid  }
0x8b: {  	s0 =	sand.u32 $0x1, s1  }
0x8c: {  	s17 =	sshll.u32 s0, $0xA;
	s2 =	sadd.s32 s3, s2  }
0x8d: {  	s2 =	sadd.s32 s2, s17  }
0x8e: {  	[smem:$0x3FB9] =	sst s2  }
0x8f: {  	_ = 	snop  }
0x90: {  	(tm) =	ssettm $0x1  }
0x91: {  	s18 =	sld [smem:$0x3FFB];
	_ =	sdelay $0x3  }
0x92: {  	_ =	strace s18  }
0x93: {  	s2 =	sld [smem:$0x3FFC];
	_ =	sdelay $0x3  }
0x94: {  	_ =	strace s2  }
0x95: {  	s2 =	sld [smem:$0x3FFD];
	_ =	sdelay $0x3  }
0x96: {  	_ =	strace s2  }
0x97: {  	_ =	strace $0x8FFFFFFF  }
0x98: {  	s19 =	sld [smem:$0x3FDB];
	_ =	sdelay $0x1  }
0x99: {  	s20 =	simm.s32 $_scs_section_size  }
0x9a: {  	s4 =	simm.s32 $_size__tile_overlayer_lowered;
	s5 =	simm.s32 $_tile_overlayer_lowered  }
0x9b: {  	s6 =	simm.s32 $0x1BFF;
	s21 =	sshll.u32 s5, $0x1;
	s3 =	sadd.s32 s20, s19  }
0x9c: {  	s22 =	simm.s32 $0x0;
	s4 =	sshll.u32 s4, $0x1;
	s5 =	sadd.s32 s21, s3  }
0x9d: {  	[timem:s22], [sflag:s6] =	dma.local [hbm:s5], s4  }
0x9e: {  	_ =	swait.ge [sflag:s6], s4  }
0x9f: {  	s4 =	ssub.s32 $0x0, s4;
	[sflag:s6] =	ssyncset.done $0x0  }
0xa0: {  	[sflag:s6] =	ssyncadd.s32 s4;
	_ =	sdelay $0x1  }
0xa1: {  	s23 =	simm.s32 $0x1B8B  }
0xa2: {  	_ =	swait.ge [sflag:s23], $0x1  }
0xa3: {  	[sflag:s23] =	ssyncset.done $0x0  }
0xa4: {  	[sflag:s23] =	ssyncadd.s32 $0xFFFFFFFF  }
0xa5: {  	s4 =	sld [smem:$0x0]  }
0xa6: {  	s5 =	sand.u32 $0xFFFFFFFE, s1  }
0xa7: {  	p0 =	sne.s32 s1, s5  }
0xa8: {  	s5 =	sshll.u32 @p0 s5, $0xE  }
0xa9: {  	s5 =	sadd.s32 @p0 $0x11B8D, s5;
	s6 =	sshll.u32 @p0 s4, $0x11  }
0xaa: {  	s5 =	sor.u32 @p0 s6, s5  }
0xab: {  	[sflag:s5] =	ssyncadd.remote.s32 @p0 $0x1;
	_ =	sdelay $0x1  }
0xac: {  	s5 =	simm.s32 @p0 $0x1B8D  }
0xad: {  	_ =	swait.eq @p0 [sflag:s5], $0x1  }
0xae: {  	[sflag:s5] =	ssyncadd.s32 @p0 $0xFFFFFFFF  }
0xaf: {  	s6 =	sshll.u32 @!p0 s1, $0xE  }
0xb0: {  	s6 =	sor.u32 @!p0 $0x4000, s6;
	s5 =	simm.s32 @!p0 $0x1B8D  }
0xb1: {  	s4 =	sshll.u32 @!p0 s4, $0x11;
	s6 =	sadd.s32 @!p0 $0x11B8D, s6;
	_ =	swait.eq @!p0 [sflag:s5], $0x1  }
0xb2: {  	s4 =	sor.u32 @!p0 s4, s6;
	[sflag:s5] =	ssyncadd.s32 @!p0 $0xFFFFFFFF  }
0xb3: {  	s25 =	simm.s32 $0x1B8E;
	s24 =	sld [smem:$0x3FFE];
	[sflag:s4] =	ssyncadd.remote.s32 @!p0 $0x1  }
0xb4: {  	s26 =	simm.s32 $execute0_lowered;
	[smem:$0x3FD2] =	sst s25  }
0xb5: {  	s5 =	sshll.u32 s26, $0x1;
	_ =	strace $0x8000005B;
	[dreg:$0x1] =	wrdreg $0xFFFFFFFF  }
0xb6: {  	s28 =	simm.s32 $_size_execute0_lowered;
	s3 =	sadd.s32 s3, s5;
	[dreg:$0x0] =	wrdreg $0x0  }
0xb7: {  	s5 =	sshll.u32 s28, $0x1;
	[dreg:$0x2] =	wrdreg s3  }
0xb8: {  	[dreg:$0x3] =	wrdreg s5  }
0xb9: {  	[dreg:$0x4] =	wrdreg $0xC0  }
0xba: {  	_ =	task [dreg:s22], $0x5FFFF  }
0xbb: {  	[dreg:$0x1] =	wrdreg $0xFFFFFFFF  }
0xbc: {  	[dreg:$0x0] =	wrdreg $0x60  }
0xbd: {  	[dreg:$0x2] =	wrdreg s24  }
0xbe: {  	[dreg:$0x3] =	wrdreg $0xA  }
0xbf: {  	_ =	task.clear_ibuf [dreg:s22], $0x4FFFF;
	_ =	strace $0x9000005B  }
0xc0: {  	s29 =	simm.s32 $0xA;
	_ =	strace $0x8000005D  }
0xc1: {  	_ =	swait.ge [sflag:s29], $0x1  }
0xc2: {  	[sflag:s29] =	ssyncadd.s32 $0xFFFFFFFF  }
0xc3: {  	_ =	strace $0x9000005D  }
0xc4: {  	_ =	sfence  }
0xc5: {  	s30 =	sld [smem:$0x0];
	_ =	sdelay $0x2  }
0xc6: {  	s31 =	sshll.u32 s1, $0xD;
	s1 =	sshrl.u32 s1, $0x2  }
0xc7: {  	s4 =	sand.u32 $0x4000, s31;
	s1 =	sadd.s32 s1, s30  }
0xc8: {  	s0 =	sor.u32 s4, s0;
	s1 =	sshll.u32 s1, $0x11  }
0xc9: {  	s0 =	sor.u32 s1, s0  }
0xca: {  	s0 =	sadd.s32 $0x8F2B, s0  }
0xcb: {  	[sflag:s0] =	ssyncadd.remote.s32 $0x1  }
0xcc: {  	_ =	sfence.sel $0xFFFF  }
0xcd: {  	[dreg:$0x0] =	wrdreg $0xFFFFFFFF;
	(pc) =	sbr.abs _section_cstart, $3  }
0xce: {  	[dreg:$0x1] =	wrdreg $0xFFFFFFFF  }
0xcf: {  	_ =	task.clear_ibuf [dreg:s22], $0x2FFFF;
	_ =	strace $0x9FFFFFFF  }
0xd0: {  	(tm) =	ssettm $0x7FFFFFFF  }
0xd1: {  	_ =	shalt  }
tec
execute0_lowered:
.L_overlay_start_1:
0x0: {  	(tag) =	ssettag $0x1  }
0x1: {  	s1 =	srdreg.scid  }
0x2: {  	s0 =	stileid.u32;
	s4 =	rddreg [dreg:$0x0];
	s2 =	simm.s32 $0x0  }
0x3: {  	s12 =	simm.s32 $0x5400;
	s13 =	simm.s32 $0x1;
	s14 =	simm.s32 $0x2  }
0x4: {  	s15 =	simm.s32 $0x3;
	s16 =	simm.s32 $0x4;
	s17 =	simm.s32 $0x0  }
0x5: {  	s3 =	sand.u32 $0x1, s1;
	s31 =	sshll.u32 s0, $0x1;
	s1 =	rddreg [dreg:$0x1]  }
0x6: {  	[smem:$0x7FF] =	sst s2;
	s8 =	smul.u32 $0x28000, s0;
	s9 =	sadd.s32 $0x81AE00, s4  }
0x7: {  	s5 =	sor.u32 s3, s31;
	_ =	strace $0x8000005C;
	s11 =	smul.u32 $0x14000, s3  }
0x8: {  	s7 =	ssub.s32 $0x2, s3;
	s3 =	sadd.s32 $0x7F5E00, s4;
	s6 =	smul.u32 $0x1400, s5  }
0x9: {  	s5 =	smul.u32 $0x14000, s5;
	s10 =	sshrl.u32 s7, $0x1;
	s8 =	sadd.s32 s8, s9  }
0xa: {  	s7 =	ssub.s32 s7, s10;
	s8 =	sadd.s32 s11, s8;
	s10 =	simm.s32 $0x80  }
0xb: {  	s11 =	simm.s32 $0x1400;
	s6 =	sshrl.u32 s6, $0x3;
	s5 =	sadd.s32 s9, s5  }
0xc: {  	s8 =	sadd.s32 $0x1800, s8;
	s9 =	simm.s32 $0x5;
	s6 =	sadd.s32 s6, s4  }
0xd: {  	s4 =	sadd.s32 $0x815E00, s6;
	s6 =	smax.u32 s7, $0x1;
	s7 =	sadd.s32 $0x800, s5  }
.LBB2_1:
0xe: {  	[tilespmem:s2], [sflag:$0x5] =	stream.linear.gather [hbm4b:s4+s2], $0x1400, $0x38;
	[tilespmem:$0x9400] =	vst v63  }
0xf: {  	_ =	swait.ge [sflag:s9], $0x1400  }
0x10: {  	[sflag:s9] =	ssyncset.done $0x0  }
0x11: {  	[sflag:s9] =	ssyncadd.s32 $0xFFFFEC00  }
0x12: {  	[tilespmem:s11], [sflag:$0x1] =	stream.indirect.gather [hbm4b:s3+s10], $0x80, s2, s10, $0xb8;
	[tilespmem:$0x9400] =	vst v63  }
0x13: {  	_ = 	snop  }
0x14: {  	[tilespmem:s12], [sflag:$0x2] =	stream.indirect.gather [hbm4b:s3+s10], $0x80, s10, s10, $0xb8;
	[tilespmem:$0x9400] =	vst v63  }
0x15: {  	_ =	swait.ge [sflag:s13], $0x4000  }
0x16: {  	[sflag:s13] =	ssyncset.done $0x0  }
0x17: {  	[sflag:s13] =	ssyncadd.s32 $0xFFFFC000  }
0x18: {  	[hbm4b:s5+s2] =	stream.linear.scatter [tilespmem:s11], [sflag:$0x3], $0x4000, $0x38;
	[tilespmem:$0x9400] =	vst v63  }
0x19: {  	_ =	swait.ge [sflag:s14], $0x4000  }
0x1a: {  	[sflag:s14] =	ssyncset.done $0x0  }
0x1b: {  	[sflag:s14] =	ssyncadd.s32 $0xFFFFC000  }
0x1c: {  	[hbm4b:s7+s2] =	stream.linear.scatter [tilespmem:s12], [sflag:$0x4], $0x4000, $0x38;
	[tilespmem:$0x9400] =	vst v63  }
0x1d: {  	_ =	swait.ge [sflag:s15], $0x4000  }
0x1e: {  	[sflag:s15] =	ssyncset.done $0x0  }
0x1f: {  	[sflag:s15] =	ssyncadd.s32 $0xFFFFC000  }
0x20: {  	_ =	swait.ge [sflag:s16], $0x4000  }
0x21: {  	[sflag:s16] =	ssyncset.done $0x0  }
0x22: {  	s18 =	simm.s32 $0x100;
	[sflag:s16] =	ssyncadd.s32 $0xFFFFC000  }
0x23: {  	[tilespmem:s11], [sflag:$0x1] =	stream.indirect.gather [hbm4b:s3+s10], $0x80, s18, s10, $0xb8;
	[tilespmem:$0x9400] =	vst v63  }
0x24: {  	s30 =	simm.s32 $0x180  }
0x25: {  	[tilespmem:s12], [sflag:$0x2] =	stream.indirect.gather [hbm4b:s3+s10], $0x80, s30, s10, $0xb8;
	[tilespmem:$0x9400] =	vst v63  }
0x26: {  	_ =	swait.ge [sflag:s13], $0x4000  }
0x27: {  	[sflag:s13] =	ssyncset.done $0x0  }
0x28: {  	s31 =	sadd.s32 $0xFFFFF800, s8;
	[sflag:s13] =	ssyncadd.s32 $0xFFFFC000  }
0x29: {  	[hbm4b:s31+s2] =	stream.linear.scatter [tilespmem:s11], [sflag:$0x3], $0x4000, $0x38;
	[tilespmem:$0x9400] =	vst v63  }
0x2a: {  	_ =	swait.ge [sflag:s14], $0x4000  }
0x2b: {  	s19 =	sadd.s32 $0x1000, s8;
	[sflag:s14] =	ssyncset.done $0x0  }
0x2c: {  	s20 =	smov.u32 s8;
	s18 =	simm.s32 $0x400;
	[sflag:s14] =	ssyncadd.s32 $0xFFFFC000  }
.LBB2_2:
0x2d: {  	[hbm4b:s20+s2] =	stream.linear.scatter [tilespmem:s12], [sflag:$0x4], $0x4000, $0x38;
	[tilespmem:$0x9400] =	vst v63  }
0x2e: {  	s21 =	smov.u32 s18;
	s20 =	smov.u32 s19  }
0x2f: {  	p0 =	sne.s32 s18, $0x4800;
	s18 =	sadd.s32 $0x400, s18;
	_ =	swait.ge [sflag:s15], $0x4000  }
0x30: {  	[sflag:s15] =	ssyncset.done $0x0  }
0x31: {  	[sflag:s15] =	ssyncadd.s32 $0xFFFFC000  }
0x32: {  	_ =	swait.ge [sflag:s16], $0x4000  }
0x33: {  	s21 =	sshra.s32 s21, $0x2;
	[sflag:s16] =	ssyncset.done $0x0  }
0x34: {  	s22 =	sadd.s32 $0x100, s21;
	[sflag:s16] =	ssyncadd.s32 $0xFFFFC000  }
0x35: {  	[tilespmem:s11], [sflag:$0x1] =	stream.indirect.gather [hbm4b:s3+s10], $0x80, s22, s10, $0xb8;
	[tilespmem:$0x9400] =	vst v63  }
0x36: {  	s21 =	sadd.s32 $0x180, s21  }
0x37: {  	[tilespmem:s12], [sflag:$0x2] =	stream.indirect.gather [hbm4b:s3+s10], $0x80, s21, s10, $0xb8;
	[tilespmem:$0x9400] =	vst v63  }
0x38: {  	_ =	swait.ge [sflag:s13], $0x4000  }
0x39: {  	[sflag:s13] =	ssyncset.done $0x0  }
.Ltmp0:
0x3a: {  	s21 =	sadd.s32 $0xFFFFF800, s19;
	[sflag:s13] =	ssyncadd.s32 $0xFFFFC000;
	(pc) =	sbr.rel @p0 .LBB2_2-.Ltmp0, $4  }
0x3b: {  	[hbm4b:s21+s2] =	stream.linear.scatter [tilespmem:s11], [sflag:$0x3], $0x4000, $0x38;
	[tilespmem:$0x9400] =	vst v63  }
0x3c: {  	_ =	swait.ge [sflag:s14], $0x4000  }
0x3d: {  	[sflag:s14] =	ssyncset.done $0x0  }
0x3e: {  	s19 =	sadd.s32 $0x1000, s19;
	[sflag:s14] =	ssyncadd.s32 $0xFFFFC000  }
0x3f: {  	[hbm4b:s20+s2] =	stream.linear.scatter [tilespmem:s12], [sflag:$0x4], $0x4000, $0x38;
	[tilespmem:$0x9400] =	vst v63  }
0x40: {  	s17 =	sadd.s32 $0x1, s17  }
0x41: {  	_ =	swait.ge [sflag:s15], $0x4000;
	p0 =	sne.s32 s17, s6  }
.Ltmp1:
0x42: {  	[sflag:s15] =	ssyncset.done $0x0;
	(pc) =	sbr.rel @p0 .LBB2_1-.Ltmp1, $4  }
0x43: {  	[sflag:s15] =	ssyncadd.s32 $0xFFFFC000  }
0x44: {  	_ =	swait.ge [sflag:s16], $0x4000  }
0x45: {  	[sflag:s16] =	ssyncset.done $0x0  }
0x46: {  	[sflag:s16] =	ssyncadd.s32 $0xFFFFC000  }
0x47: {  	_ =	sfence.sel $0x180000  }
0x48: {  	[bflag:$0x0] =	sbarrier.arrive $0xFFFF  }
0x49: {  	p0 =	sne.s32 s0, $0x0;
	_ =	strace $0x9000005C  }
0x4a: {  	s0 =	sadd.s32 @!p0 $0x100000, s1;
	[bflag:$0x2] =	sbarrier.arrive $0xFFFF  }
0x4b: {  	[sflag:s0] =	ssyncadd.tile.s32 @!p0 $0x1;
	_ =	shalt  }
.Lfunc_end2:
_tile_overlayer_lowered:
.L_overlay_start_2:
0x4c: {  	(tag) =	ssettag $0x2  }
0x4d: {  	s0 =	rddreg [dreg:$0x0];
	s2 =	stileid.u32  }
0x4e: {  	s1 =	rddreg [dreg:$0x1];
	p0 =	sne.s32 s2, $0x0  }
0x4f: {  	s3 =	rddreg [dreg:$0x2];
	[bflag:$0x3] =	sbarrier.arrive $0xFFFF;
	s2 =	simm.s32 @!p0 $0x1C05  }
0x50: {  	[timem:s3], [sflag:s2] =	dma.local @!p0 [hbm:s0], s1  }
0x51: {  	s0 =	simm.s32 @!p0 $0x5  }
0x52: {  	_ =	swait.ge @!p0 [sflag:s0], s1  }
0x53: {  	s1 =	ssub.s32 @!p0 $0x0, s1;
	[sflag:s0] =	ssyncset.done @!p0 $0x0  }
0x54: {  	[sflag:s0] =	ssyncadd.s32 @!p0 s1  }
0x55: {  	[bflag:$0x3] =	sbarrier.arrive $0xFFFF  }
0x56: {  	_ =	shalt  }

</sc_bundles>
